<compile_context>
chip_gen: v7x
topology: tpu7x:2x2x1
jax: 0.10.2.dev20260603
libtpu: 0.0.44.dev20260713+nightly
codegen_flags: <defaults>
</compile_context>

<pallas_src>
import jax
import jax.numpy as jnp
from jax import lax
from jax.experimental import pallas as pl
from jax.experimental.pallas import tpu as pltpu
from jax.experimental.pallas import tpu_sc as plsc

N = 10000
E = 320000
D = 32
DE = 16
H = 64
K = 4

NC = 2
NS = 16
NPAD = 10240
ROWS_PER_SUB = NPAD // NS
ACC_W = 128
TW = 128
EB = 80
EDGES_PER_SUB = E // NS
NBATCH = EDGES_PER_SUB // EB


def _sc_body(tbl, srcA, dstA, eaA, q2A, out,
             idx0, dst0, ea0, q20, g0, c0, ds0,
             idx1, dst1, ea1, q21, g1, c1, ds1,
             acc, sl0, sg0, ss0, sl1, sg1, ss1):
    c = lax.axis_index("c")
    s = lax.axis_index("s")
    set0 = (idx0, dst0, ea0, q20, g0, c0, ds0, sl0, sg0, ss0)
    set1 = (idx1, dst1, ea1, q21, g1, c1, ds1, sl1, sg1, ss1)

    zf = jnp.zeros((16,), jnp.float32)
    zi = jnp.zeros((16,), jnp.int32)

    def zrow_body(i, cc):
        for col in range(0, ACC_W, 16):
            c0[i, pl.ds(col, 16)] = zf
            c1[i, pl.ds(col, 16)] = zf
        return cc

    lax.fori_loop(0, EB, zrow_body, 0)
    for j in range(EB // 16):
        ds0[pl.ds(j * 16, 16)] = zi
        ds1[pl.ds(j * 16, 16)] = zi
    rbase = s * ROWS_PER_SUB
    for i in range(ROWS_PER_SUB // EB):
        pltpu.sync_copy(c0, acc.at[pl.ds(rbase + i * EB, EB)])
    plsc.subcore_barrier()

    ebase = s * EDGES_PER_SUB

    def issue_linear(b, S):
        idx_v, dst_v, ea_v, q2_v = S[0], S[1], S[2], S[3]
        sem_l = S[7]
        base = ebase + b * EB
        pltpu.async_copy(srcA.at[pl.ds(base, EB)], idx_v, sem_l)
        pltpu.async_copy(dstA.at[pl.ds(base, EB)], dst_v, sem_l)
        pltpu.async_copy(eaA.at[pl.ds(base, EB)], ea_v, sem_l)
        qbase = s * (EDGES_PER_SUB // 8) + b * (EB // 8)
        pltpu.async_copy(q2A.at[c, pl.ds(qbase, EB // 8)], q2_v, sem_l)

    def wait_linear(S):
        idx_v, dst_v, ea_v, q2_v = S[0], S[1], S[2], S[3]
        sem_l = S[7]
        pltpu.make_async_copy(srcA.at[pl.ds(0, EB)], idx_v, sem_l).wait()
        pltpu.make_async_copy(dstA.at[pl.ds(0, EB)], dst_v, sem_l).wait()
        pltpu.make_async_copy(eaA.at[pl.ds(0, EB)], ea_v, sem_l).wait()
        pltpu.make_async_copy(q2A.at[c, pl.ds(0, EB // 8)], q2_v,
                              sem_l).wait()

    def shift_and_gather(S):
        idx_v, g_v, sem_g = S[0], S[4], S[8]
        coff_v = jnp.full((16,), c * N, jnp.int32)
        for j in range(EB // 16):
            sl = pl.ds(j * 16, 16)
            idx_v[sl] = idx_v[sl] + coff_v
        pltpu.async_copy(tbl.at[idx_v], g_v, sem_g)

    def wait_gather(S):
        idx_v, g_v, sem_g = S[0], S[4], S[8]
        pltpu.make_async_copy(tbl.at[idx_v], g_v, sem_g).wait()

    def drain_scatter(S):
        c_v, dstS, sem_s = S[5], S[6], S[9]
        pltpu.make_async_copy(c_v, acc.at[dstS], sem_s).wait()

    def start_scatter(S):
        dst_v, c_v, dstS, sem_s = S[1], S[5], S[6], S[9]
        for j in range(EB // 16):
            sl = pl.ds(j * 16, 16)
            dstS[sl] = dst_v[sl]
        pltpu.async_copy(c_v, acc.at[dstS], sem_s, add=True)

    def compute(S):
        ea_v, q2_v, g_v, c_v = S[2], S[3], S[4], S[5]

        @plsc.parallel_loop(0, EB, 1, unroll=2)
        def edge_body(e):
            lanesf = jnp.arange(16, dtype=jnp.int32).astype(jnp.float32)
            m01f = jnp.maximum(0.0, jnp.minimum(1.0, 2.0 - lanesf))
            oh2c = jnp.maximum(0.0, 1.0 - jnp.abs(lanesf - 2.0))
            t = (g_v[e, pl.ds(64, 16)]
                 + q2_v[lax.shift_right_logical(e, 3),
                        pl.ds(lax.bitwise_and(e, 7) * 16, 16)])
            e2 = jnp.exp(t + t)
            ar = 1.0 - 2.0 / (e2 + 1.0)
            a0 = ar[0]
            a1 = ar[1]
            c_v[e, pl.ds(0, 16)] = a0 * g_v[e, pl.ds(0, 16)]
            c_v[e, pl.ds(16, 16)] = a0 * g_v[e, pl.ds(16, 16)]
            c_v[e, pl.ds(32, 16)] = a1 * g_v[e, pl.ds(32, 16)]
            c_v[e, pl.ds(48, 16)] = a1 * g_v[e, pl.ds(48, 16)]
            ear = ea_v[e, :]
            c_v[e, pl.ds(64, 16)] = a0 * ear
            c_v[e, pl.ds(80, 16)] = a1 * ear
            c_v[e, pl.ds(96, 16)] = ar * m01f + oh2c

    pltpu.async_copy(c0, acc.at[ds0], ss0, add=True)
    pltpu.async_copy(c1, acc.at[ds1], ss1, add=True)
    issue_linear(0, set0)
    issue_linear(1, set1)

    def pair_body(g, carry):
        b0 = 2 * g
        wait_linear(set0)
        shift_and_gather(set0)
        wait_linear(set1)
        shift_and_gather(set1)

        wait_gather(set0)
        drain_scatter(set0)
        compute(set0)
        start_scatter(set0)

        @pl.when(b0 + 2 < NBATCH)
        def _():
            issue_linear(b0 + 2, set0)

        wait_gather(set1)
        drain_scatter(set1)
        compute(set1)
        start_scatter(set1)

        @pl.when(b0 + 3 < NBATCH)
        def _():
            issue_linear(b0 + 3, set1)

        return carry

    lax.fori_loop(0, NBATCH // 2, pair_body, 0)
    drain_scatter(set0)
    drain_scatter(set1)
    plsc.subcore_barrier()
    pltpu.sync_copy(acc.at[pl.ds(rbase, ROWS_PER_SUB)],
                    out.at[c, pl.ds(rbase, ROWS_PER_SUB)])


def _sc_aggregate(tbl, src, dst, ea, q2):
    mesh = plsc.VectorSubcoreMesh(core_axis_name="c", subcore_axis_name="s")
    bufset = [
        pltpu.VMEM((EB,), jnp.int32),
        pltpu.VMEM((EB,), jnp.int32),
        pltpu.VMEM((EB, DE), jnp.float32),
        pltpu.VMEM((EB // 8, 128), jnp.float32),
        pltpu.VMEM((EB, TW), jnp.float32),
        pltpu.VMEM((EB, ACC_W), jnp.float32),
        pltpu.VMEM((EB,), jnp.int32),
    ]
    return pl.kernel(
        _sc_body,
        out_type=jax.ShapeDtypeStruct((NC, NPAD, ACC_W), jnp.float32),
        mesh=mesh,
        compiler_params=pltpu.CompilerParams(use_tc_tiling_on_sc=False),
        scratch_types=bufset + bufset + [
            pltpu.VMEM_SHARED((NPAD, ACC_W), jnp.float32),
            pltpu.SemaphoreType.DMA,
            pltpu.SemaphoreType.DMA,
            pltpu.SemaphoreType.DMA,
            pltpu.SemaphoreType.DMA,
            pltpu.SemaphoreType.DMA,
            pltpu.SemaphoreType.DMA,
        ],
    )(tbl, src, dst, ea, q2)


def _tbl_body(x_ref, vm_ref, cst_ref, t_ref):
    xb = x_ref[...]
    p = (jnp.dot(xb, vm_ref[...], preferred_element_type=jnp.float32)
         + cst_ref[...])
    zpad = jnp.zeros((xb.shape[0], TW - 2 * D - 2), jnp.float32)
    t_ref[0] = jnp.concatenate([xb[:, :2 * D], p[:, 0:2], zpad], axis=1)
    t_ref[1] = jnp.concatenate([xb[:, 2 * D:], p[:, 2:4], zpad], axis=1)


def _build_table(x, vmat, cst):
    Bn = 1000
    return pl.pallas_call(
        _tbl_body,
        grid=(N // Bn,),
        in_specs=[
            pl.BlockSpec((Bn, K * D), lambda i: (i, 0)),
            pl.BlockSpec((K * D, K), lambda i: (0, 0)),
            pl.BlockSpec((1, K), lambda i: (0, 0)),
        ],
        out_specs=pl.BlockSpec((NC, Bn, TW), lambda i: (0, i, 0)),
        out_shape=jax.ShapeDtypeStruct((NC, N, TW), jnp.float32),
    )(x, vmat, cst)


def _q_body(ea8_ref, bd_ref, q_ref):
    ea8 = ea8_ref[...]
    q_ref[0] = jnp.dot(ea8, bd_ref[0],
                       preferred_element_type=jnp.float32)
    q_ref[1] = jnp.dot(ea8, bd_ref[1],
                       preferred_element_type=jnp.float32)


def _build_q2(ea8, bd):
    Br = 1000
    R = E // 8
    return pl.pallas_call(
        _q_body,
        grid=(R // Br,),
        in_specs=[
            pl.BlockSpec((Br, 128), lambda i: (i, 0)),
            pl.BlockSpec((NC, 128, 128), lambda i: (0, 0, 0)),
        ],
        out_specs=pl.BlockSpec((NC, Br, 128), lambda i: (0, i, 0)),
        out_shape=jax.ShapeDtypeStruct((NC, R, 128), jnp.float32),
    )(ea8, bd)


def _epi_body(acc_ref, x_ref, af_ref, bf_ref, bl_ref, wr_ref,
              fw1_ref, fb1_ref, fw2_ref, out_ref):
    xb = x_ref[...]
    cnt = jnp.maximum(acc_ref[0, :, 98:99], 1.0)
    fW1 = fw1_ref[...]
    fb1 = fb1_ref[...]
    fW2 = fw2_ref[...]
    hs = []
    for k in range(K):
        c, j = divmod(k, 2)
        accc = acc_ref[c]
        sx = accc[:, j * D:(j + 1) * D]
        se = accc[:, 2 * D + j * DE:2 * D + (j + 1) * DE]
        sa = accc[:, 96 + j:97 + j]
        agg = (jnp.dot(sx, af_ref[k * D:(k + 1) * D, :],
                       preferred_element_type=jnp.float32)
               + jnp.dot(se, bf_ref[k * DE:(k + 1) * DE, :],
                         preferred_element_type=jnp.float32)
               + sa * bl_ref[k:k + 1, :]) / cnt
        hk = agg + jnp.dot(xb[:, k * D:(k + 1) * D],
                           wr_ref[k * D:(k + 1) * D, :],
                           preferred_element_type=jnp.float32)
        hs.append(hk)
    scores = []
    for k in range(K):
        zk = jnp.tanh(jnp.dot(hs[k], fW1, preferred_element_type=jnp.float32)
                      + fb1[0][None, :])
        scores.append(jnp.dot(zk, fW2, preferred_element_type=jnp.float32))
    sc = jnp.concatenate(scores, axis=1)
    sc = sc - jnp.max(sc, axis=1, keepdims=True)
    es = jnp.exp(sc)
    w = es / jnp.sum(es, axis=1, keepdims=True)
    o = jnp.zeros_like(hs[0])
    for k in range(K):
        o = o + w[:, k][:, None] * hs[k]
    out_ref[...] = o


def _epilogue(accs, x, af, bf, blm, wrf, fW1, fb1, fW2):
    Bn = 1000
    return pl.pallas_call(
        _epi_body,
        grid=(N // Bn,),
        in_specs=[
            pl.BlockSpec((NC, Bn, ACC_W), lambda i: (0, i, 0)),
            pl.BlockSpec((Bn, K * D), lambda i: (i, 0)),
            pl.BlockSpec((K * D, H), lambda i: (0, 0)),
            pl.BlockSpec((K * DE, H), lambda i: (0, 0)),
            pl.BlockSpec((K, H), lambda i: (0, 0)),
            pl.BlockSpec((K * D, H), lambda i: (0, 0)),
            pl.BlockSpec((H, H), lambda i: (0, 0)),
            pl.BlockSpec((1, H), lambda i: (0, 0)),
            pl.BlockSpec((H, 1), lambda i: (0, 0)),
        ],
        out_specs=pl.BlockSpec((Bn, H), lambda i: (i, 0)),
        out_shape=jax.ShapeDtypeStruct((N, H), jnp.float32),
    )(accs, x, af, bf, blm, wrf, fW1, fb1, fW2)


def kernel(x, edge_index, edge_attr, Wl, bl, Wr, aw, ab, fW1, fb1, fW2):
    src = edge_index[0]
    dst = edge_index[1]
    A = Wl[:, :D, :]
    B = Wl[:, D:, :]
    awv = aw[..., 0]
    v = jnp.einsum('kdh,kh->kd', A, awv)
    cst = (jnp.einsum('kh,kh->k', bl, awv) + ab[:, 0]).reshape(1, K)
    vmat = jax.scipy.linalg.block_diag(
        *[v[k][:, None] for k in range(K)])
    wq = jnp.einsum('kdh,kh->kd', B, awv).T
    bd = jnp.stack([
        jnp.kron(jnp.eye(8, dtype=jnp.float32),
                 jnp.pad(wq[:, 2 * cc:2 * cc + 2], ((0, 0), (0, 14))))
        for cc in range(NC)])
    af = A.reshape(K * D, H)
    bf = B.reshape(K * DE, H)
    wrf = Wr.reshape(K * D, H)

    tbl = _build_table(x, vmat, cst).reshape(NC * N, TW)
    q2 = _build_q2(edge_attr.reshape(E // 8, 128), bd)
    accs = _sc_aggregate(tbl, src, dst, edge_attr, q2)
    return _epilogue(accs, x, af, bf, bl, wrf, fW1,
                     fb1.reshape(1, H), fW2)

# --- scband reference (transcript-rebuilt; emitter-appended) ---
"""Pipeline reference for scband-gra-frank-20890720928366 (READ-ONLY COPY).

The authoritative reference and input builder live on the scoring server;
editing this copy changes nothing except your own understanding.
"""

import jax, jax.numpy as jnp
import numpy as np

N = 10000
E = 320000
DIMS = [32, 32, 32, 32]
DE = 16
H = 64
K = 4


def setup_inputs(seed: int = 0) -> dict:
    key = jax.random.key(seed)
    ks = jax.random.split(key, 12)
    x = jax.random.normal(ks[0], (N, sum(DIMS)), dtype=jnp.float32)
    edge_index = jax.random.randint(ks[1], (2, E), 0, N, dtype=jnp.int32)
    edge_attr = jax.random.normal(ks[2], (E, DE), dtype=jnp.float32)
    # Per-modality GraFrankConv params, stacked over the K=4 modalities.
    Wl = jax.random.normal(ks[3], (K, DIMS[0] + DE, H), dtype=jnp.float32) * 0.05  # lin_l on cat(x_j, edge_attr)
    bl = jnp.zeros((K, H), dtype=jnp.float32)
    Wr = jax.random.normal(ks[4], (K, DIMS[0], H), dtype=jnp.float32) * 0.05  # lin_r (self), bias=False
    aw = jax.random.normal(ks[5], (K, H, 1), dtype=jnp.float32) * 0.05  # attention_layer weight
    ab = jnp.zeros((K, 1), dtype=jnp.float32)  # attention_layer bias
    # CrossModalityAttention: Linear(H,H) -> tanh -> Linear(H,1,bias=False) -> softmax over modalities
    fW1 = jax.random.normal(ks[6], (H, H), dtype=jnp.float32) * 0.05
    fb1 = jnp.zeros((H,), dtype=jnp.float32)
    fW2 = jax.random.normal(ks[7], (H, 1), dtype=jnp.float32) * 0.05
    return {"x": x, "edge_index": edge_index, "edge_attr": edge_attr,
            "Wl": Wl, "bl": bl, "Wr": Wr, "aw": aw, "ab": ab,
            "fW1": fW1, "fb1": fb1, "fW2": fW2}


def reference(x, edge_index, edge_attr, Wl, bl, Wr, aw, ab, fW1, fb1, fW2):
    # GraFrank.forward with num_layers=1 and adjs=[(edge_index, None, (N, N))], edge_attrs=[edge_attr].
    # Each modality runs a GraFrankConv: message z = lin_l(cat(x_j, e)), alpha = tanh(attn(z)),
    # mean-aggregate alpha*z over incoming edges at dst, then add lin_r(x_target).
    src = edge_index[0]
    dst = edge_index[1]
    outs = []
    off = 0
    for k in range(K):
        xk = x[:, off:off + DIMS[k]]
        off += DIMS[k]
        xj = jnp.take(xk, src, axis=0)                        # gather source node feats [E, 32]
        z = jnp.concatenate([xj, edge_attr], axis=-1) @ Wl[k] + bl[k]  # [E, H]
        alpha = jnp.tanh(z @ aw[k] + ab[k])                   # [E, 1]
        m = alpha * z                                         # [E, H]
        s = jax.ops.segment_sum(m, dst, num_segments=N)       # scatter-add by dst [N, H]
        c = jax.ops.segment_sum(jnp.ones((E,), m.dtype), dst, num_segments=N)
        agg = s / jnp.maximum(c, 1.0)[:, None]                # mean aggregation
        outs.append(agg + xk @ Wr[k])                         # x_target = x (full-graph size)
    h = jnp.stack(outs, axis=1)                               # [N, K, H]
    scores = jnp.tanh(h @ fW1 + fb1) @ fW2                    # [N, K, 1]
    w = jax.nn.softmax(scores, axis=1)
    return jnp.sum(w * h, axis=1)                             # [N, H]

if __name__ == "__main__":
    import jax
    _d = setup_inputs()
    print(jax.jit(kernel)(*tuple(_d.values())))

</pallas_src>

<mosaic_0001>
#map = affine_map<(d0, d1) -> (0, 0)>
#map1 = affine_map<(d0, d1) -> (0)>
#map2 = affine_map<(d0, d1) -> (0, 0, 0)>
module attributes {stable_mosaic.version = 14 : i64} {
  func.func @_sc_body(%arg0: i32, %arg1: i32, %arg2: memref<20000x128xf32, #tpu.memory_space<hbm>>, %arg3: memref<320000xi32, #tpu.memory_space<hbm>>, %arg4: memref<320000xi32, #tpu.memory_space<hbm>>, %arg5: memref<320000x16xf32, #tpu.memory_space<hbm>>, %arg6: memref<2x40000x128xf32, #tpu.memory_space<hbm>>, %arg7: memref<2x10240x128xf32, #tpu.memory_space<hbm>>, %arg8: memref<80xi32, #tpu.memory_space<vmem>>, %arg9: memref<80xi32, #tpu.memory_space<vmem>>, %arg10: memref<80x16xf32, #tpu.memory_space<vmem>>, %arg11: memref<10x128xf32, #tpu.memory_space<vmem>>, %arg12: memref<80x128xf32, #tpu.memory_space<vmem>>, %arg13: memref<80x128xf32, #tpu.memory_space<vmem>>, %arg14: memref<80xi32, #tpu.memory_space<vmem>>, %arg15: memref<80xi32, #tpu.memory_space<vmem>>, %arg16: memref<80xi32, #tpu.memory_space<vmem>>, %arg17: memref<80x16xf32, #tpu.memory_space<vmem>>, %arg18: memref<10x128xf32, #tpu.memory_space<vmem>>, %arg19: memref<80x128xf32, #tpu.memory_space<vmem>>, %arg20: memref<80x128xf32, #tpu.memory_space<vmem>>, %arg21: memref<80xi32, #tpu.memory_space<vmem>>, %arg22: memref<10240x128xf32, #tpu.memory_space<vmem_shared>>, %arg23: memref<!tpu.dma_semaphore, #tpu.memory_space<semaphore_mem>>, %arg24: memref<!tpu.dma_semaphore, #tpu.memory_space<semaphore_mem>>, %arg25: memref<!tpu.dma_semaphore, #tpu.memory_space<semaphore_mem>>, %arg26: memref<!tpu.dma_semaphore, #tpu.memory_space<semaphore_mem>>, %arg27: memref<!tpu.dma_semaphore, #tpu.memory_space<semaphore_mem>>, %arg28: memref<!tpu.dma_semaphore, #tpu.memory_space<semaphore_mem>>) attributes {dimension_semantics = [#tpu.dimension_semantics<core_parallel>, #tpu.dimension_semantics<subcore_parallel>], iteration_bounds = array<i64: 2, 16>, scalar_prefetch = 0 : i64, scratch_operands = 21 : i64, tpu.core_type = #tpu.core_type<sc_vector_subcore>, window_params = [{transform_indices = #map}, {transform_indices = #map1}, {transform_indices = #map1}, {transform_indices = #map}, {transform_indices = #map2}, {transform_indices = #map2}]} {
    %broadcast_in_dim3A = arith.constant 0.000000e+00 : f32
    %broadcast_in_dim3A_0 = vector.broadcast %broadcast_in_dim3A : f32 to vector<16xf32>
    %broadcast_in_dim3A_1 = arith.constant 0 : i32
    %broadcast_in_dim3A_2 = vector.broadcast %broadcast_in_dim3A_1 : i32 to vector<16xi32>
    %scan3A = arith.constant 0 : i32
    %scan3A_3 = arith.constant 0 : i32
    %scan3A_4 = arith.constant 80 : i32
    %scan3A_5 = arith.addi %scan3A_3, %scan3A_4 : i32
    %scan3A_6 = arith.constant 1 : i32
    scf.for %scan3A_122 = %scan3A_3 to %scan3A_5 step %scan3A_6  : i32 {
      %swap3A_123 = arith.index_cast %scan3A_122 : i32 to index
      %swap3A_124 = arith.constant 0 : index
      %swap3A_125 = tpu.vector_load %arg13[%swap3A_123, %swap3A_124] {strides = array<i32>} : memref<80x128xf32, #tpu.memory_space<vmem>>, vector<1x16xf32>,
      %swap3A_126 = vector.shape_cast %swap3A_125 : vector<1x16xf32> to vector<16xf32>
      %swap3A_127 = vector.shape_cast %broadcast_in_dim3A_0 : vector<16xf32> to vector<1x16xf32>
      tpu.vector_store %arg13[%swap3A_123, %swap3A_124], %swap3A_127 {strides = array<i32>} : memref<80x128xf32, #tpu.memory_space<vmem>>, vector<1x16xf32>,
      %swap3A_128 = arith.index_cast %scan3A_122 : i32 to index
      %swap3A_129 = arith.constant 0 : index
      %swap3A_130 = tpu.vector_load %arg20[%swap3A_128, %swap3A_129] {strides = array<i32>} : memref<80x128xf32, #tpu.memory_space<vmem>>, vector<1x16xf32>,
      %swap3A_131 = vector.shape_cast %swap3A_130 : vector<1x16xf32> to vector<16xf32>
      %swap3A_132 = vector.shape_cast %broadcast_in_dim3A_0 : vector<16xf32> to vector<1x16xf32>
      tpu.vector_store %arg20[%swap3A_128, %swap3A_129], %swap3A_132 {strides = array<i32>} : memref<80x128xf32, #tpu.memory_space<vmem>>, vector<1x16xf32>,
      %swap3A_133 = arith.index_cast %scan3A_122 : i32 to index
      %swap3A_134 = arith.constant 16 : index
      %swap3A_135 = tpu.vector_load %arg13[%swap3A_133, %swap3A_134] {strides = array<i32>} : memref<80x128xf32, #tpu.memory_space<vmem>>, vector<1x16xf32>,
      %swap3A_136 = vector.shape_cast %swap3A_135 : vector<1x16xf32> to vector<16xf32>
      %swap3A_137 = vector.shape_cast %broadcast_in_dim3A_0 : vector<16xf32> to vector<1x16xf32>
      tpu.vector_store %arg13[%swap3A_133, %swap3A_134], %swap3A_137 {strides = array<i32>} : memref<80x128xf32, #tpu.memory_space<vmem>>, vector<1x16xf32>,
      %swap3A_138 = arith.index_cast %scan3A_122 : i32 to index
      %swap3A_139 = arith.constant 16 : index
      %swap3A_140 = tpu.vector_load %arg20[%swap3A_138, %swap3A_139] {strides = array<i32>} : memref<80x128xf32, #tpu.memory_space<vmem>>, vector<1x16xf32>,
      %swap3A_141 = vector.shape_cast %swap3A_140 : vector<1x16xf32> to vector<16xf32>
      %swap3A_142 = vector.shape_cast %broadcast_in_dim3A_0 : vector<16xf32> to vector<1x16xf32>
      tpu.vector_store %arg20[%swap3A_138, %swap3A_139], %swap3A_142 {strides = array<i32>} : memref<80x128xf32, #tpu.memory_space<vmem>>, vector<1x16xf32>,
      %swap3A_143 = arith.index_cast %scan3A_122 : i32 to index
      %swap3A_144 = arith.constant 32 : index
      %swap3A_145 = tpu.vector_load %arg13[%swap3A_143, %swap3A_144] {strides = array<i32>} : memref<80x128xf32, #tpu.memory_space<vmem>>, vector<1x16xf32>,
      %swap3A_146 = vector.shape_cast %swap3A_145 : vector<1x16xf32> to vector<16xf32>
      %swap3A_147 = vector.shape_cast %broadcast_in_dim3A_0 : vector<16xf32> to vector<1x16xf32>
      tpu.vector_store %arg13[%swap3A_143, %swap3A_144], %swap3A_147 {strides = array<i32>} : memref<80x128xf32, #tpu.memory_space<vmem>>, vector<1x16xf32>,
      %swap3A_148 = arith.index_cast %scan3A_122 : i32 to index
      %swap3A_149 = arith.constant 32 : index
      %swap3A_150 = tpu.vector_load %arg20[%swap3A_148, %swap3A_149] {strides = array<i32>} : memref<80x128xf32, #tpu.memory_space<vmem>>, vector<1x16xf32>,
      %swap3A_151 = vector.shape_cast %swap3A_150 : vector<1x16xf32> to vector<16xf32>
      %swap3A_152 = vector.shape_cast %broadcast_in_dim3A_0 : vector<16xf32> to vector<1x16xf32>
      tpu.vector_store %arg20[%swap3A_148, %swap3A_149], %swap3A_152 {strides = array<i32>} : memref<80x128xf32, #tpu.memory_space<vmem>>, vector<1x16xf32>,
      %swap3A_153 = arith.index_cast %scan3A_122 : i32 to index
      %swap3A_154 = arith.constant 48 : index
      %swap3A_155 = tpu.vector_load %arg13[%swap3A_153, %swap3A_154] {strides = array<i32>} : memref<80x128xf32, #tpu.memory_space<vmem>>, vector<1x16xf32>,
      %swap3A_156 = vector.shape_cast %swap3A_155 : vector<1x16xf32> to vector<16xf32>
      %swap3A_157 = vector.shape_cast %broadcast_in_dim3A_0 : vector<16xf32> to vector<1x16xf32>
      tpu.vector_store %arg13[%swap3A_153, %swap3A_154], %swap3A_157 {strides = array<i32>} : memref<80x128xf32, #tpu.memory_space<vmem>>, vector<1x16xf32>,
      %swap3A_158 = arith.index_cast %scan3A_122 : i32 to index
      %swap3A_159 = arith.constant 48 : index
      %swap3A_160 = tpu.vector_load %arg20[%swap3A_158, %swap3A_159] {strides = array<i32>} : memref<80x128xf32, #tpu.memory_space<vmem>>, vector<1x16xf32>,
      %swap3A_161 = vector.shape_cast %swap3A_160 : vector<1x16xf32> to vector<16xf32>
      %swap3A_162 = vector.shape_cast %broadcast_in_dim3A_0 : vector<16xf32> to vector<1x16xf32>
      tpu.vector_store %arg20[%swap3A_158, %swap3A_159], %swap3A_162 {strides = array<i32>} : memref<80x128xf32, #tpu.memory_space<vmem>>, vector<1x16xf32>,
      %swap3A_163 = arith.index_cast %scan3A_122 : i32 to index
      %swap3A_164 = arith.constant 64 : index
      %swap3A_165 = tpu.vector_load %arg13[%swap3A_163, %swap3A_164] {strides = array<i32>} : memref<80x128xf32, #tpu.memory_space<vmem>>, vector<1x16xf32>,
      %swap3A_166 = vector.shape_cast %swap3A_165 : vector<1x16xf32> to vector<16xf32>
      %swap3A_167 = vector.shape_cast %broadcast_in_dim3A_0 : vector<16xf32> to vector<1x16xf32>
      tpu.vector_store %arg13[%swap3A_163, %swap3A_164], %swap3A_167 {strides = array<i32>} : memref<80x128xf32, #tpu.memory_space<vmem>>, vector<1x16xf32>,
      %swap3A_168 = arith.index_cast %scan3A_122 : i32 to index
      %swap3A_169 = arith.constant 64 : index
      %swap3A_170 = tpu.vector_load %arg20[%swap3A_168, %swap3A_169] {strides = array<i32>} : memref<80x128xf32, #tpu.memory_space<vmem>>, vector<1x16xf32>,
      %swap3A_171 = vector.shape_cast %swap3A_170 : vector<1x16xf32> to vector<16xf32>
      %swap3A_172 = vector.shape_cast %broadcast_in_dim3A_0 : vector<16xf32> to vector<1x16xf32>
      tpu.vector_store %arg20[%swap3A_168, %swap3A_169], %swap3A_172 {strides = array<i32>} : memref<80x128xf32, #tpu.memory_space<vmem>>, vector<1x16xf32>,
      %swap3A_173 = arith.index_cast %scan3A_122 : i32 to index
      %swap3A_174 = arith.constant 80 : index
      %swap3A_175 = tpu.vector_load %arg13[%swap3A_173, %swap3A_174] {strides = array<i32>} : memref<80x128xf32, #tpu.memory_space<vmem>>, vector<1x16xf32>,
      %swap3A_176 = vector.shape_cast %swap3A_175 : vector<1x16xf32> to vector<16xf32>
      %swap3A_177 = vector.shape_cast %broadcast_in_dim3A_0 : vector<16xf32> to vector<1x16xf32>
      tpu.vector_store %arg13[%swap3A_173, %swap3A_174], %swap3A_177 {strides = array<i32>} : memref<80x128xf32, #tpu.memory_space<vmem>>, vector<1x16xf32>,
      %swap3A_178 = arith.index_cast %scan3A_122 : i32 to index
      %swap3A_179 = arith.constant 80 : index
      %swap3A_180 = tpu.vector_load %arg20[%swap3A_178, %swap3A_179] {strides = array<i32>} : memref<80x128xf32, #tpu.memory_space<vmem>>, vector<1x16xf32>,
      %swap3A_181 = vector.shape_cast %swap3A_180 : vector<1x16xf32> to vector<16xf32>
      %swap3A_182 = vector.shape_cast %broadcast_in_dim3A_0 : vector<16xf32> to vector<1x16xf32>
      tpu.vector_store %arg20[%swap3A_178, %swap3A_179], %swap3A_182 {strides = array<i32>} : memref<80x128xf32, #tpu.memory_space<vmem>>, vector<1x16xf32>,
      %swap3A_183 = arith.index_cast %scan3A_122 : i32 to index
      %swap3A_184 = arith.constant 96 : index
      %swap3A_185 = tpu.vector_load %arg13[%swap3A_183, %swap3A_184] {strides = array<i32>} : memref<80x128xf32, #tpu.memory_space<vmem>>, vector<1x16xf32>,
      %swap3A_186 = vector.shape_cast %swap3A_185 : vector<1x16xf32> to vector<16xf32>
      %swap3A_187 = vector.shape_cast %broadcast_in_dim3A_0 : vector<16xf32> to vector<1x16xf32>
      tpu.vector_store %arg13[%swap3A_183, %swap3A_184], %swap3A_187 {strides = array<i32>} : memref<80x128xf32, #tpu.memory_space<vmem>>, vector<1x16xf32>,
      %swap3A_188 = arith.index_cast %scan3A_122 : i32 to index
      %swap3A_189 = arith.constant 96 : index
      %swap3A_190 = tpu.vector_load %arg20[%swap3A_188, %swap3A_189] {strides = array<i32>} : memref<80x128xf32, #tpu.memory_space<vmem>>, vector<1x16xf32>,
      %swap3A_191 = vector.shape_cast %swap3A_190 : vector<1x16xf32> to vector<16xf32>
      %swap3A_192 = vector.shape_cast %broadcast_in_dim3A_0 : vector<16xf32> to vector<1x16xf32>
      tpu.vector_store %arg20[%swap3A_188, %swap3A_189], %swap3A_192 {strides = array<i32>} : memref<80x128xf32, #tpu.memory_space<vmem>>, vector<1x16xf32>,
      %swap3A_193 = arith.index_cast %scan3A_122 : i32 to index
      %swap3A_194 = arith.constant 112 : index
      %swap3A_195 = tpu.vector_load %arg13[%swap3A_193, %swap3A_194] {strides = array<i32>} : memref<80x128xf32, #tpu.memory_space<vmem>>, vector<1x16xf32>,
      %swap3A_196 = vector.shape_cast %swap3A_195 : vector<1x16xf32> to vector<16xf32>
      %swap3A_197 = vector.shape_cast %broadcast_in_dim3A_0 : vector<16xf32> to vector<1x16xf32>
      tpu.vector_store %arg13[%swap3A_193, %swap3A_194], %swap3A_197 {strides = array<i32>} : memref<80x128xf32, #tpu.memory_space<vmem>>, vector<1x16xf32>,
      %swap3A_198 = arith.index_cast %scan3A_122 : i32 to index
      %swap3A_199 = arith.constant 112 : index
      %swap3A_200 = tpu.vector_load %arg20[%swap3A_198, %swap3A_199] {strides = array<i32>} : memref<80x128xf32, #tpu.memory_space<vmem>>, vector<1x16xf32>,
      %swap3A_201 = vector.shape_cast %swap3A_200 : vector<1x16xf32> to vector<16xf32>
      %swap3A_202 = vector.shape_cast %broadcast_in_dim3A_0 : vector<16xf32> to vector<1x16xf32>
      tpu.vector_store %arg20[%swap3A_198, %swap3A_199], %swap3A_202 {strides = array<i32>} : memref<80x128xf32, #tpu.memory_space<vmem>>, vector<1x16xf32>,
    }
    %scan3A_7 = arith.constant 80 : i32
    %swap3A = arith.constant 0 : index
    %swap3A_8 = tpu.vector_load %arg14[%swap3A] {strides = array<i32>} : memref<80xi32, #tpu.memory_space<vmem>>, vector<16xi32>,
    %swap3A_9 = vector.shape_cast %swap3A_8 : vector<16xi32> to vector<16xi32>
    %swap3A_10 = vector.shape_cast %broadcast_in_dim3A_2 : vector<16xi32> to vector<16xi32>
    tpu.vector_store %arg14[%swap3A], %swap3A_10 {strides = array<i32>} : memref<80xi32, #tpu.memory_space<vmem>>, vector<16xi32>,
    %swap3A_11 = arith.constant 0 : index
    %swap3A_12 = tpu.vector_load %arg21[%swap3A_11] {strides = array<i32>} : memref<80xi32, #tpu.memory_space<vmem>>, vector<16xi32>,
    %swap3A_13 = vector.shape_cast %swap3A_12 : vector<16xi32> to vector<16xi32>
    %swap3A_14 = vector.shape_cast %broadcast_in_dim3A_2 : vector<16xi32> to vector<16xi32>
    tpu.vector_store %arg21[%swap3A_11], %swap3A_14 {strides = array<i32>} : memref<80xi32, #tpu.memory_space<vmem>>, vector<16xi32>,
    %swap3A_15 = arith.constant 16 : index
    %swap3A_16 = tpu.vector_load %arg14[%swap3A_15] {strides = array<i32>} : memref<80xi32, #tpu.memory_space<vmem>>, vector<16xi32>,
    %swap3A_17 = vector.shape_cast %swap3A_16 : vector<16xi32> to vector<16xi32>
    %swap3A_18 = vector.shape_cast %broadcast_in_dim3A_2 : vector<16xi32> to vector<16xi32>
    tpu.vector_store %arg14[%swap3A_15], %swap3A_18 {strides = array<i32>} : memref<80xi32, #tpu.memory_space<vmem>>, vector<16xi32>,
    %swap3A_19 = arith.constant 16 : index
    %swap3A_20 = tpu.vector_load %arg21[%swap3A_19] {strides = array<i32>} : memref<80xi32, #tpu.memory_space<vmem>>, vector<16xi32>,
    %swap3A_21 = vector.shape_cast %swap3A_20 : vector<16xi32> to vector<16xi32>
    %swap3A_22 = vector.shape_cast %broadcast_in_dim3A_2 : vector<16xi32> to vector<16xi32>
    tpu.vector_store %arg21[%swap3A_19], %swap3A_22 {strides = array<i32>} : memref<80xi32, #tpu.memory_space<vmem>>, vector<16xi32>,
    %swap3A_23 = arith.constant 32 : index
    %swap3A_24 = tpu.vector_load %arg14[%swap3A_23] {strides = array<i32>} : memref<80xi32, #tpu.memory_space<vmem>>, vector<16xi32>,
    %swap3A_25 = vector.shape_cast %swap3A_24 : vector<16xi32> to vector<16xi32>
    %swap3A_26 = vector.shape_cast %broadcast_in_dim3A_2 : vector<16xi32> to vector<16xi32>
    tpu.vector_store %arg14[%swap3A_23], %swap3A_26 {strides = array<i32>} : memref<80xi32, #tpu.memory_space<vmem>>, vector<16xi32>,
    %swap3A_27 = arith.constant 32 : index
    %swap3A_28 = tpu.vector_load %arg21[%swap3A_27] {strides = array<i32>} : memref<80xi32, #tpu.memory_space<vmem>>, vector<16xi32>,
    %swap3A_29 = vector.shape_cast %swap3A_28 : vector<16xi32> to vector<16xi32>
    %swap3A_30 = vector.shape_cast %broadcast_in_dim3A_2 : vector<16xi32> to vector<16xi32>
    tpu.vector_store %arg21[%swap3A_27], %swap3A_30 {strides = array<i32>} : memref<80xi32, #tpu.memory_space<vmem>>, vector<16xi32>,
    %swap3A_31 = arith.constant 48 : index
    %swap3A_32 = tpu.vector_load %arg14[%swap3A_31] {strides = array<i32>} : memref<80xi32, #tpu.memory_space<vmem>>, vector<16xi32>,
    %swap3A_33 = vector.shape_cast %swap3A_32 : vector<16xi32> to vector<16xi32>
    %swap3A_34 = vector.shape_cast %broadcast_in_dim3A_2 : vector<16xi32> to vector<16xi32>
    tpu.vector_store %arg14[%swap3A_31], %swap3A_34 {strides = array<i32>} : memref<80xi32, #tpu.memory_space<vmem>>, vector<16xi32>,
    %swap3A_35 = arith.constant 48 : index
    %swap3A_36 = tpu.vector_load %arg21[%swap3A_35] {strides = array<i32>} : memref<80xi32, #tpu.memory_space<vmem>>, vector<16xi32>,
    %swap3A_37 = vector.shape_cast %swap3A_36 : vector<16xi32> to vector<16xi32>
    %swap3A_38 = vector.shape_cast %broadcast_in_dim3A_2 : vector<16xi32> to vector<16xi32>
    tpu.vector_store %arg21[%swap3A_35], %swap3A_38 {strides = array<i32>} : memref<80xi32, #tpu.memory_space<vmem>>, vector<16xi32>,
    %swap3A_39 = arith.constant 64 : index
    %swap3A_40 = tpu.vector_load %arg14[%swap3A_39] {strides = array<i32>} : memref<80xi32, #tpu.memory_space<vmem>>, vector<16xi32>,
    %swap3A_41 = vector.shape_cast %swap3A_40 : vector<16xi32> to vector<16xi32>
    %swap3A_42 = vector.shape_cast %broadcast_in_dim3A_2 : vector<16xi32> to vector<16xi32>
    tpu.vector_store %arg14[%swap3A_39], %swap3A_42 {strides = array<i32>} : memref<80xi32, #tpu.memory_space<vmem>>, vector<16xi32>,
    %swap3A_43 = arith.constant 64 : index
    %swap3A_44 = tpu.vector_load %arg21[%swap3A_43] {strides = array<i32>} : memref<80xi32, #tpu.memory_space<vmem>>, vector<16xi32>,
    %swap3A_45 = vector.shape_cast %swap3A_44 : vector<16xi32> to vector<16xi32>
    %swap3A_46 = vector.shape_cast %broadcast_in_dim3A_2 : vector<16xi32> to vector<16xi32>
    tpu.vector_store %arg21[%swap3A_43], %swap3A_46 {strides = array<i32>} : memref<80xi32, #tpu.memory_space<vmem>>, vector<16xi32>,
    %mul3A = arith.constant 640 : i32
    %mul3A_47 = arith.muli %arg1, %mul3A : i32
    %add3A = arith.constant 0 : i32
    %add3A_48 = arith.addi %mul3A_47, %add3A : i32
    "tpu.region"() ({
      %run_scoped3A = tpu.sem_alloc : memref<!tpu.dma_semaphore, #tpu.memory_space<semaphore_mem>>
      %dma_start3A_122 = arith.constant 0 : i32
      %dma_start3A_123 = tpu.memref_slice %arg22[%add3A_48, %dma_start3A_122] : memref<10240x128xf32, #tpu.memory_space<vmem_shared>> -> memref<80x128xf32, #tpu.memory_space<vmem_shared>>
      %dma_start3A_124 = arith.constant 0 : i32
      %dma_start3A_125 = tpu.memref_slice %arg22[%add3A_48, %dma_start3A_124] : memref<10240x128xf32, #tpu.memory_space<vmem_shared>> -> memref<80x128xf32, #tpu.memory_space<vmem_shared>>
      tpu.enqueue_dma source(%arg13 : memref<80x128xf32, #tpu.memory_space<vmem>>) target(%dma_start3A_125 : memref<80x128xf32, #tpu.memory_space<vmem_shared>>) target_semaphore(%run_scoped3A : memref<!tpu.dma_semaphore, #tpu.memory_space<semaphore_mem>>)
      %dma_wait3A_126 = arith.constant 0 : i32
      %dma_wait3A_127 = tpu.memref_slice %arg22[%add3A_48, %dma_wait3A_126] : memref<10240x128xf32, #tpu.memory_space<vmem_shared>> -> memref<80x128xf32, #tpu.memory_space<vmem_shared>>
      %dma_wait3A_128 = arith.constant 0 : i32
      %dma_wait3A_129 = tpu.memref_slice %arg22[%add3A_48, %dma_wait3A_128] : memref<10240x128xf32, #tpu.memory_space<vmem_shared>> -> memref<80x128xf32, #tpu.memory_space<vmem_shared>>
      tpu.wait_dma2 semaphore(%run_scoped3A : memref<!tpu.dma_semaphore, #tpu.memory_space<semaphore_mem>>) src(%arg13 : memref<80x128xf32, #tpu.memory_space<vmem>>) dst(%dma_wait3A_129 : memref<80x128xf32, #tpu.memory_space<vmem_shared>>)
      tpu.yield
    }) : () -> ()
    %add3A_49 = arith.constant 80 : i32
    %add3A_50 = arith.addi %mul3A_47, %add3A_49 : i32
    "tpu.region"() ({
      %run_scoped3A = tpu.sem_alloc : memref<!tpu.dma_semaphore, #tpu.memory_space<semaphore_mem>>
      %dma_start3A_122 = arith.constant 0 : i32
      %dma_start3A_123 = tpu.memref_slice %arg22[%add3A_50, %dma_start3A_122] : memref<10240x128xf32, #tpu.memory_space<vmem_shared>> -> memref<80x128xf32, #tpu.memory_space<vmem_shared>>
      %dma_start3A_124 = arith.constant 0 : i32
      %dma_start3A_125 = tpu.memref_slice %arg22[%add3A_50, %dma_start3A_124] : memref<10240x128xf32, #tpu.memory_space<vmem_shared>> -> memref<80x128xf32, #tpu.memory_space<vmem_shared>>
      tpu.enqueue_dma source(%arg13 : memref<80x128xf32, #tpu.memory_space<vmem>>) target(%dma_start3A_125 : memref<80x128xf32, #tpu.memory_space<vmem_shared>>) target_semaphore(%run_scoped3A : memref<!tpu.dma_semaphore, #tpu.memory_space<semaphore_mem>>)
      %dma_wait3A_126 = arith.constant 0 : i32
      %dma_wait3A_127 = tpu.memref_slice %arg22[%add3A_50, %dma_wait3A_126] : memref<10240x128xf32, #tpu.memory_space<vmem_shared>> -> memref<80x128xf32, #tpu.memory_space<vmem_shared>>
      %dma_wait3A_128 = arith.constant 0 : i32
      %dma_wait3A_129 = tpu.memref_slice %arg22[%add3A_50, %dma_wait3A_128] : memref<10240x128xf32, #tpu.memory_space<vmem_shared>> -> memref<80x128xf32, #tpu.memory_space<vmem_shared>>
      tpu.wait_dma2 semaphore(%run_scoped3A : memref<!tpu.dma_semaphore, #tpu.memory_space<semaphore_mem>>) src(%arg13 : memref<80x128xf32, #tpu.memory_space<vmem>>) dst(%dma_wait3A_129 : memref<80x128xf32, #tpu.memory_space<vmem_shared>>)
      tpu.yield
    }) : () -> ()
    %add3A_51 = arith.constant 160 : i32
    %add3A_52 = arith.addi %mul3A_47, %add3A_51 : i32
    "tpu.region"() ({
      %run_scoped3A = tpu.sem_alloc : memref<!tpu.dma_semaphore, #tpu.memory_space<semaphore_mem>>
      %dma_start3A_122 = arith.constant 0 : i32
      %dma_start3A_123 = tpu.memref_slice %arg22[%add3A_52, %dma_start3A_122] : memref<10240x128xf32, #tpu.memory_space<vmem_shared>> -> memref<80x128xf32, #tpu.memory_space<vmem_shared>>
      %dma_start3A_124 = arith.constant 0 : i32
      %dma_start3A_125 = tpu.memref_slice %arg22[%add3A_52, %dma_start3A_124] : memref<10240x128xf32, #tpu.memory_space<vmem_shared>> -> memref<80x128xf32, #tpu.memory_space<vmem_shared>>
      tpu.enqueue_dma source(%arg13 : memref<80x128xf32, #tpu.memory_space<vmem>>) target(%dma_start3A_125 : memref<80x128xf32, #tpu.memory_space<vmem_shared>>) target_semaphore(%run_scoped3A : memref<!tpu.dma_semaphore, #tpu.memory_space<semaphore_mem>>)
      %dma_wait3A_126 = arith.constant 0 : i32
      %dma_wait3A_127 = tpu.memref_slice %arg22[%add3A_52, %dma_wait3A_126] : memref<10240x128xf32, #tpu.memory_space<vmem_shared>> -> memref<80x128xf32, #tpu.memory_space<vmem_shared>>
      %dma_wait3A_128 = arith.constant 0 : i32
      %dma_wait3A_129 = tpu.memref_slice %arg22[%add3A_52, %dma_wait3A_128] : memref<10240x128xf32, #tpu.memory_space<vmem_shared>> -> memref<80x128xf32, #tpu.memory_space<vmem_shared>>
      tpu.wait_dma2 semaphore(%run_scoped3A : memref<!tpu.dma_semaphore, #tpu.memory_space<semaphore_mem>>) src(%arg13 : memref<80x128xf32, #tpu.memory_space<vmem>>) dst(%dma_wait3A_129 : memref<80x128xf32, #tpu.memory_space<vmem_shared>>)
      tpu.yield
    }) : () -> ()
    %add3A_53 = arith.constant 240 : i32
    %add3A_54 = arith.addi %mul3A_47, %add3A_53 : i32
    "tpu.region"() ({
      %run_scoped3A = tpu.sem_alloc : memref<!tpu.dma_semaphore, #tpu.memory_space<semaphore_mem>>
      %dma_start3A_122 = arith.constant 0 : i32
      %dma_start3A_123 = tpu.memref_slice %arg22[%add3A_54, %dma_start3A_122] : memref<10240x128xf32, #tpu.memory_space<vmem_shared>> -> memref<80x128xf32, #tpu.memory_space<vmem_shared>>
      %dma_start3A_124 = arith.constant 0 : i32
      %dma_start3A_125 = tpu.memref_slice %arg22[%add3A_54, %dma_start3A_124] : memref<10240x128xf32, #tpu.memory_space<vmem_shared>> -> memref<80x128xf32, #tpu.memory_space<vmem_shared>>
      tpu.enqueue_dma source(%arg13 : memref<80x128xf32, #tpu.memory_space<vmem>>) target(%dma_start3A_125 : memref<80x128xf32, #tpu.memory_space<vmem_shared>>) target_semaphore(%run_scoped3A : memref<!tpu.dma_semaphore, #tpu.memory_space<semaphore_mem>>)
      %dma_wait3A_126 = arith.constant 0 : i32
      %dma_wait3A_127 = tpu.memref_slice %arg22[%add3A_54, %dma_wait3A_126] : memref<10240x128xf32, #tpu.memory_space<vmem_shared>> -> memref<80x128xf32, #tpu.memory_space<vmem_shared>>
      %dma_wait3A_128 = arith.constant 0 : i32
      %dma_wait3A_129 = tpu.memref_slice %arg22[%add3A_54, %dma_wait3A_128] : memref<10240x128xf32, #tpu.memory_space<vmem_shared>> -> memref<80x128xf32, #tpu.memory_space<vmem_shared>>
      tpu.wait_dma2 semaphore(%run_scoped3A : memref<!tpu.dma_semaphore, #tpu.memory_space<semaphore_mem>>) src(%arg13 : memref<80x128xf32, #tpu.memory_space<vmem>>) dst(%dma_wait3A_129 : memref<80x128xf32, #tpu.memory_space<vmem_shared>>)
      tpu.yield
    }) : () -> ()
    %add3A_55 = arith.constant 320 : i32
    %add3A_56 = arith.addi %mul3A_47, %add3A_55 : i32
    "tpu.region"() ({
      %run_scoped3A = tpu.sem_alloc : memref<!tpu.dma_semaphore, #tpu.memory_space<semaphore_mem>>
      %dma_start3A_122 = arith.constant 0 : i32
      %dma_start3A_123 = tpu.memref_slice %arg22[%add3A_56, %dma_start3A_122] : memref<10240x128xf32, #tpu.memory_space<vmem_shared>> -> memref<80x128xf32, #tpu.memory_space<vmem_shared>>
      %dma_start3A_124 = arith.constant 0 : i32
      %dma_start3A_125 = tpu.memref_slice %arg22[%add3A_56, %dma_start3A_124] : memref<10240x128xf32, #tpu.memory_space<vmem_shared>> -> memref<80x128xf32, #tpu.memory_space<vmem_shared>>
      tpu.enqueue_dma source(%arg13 : memref<80x128xf32, #tpu.memory_space<vmem>>) target(%dma_start3A_125 : memref<80x128xf32, #tpu.memory_space<vmem_shared>>) target_semaphore(%run_scoped3A : memref<!tpu.dma_semaphore, #tpu.memory_space<semaphore_mem>>)
      %dma_wait3A_126 = arith.constant 0 : i32
      %dma_wait3A_127 = tpu.memref_slice %arg22[%add3A_56, %dma_wait3A_126] : memref<10240x128xf32, #tpu.memory_space<vmem_shared>> -> memref<80x128xf32, #tpu.memory_space<vmem_shared>>
      %dma_wait3A_128 = arith.constant 0 : i32
      %dma_wait3A_129 = tpu.memref_slice %arg22[%add3A_56, %dma_wait3A_128] : memref<10240x128xf32, #tpu.memory_space<vmem_shared>> -> memref<80x128xf32, #tpu.memory_space<vmem_shared>>
      tpu.wait_dma2 semaphore(%run_scoped3A : memref<!tpu.dma_semaphore, #tpu.memory_space<semaphore_mem>>) src(%arg13 : memref<80x128xf32, #tpu.memory_space<vmem>>) dst(%dma_wait3A_129 : memref<80x128xf32, #tpu.memory_space<vmem_shared>>)
      tpu.yield
    }) : () -> ()
    %add3A_57 = arith.constant 400 : i32
    %add3A_58 = arith.addi %mul3A_47, %add3A_57 : i32
    "tpu.region"() ({
      %run_scoped3A = tpu.sem_alloc : memref<!tpu.dma_semaphore, #tpu.memory_space<semaphore_mem>>
      %dma_start3A_122 = arith.constant 0 : i32
      %dma_start3A_123 = tpu.memref_slice %arg22[%add3A_58, %dma_start3A_122] : memref<10240x128xf32, #tpu.memory_space<vmem_shared>> -> memref<80x128xf32, #tpu.memory_space<vmem_shared>>
      %dma_start3A_124 = arith.constant 0 : i32
      %dma_start3A_125 = tpu.memref_slice %arg22[%add3A_58, %dma_start3A_124] : memref<10240x128xf32, #tpu.memory_space<vmem_shared>> -> memref<80x128xf32, #tpu.memory_space<vmem_shared>>
      tpu.enqueue_dma source(%arg13 : memref<80x128xf32, #tpu.memory_space<vmem>>) target(%dma_start3A_125 : memref<80x128xf32, #tpu.memory_space<vmem_shared>>) target_semaphore(%run_scoped3A : memref<!tpu.dma_semaphore, #tpu.memory_space<semaphore_mem>>)
      %dma_wait3A_126 = arith.constant 0 : i32
      %dma_wait3A_127 = tpu.memref_slice %arg22[%add3A_58, %dma_wait3A_126] : memref<10240x128xf32, #tpu.memory_space<vmem_shared>> -> memref<80x128xf32, #tpu.memory_space<vmem_shared>>
      %dma_wait3A_128 = arith.constant 0 : i32
      %dma_wait3A_129 = tpu.memref_slice %arg22[%add3A_58, %dma_wait3A_128] : memref<10240x128xf32, #tpu.memory_space<vmem_shared>> -> memref<80x128xf32, #tpu.memory_space<vmem_shared>>
      tpu.wait_dma2 semaphore(%run_scoped3A : memref<!tpu.dma_semaphore, #tpu.memory_space<semaphore_mem>>) src(%arg13 : memref<80x128xf32, #tpu.memory_space<vmem>>) dst(%dma_wait3A_129 : memref<80x128xf32, #tpu.memory_space<vmem_shared>>)
      tpu.yield
    }) : () -> ()
    %add3A_59 = arith.constant 480 : i32
    %add3A_60 = arith.addi %mul3A_47, %add3A_59 : i32
    "tpu.region"() ({
      %run_scoped3A = tpu.sem_alloc : memref<!tpu.dma_semaphore, #tpu.memory_space<semaphore_mem>>
      %dma_start3A_122 = arith.constant 0 : i32
      %dma_start3A_123 = tpu.memref_slice %arg22[%add3A_60, %dma_start3A_122] : memref<10240x128xf32, #tpu.memory_space<vmem_shared>> -> memref<80x128xf32, #tpu.memory_space<vmem_shared>>
      %dma_start3A_124 = arith.constant 0 : i32
      %dma_start3A_125 = tpu.memref_slice %arg22[%add3A_60, %dma_start3A_124] : memref<10240x128xf32, #tpu.memory_space<vmem_shared>> -> memref<80x128xf32, #tpu.memory_space<vmem_shared>>
      tpu.enqueue_dma source(%arg13 : memref<80x128xf32, #tpu.memory_space<vmem>>) target(%dma_start3A_125 : memref<80x128xf32, #tpu.memory_space<vmem_shared>>) target_semaphore(%run_scoped3A : memref<!tpu.dma_semaphore, #tpu.memory_space<semaphore_mem>>)
      %dma_wait3A_126 = arith.constant 0 : i32
      %dma_wait3A_127 = tpu.memref_slice %arg22[%add3A_60, %dma_wait3A_126] : memref<10240x128xf32, #tpu.memory_space<vmem_shared>> -> memref<80x128xf32, #tpu.memory_space<vmem_shared>>
      %dma_wait3A_128 = arith.constant 0 : i32
      %dma_wait3A_129 = tpu.memref_slice %arg22[%add3A_60, %dma_wait3A_128] : memref<10240x128xf32, #tpu.memory_space<vmem_shared>> -> memref<80x128xf32, #tpu.memory_space<vmem_shared>>
      tpu.wait_dma2 semaphore(%run_scoped3A : memref<!tpu.dma_semaphore, #tpu.memory_space<semaphore_mem>>) src(%arg13 : memref<80x128xf32, #tpu.memory_space<vmem>>) dst(%dma_wait3A_129 : memref<80x128xf32, #tpu.memory_space<vmem_shared>>)
      tpu.yield
    }) : () -> ()
    %add3A_61 = arith.constant 560 : i32
    %add3A_62 = arith.addi %mul3A_47, %add3A_61 : i32
    "tpu.region"() ({
      %run_scoped3A = tpu.sem_alloc : memref<!tpu.dma_semaphore, #tpu.memory_space<semaphore_mem>>
      %dma_start3A_122 = arith.constant 0 : i32
      %dma_start3A_123 = tpu.memref_slice %arg22[%add3A_62, %dma_start3A_122] : memref<10240x128xf32, #tpu.memory_space<vmem_shared>> -> memref<80x128xf32, #tpu.memory_space<vmem_shared>>
      %dma_start3A_124 = arith.constant 0 : i32
      %dma_start3A_125 = tpu.memref_slice %arg22[%add3A_62, %dma_start3A_124] : memref<10240x128xf32, #tpu.memory_space<vmem_shared>> -> memref<80x128xf32, #tpu.memory_space<vmem_shared>>
      tpu.enqueue_dma source(%arg13 : memref<80x128xf32, #tpu.memory_space<vmem>>) target(%dma_start3A_125 : memref<80x128xf32, #tpu.memory_space<vmem_shared>>) target_semaphore(%run_scoped3A : memref<!tpu.dma_semaphore, #tpu.memory_space<semaphore_mem>>)
      %dma_wait3A_126 = arith.constant 0 : i32
      %dma_wait3A_127 = tpu.memref_slice %arg22[%add3A_62, %dma_wait3A_126] : memref<10240x128xf32, #tpu.memory_space<vmem_shared>> -> memref<80x128xf32, #tpu.memory_space<vmem_shared>>
      %dma_wait3A_128 = arith.constant 0 : i32
      %dma_wait3A_129 = tpu.memref_slice %arg22[%add3A_62, %dma_wait3A_128] : memref<10240x128xf32, #tpu.memory_space<vmem_shared>> -> memref<80x128xf32, #tpu.memory_space<vmem_shared>>
      tpu.wait_dma2 semaphore(%run_scoped3A : memref<!tpu.dma_semaphore, #tpu.memory_space<semaphore_mem>>) src(%arg13 : memref<80x128xf32, #tpu.memory_space<vmem>>) dst(%dma_wait3A_129 : memref<80x128xf32, #tpu.memory_space<vmem_shared>>)
      tpu.yield
    }) : () -> ()
    %barrier3A = arith.constant 0 : index
    tpu.barrier barrier_id(%barrier3A)
    %mul3A_63 = arith.constant 20000 : i32
    %mul3A_64 = arith.muli %arg1, %mul3A_63 : i32
    %dma_start3A = arith.constant 0 : i32
    %dma_start3A_65 = arith.constant 0 : i32
    %dma_start3A_66 = tpu.memref_slice %arg22[%dma_start3A, %dma_start3A_65] : memref<10240x128xf32, #tpu.memory_space<vmem_shared>> -> memref<10240x128xf32, #tpu.memory_space<vmem_shared>>
    tpu.enqueue_indirect_dma source(%arg13 : memref<80x128xf32, #tpu.memory_space<vmem>>) target(%dma_start3A_66 : memref<10240x128xf32, #tpu.memory_space<vmem_shared>>) offsets(%arg14 : memref<80xi32, #tpu.memory_space<vmem>>) semaphore(%arg25 : memref<!tpu.dma_semaphore, #tpu.memory_space<semaphore_mem>>) {add = true}
    %dma_start3A_67 = arith.constant 0 : i32
    %dma_start3A_68 = arith.constant 0 : i32
    %dma_start3A_69 = tpu.memref_slice %arg22[%dma_start3A_67, %dma_start3A_68] : memref<10240x128xf32, #tpu.memory_space<vmem_shared>> -> memref<10240x128xf32, #tpu.memory_space<vmem_shared>>
    tpu.enqueue_indirect_dma source(%arg20 : memref<80x128xf32, #tpu.memory_space<vmem>>) target(%dma_start3A_69 : memref<10240x128xf32, #tpu.memory_space<vmem_shared>>) offsets(%arg21 : memref<80xi32, #tpu.memory_space<vmem>>) semaphore(%arg28 : memref<!tpu.dma_semaphore, #tpu.memory_space<semaphore_mem>>) {add = true}
    %add3A_70 = arith.constant 0 : i32
    %add3A_71 = arith.addi %mul3A_64, %add3A_70 : i32
    %dma_start3A_72 = tpu.memref_slice %arg3[%add3A_71] : memref<320000xi32, #tpu.memory_space<hbm>> -> memref<80xi32, #tpu.memory_space<hbm>>
    %dma_start3A_73 = tpu.memref_slice %arg3[%add3A_71] : memref<320000xi32, #tpu.memory_space<hbm>> -> memref<80xi32, #tpu.memory_space<hbm>>
    tpu.enqueue_dma source(%dma_start3A_73 : memref<80xi32, #tpu.memory_space<hbm>>) target(%arg8 : memref<80xi32, #tpu.memory_space<vmem>>) target_semaphore(%arg23 : memref<!tpu.dma_semaphore, #tpu.memory_space<semaphore_mem>>)
    %dma_start3A_74 = tpu.memref_slice %arg4[%add3A_71] : memref<320000xi32, #tpu.memory_space<hbm>> -> memref<80xi32, #tpu.memory_space<hbm>>
    %dma_start3A_75 = tpu.memref_slice %arg4[%add3A_71] : memref<320000xi32, #tpu.memory_space<hbm>> -> memref<80xi32, #tpu.memory_space<hbm>>
    tpu.enqueue_dma source(%dma_start3A_75 : memref<80xi32, #tpu.memory_space<hbm>>) target(%arg9 : memref<80xi32, #tpu.memory_space<vmem>>) target_semaphore(%arg23 : memref<!tpu.dma_semaphore, #tpu.memory_space<semaphore_mem>>)
    %dma_start3A_76 = arith.constant 0 : i32
    %dma_start3A_77 = tpu.memref_slice %arg5[%add3A_71, %dma_start3A_76] : memref<320000x16xf32, #tpu.memory_space<hbm>> -> memref<80x16xf32, #tpu.memory_space<hbm>>
    %dma_start3A_78 = arith.constant 0 : i32
    %dma_start3A_79 = tpu.memref_slice %arg5[%add3A_71, %dma_start3A_78] : memref<320000x16xf32, #tpu.memory_space<hbm>> -> memref<80x16xf32, #tpu.memory_space<hbm>>
    tpu.enqueue_dma source(%dma_start3A_79 : memref<80x16xf32, #tpu.memory_space<hbm>>) target(%arg10 : memref<80x16xf32, #tpu.memory_space<vmem>>) target_semaphore(%arg23 : memref<!tpu.dma_semaphore, #tpu.memory_space<semaphore_mem>>)
    %mul3A_80 = arith.constant 2500 : i32
    %mul3A_81 = arith.muli %arg1, %mul3A_80 : i32
    %add3A_82 = arith.constant 0 : i32
    %add3A_83 = arith.addi %mul3A_81, %add3A_82 : i32
    %dma_start3A_84 = arith.constant 0 : i32
    %dma_start3A_85 = tpu.memref_slice %arg6[%arg0, %add3A_83, %dma_start3A_84] : memref<2x40000x128xf32, #tpu.memory_space<hbm>> -> memref<1x10x128xf32, #tpu.memory_space<hbm>>
    %dma_start3A_86 = tpu.memref_squeeze %dma_start3A_85 : memref<1x10x128xf32, #tpu.memory_space<hbm>> -> memref<10x128xf32, #tpu.memory_space<hbm>>
    %dma_start3A_87 = arith.constant 0 : i32
    %dma_start3A_88 = tpu.memref_slice %arg6[%arg0, %add3A_83, %dma_start3A_87] : memref<2x40000x128xf32, #tpu.memory_space<hbm>> -> memref<1x10x128xf32, #tpu.memory_space<hbm>>
    %dma_start3A_89 = tpu.memref_squeeze %dma_start3A_88 : memref<1x10x128xf32, #tpu.memory_space<hbm>> -> memref<10x128xf32, #tpu.memory_space<hbm>>
    tpu.enqueue_dma source(%dma_start3A_89 : memref<10x128xf32, #tpu.memory_space<hbm>>) target(%arg11 : memref<10x128xf32, #tpu.memory_space<vmem>>) target_semaphore(%arg23 : memref<!tpu.dma_semaphore, #tpu.memory_space<semaphore_mem>>)
    %add3A_90 = arith.constant 80 : i32
    %add3A_91 = arith.addi %mul3A_64, %add3A_90 : i32
    %dma_start3A_92 = tpu.memref_slice %arg3[%add3A_91] : memref<320000xi32, #tpu.memory_space<hbm>> -> memref<80xi32, #tpu.memory_space<hbm>>
    %dma_start3A_93 = tpu.memref_slice %arg3[%add3A_91] : memref<320000xi32, #tpu.memory_space<hbm>> -> memref<80xi32, #tpu.memory_space<hbm>>
    tpu.enqueue_dma source(%dma_start3A_93 : memref<80xi32, #tpu.memory_space<hbm>>) target(%arg15 : memref<80xi32, #tpu.memory_space<vmem>>) target_semaphore(%arg26 : memref<!tpu.dma_semaphore, #tpu.memory_space<semaphore_mem>>)
    %dma_start3A_94 = tpu.memref_slice %arg4[%add3A_91] : memref<320000xi32, #tpu.memory_space<hbm>> -> memref<80xi32, #tpu.memory_space<hbm>>
    %dma_start3A_95 = tpu.memref_slice %arg4[%add3A_91] : memref<320000xi32, #tpu.memory_space<hbm>> -> memref<80xi32, #tpu.memory_space<hbm>>
    tpu.enqueue_dma source(%dma_start3A_95 : memref<80xi32, #tpu.memory_space<hbm>>) target(%arg16 : memref<80xi32, #tpu.memory_space<vmem>>) target_semaphore(%arg26 : memref<!tpu.dma_semaphore, #tpu.memory_space<semaphore_mem>>)
    %dma_start3A_96 = arith.constant 0 : i32
    %dma_start3A_97 = tpu.memref_slice %arg5[%add3A_91, %dma_start3A_96] : memref<320000x16xf32, #tpu.memory_space<hbm>> -> memref<80x16xf32, #tpu.memory_space<hbm>>
    %dma_start3A_98 = arith.constant 0 : i32
    %dma_start3A_99 = tpu.memref_slice %arg5[%add3A_91, %dma_start3A_98] : memref<320000x16xf32, #tpu.memory_space<hbm>> -> memref<80x16xf32, #tpu.memory_space<hbm>>
    tpu.enqueue_dma source(%dma_start3A_99 : memref<80x16xf32, #tpu.memory_space<hbm>>) target(%arg17 : memref<80x16xf32, #tpu.memory_space<vmem>>) target_semaphore(%arg26 : memref<!tpu.dma_semaphore, #tpu.memory_space<semaphore_mem>>)
    %mul3A_100 = arith.constant 2500 : i32
    %mul3A_101 = arith.muli %arg1, %mul3A_100 : i32
    %add3A_102 = arith.constant 10 : i32
    %add3A_103 = arith.addi %mul3A_101, %add3A_102 : i32
    %dma_start3A_104 = arith.constant 0 : i32
    %dma_start3A_105 = tpu.memref_slice %arg6[%arg0, %add3A_103, %dma_start3A_104] : memref<2x40000x128xf32, #tpu.memory_space<hbm>> -> memref<1x10x128xf32, #tpu.memory_space<hbm>>
    %dma_start3A_106 = tpu.memref_squeeze %dma_start3A_105 : memref<1x10x128xf32, #tpu.memory_space<hbm>> -> memref<10x128xf32, #tpu.memory_space<hbm>>
    %dma_start3A_107 = arith.constant 0 : i32
    %dma_start3A_108 = tpu.memref_slice %arg6[%arg0, %add3A_103, %dma_start3A_107] : memref<2x40000x128xf32, #tpu.memory_space<hbm>> -> memref<1x10x128xf32, #tpu.memory_space<hbm>>
    %dma_start3A_109 = tpu.memref_squeeze %dma_start3A_108 : memref<1x10x128xf32, #tpu.memory_space<hbm>> -> memref<10x128xf32, #tpu.memory_space<hbm>>
    tpu.enqueue_dma source(%dma_start3A_109 : memref<10x128xf32, #tpu.memory_space<hbm>>) target(%arg18 : memref<10x128xf32, #tpu.memory_space<vmem>>) target_semaphore(%arg26 : memref<!tpu.dma_semaphore, #tpu.memory_space<semaphore_mem>>)
    %scan3A_110 = arith.constant 0 : i32
    %scan3A_111 = arith.constant 0 : i32
    %scan3A_112 = arith.constant 125 : i32
    %scan3A_113 = arith.addi %scan3A_111, %scan3A_112 : i32
    %scan3A_114 = arith.constant 1 : i32
    scf.for %scan3A_122 = %scan3A_111 to %scan3A_113 step %scan3A_114  : i32 {
      %mul3A_123 = arith.constant 2 : i32
      %mul3A_124 = arith.muli %mul3A_123, %scan3A_122 : i32
      %dma_wait3A_125 = arith.constant 0 : i32
      %dma_wait3A_126 = tpu.memref_slice %arg3[%dma_wait3A_125] : memref<320000xi32, #tpu.memory_space<hbm>> -> memref<80xi32, #tpu.memory_space<hbm>>
      %dma_wait3A_127 = arith.constant 0 : i32
      %dma_wait3A_128 = tpu.memref_slice %arg3[%dma_wait3A_127] : memref<320000xi32, #tpu.memory_space<hbm>> -> memref<80xi32, #tpu.memory_space<hbm>>
      tpu.wait_dma2 semaphore(%arg23 : memref<!tpu.dma_semaphore, #tpu.memory_space<semaphore_mem>>) src(%dma_wait3A_128 : memref<80xi32, #tpu.memory_space<hbm>>) dst(%arg8 : memref<80xi32, #tpu.memory_space<vmem>>)
      %dma_wait3A_129 = arith.constant 0 : i32
      %dma_wait3A_130 = tpu.memref_slice %arg4[%dma_wait3A_129] : memref<320000xi32, #tpu.memory_space<hbm>> -> memref<80xi32, #tpu.memory_space<hbm>>
      %dma_wait3A_131 = arith.constant 0 : i32
      %dma_wait3A_132 = tpu.memref_slice %arg4[%dma_wait3A_131] : memref<320000xi32, #tpu.memory_space<hbm>> -> memref<80xi32, #tpu.memory_space<hbm>>
      tpu.wait_dma2 semaphore(%arg23 : memref<!tpu.dma_semaphore, #tpu.memory_space<semaphore_mem>>) src(%dma_wait3A_132 : memref<80xi32, #tpu.memory_space<hbm>>) dst(%arg9 : memref<80xi32, #tpu.memory_space<vmem>>)
      %dma_wait3A_133 = arith.constant 0 : i32
      %dma_wait3A_134 = arith.constant 0 : i32
      %dma_wait3A_135 = tpu.memref_slice %arg5[%dma_wait3A_133, %dma_wait3A_134] : memref<320000x16xf32, #tpu.memory_space<hbm>> -> memref<80x16xf32, #tpu.memory_space<hbm>>
      %dma_wait3A_136 = arith.constant 0 : i32
      %dma_wait3A_137 = arith.constant 0 : i32
      %dma_wait3A_138 = tpu.memref_slice %arg5[%dma_wait3A_136, %dma_wait3A_137] : memref<320000x16xf32, #tpu.memory_space<hbm>> -> memref<80x16xf32, #tpu.memory_space<hbm>>
      tpu.wait_dma2 semaphore(%arg23 : memref<!tpu.dma_semaphore, #tpu.memory_space<semaphore_mem>>) src(%dma_wait3A_138 : memref<80x16xf32, #tpu.memory_space<hbm>>) dst(%arg10 : memref<80x16xf32, #tpu.memory_space<vmem>>)
      %dma_wait3A_139 = arith.constant 0 : i32
      %dma_wait3A_140 = arith.constant 0 : i32
      %dma_wait3A_141 = tpu.memref_slice %arg6[%arg0, %dma_wait3A_139, %dma_wait3A_140] : memref<2x40000x128xf32, #tpu.memory_space<hbm>> -> memref<1x10x128xf32, #tpu.memory_space<hbm>>
      %dma_wait3A_142 = tpu.memref_squeeze %dma_wait3A_141 : memref<1x10x128xf32, #tpu.memory_space<hbm>> -> memref<10x128xf32, #tpu.memory_space<hbm>>
      %dma_wait3A_143 = arith.constant 0 : i32
      %dma_wait3A_144 = arith.constant 0 : i32
      %dma_wait3A_145 = tpu.memref_slice %arg6[%arg0, %dma_wait3A_143, %dma_wait3A_144] : memref<2x40000x128xf32, #tpu.memory_space<hbm>> -> memref<1x10x128xf32, #tpu.memory_space<hbm>>
      %dma_wait3A_146 = tpu.memref_squeeze %dma_wait3A_145 : memref<1x10x128xf32, #tpu.memory_space<hbm>> -> memref<10x128xf32, #tpu.memory_space<hbm>>
      tpu.wait_dma2 semaphore(%arg23 : memref<!tpu.dma_semaphore, #tpu.memory_space<semaphore_mem>>) src(%dma_wait3A_146 : memref<10x128xf32, #tpu.memory_space<hbm>>) dst(%arg11 : memref<10x128xf32, #tpu.memory_space<vmem>>)
      %mul3A_147 = arith.constant 10000 : i32
      %mul3A_148 = arith.muli %arg0, %mul3A_147 : i32
      %broadcast_in_dim3A_149 = vector.broadcast %mul3A_148 : i32 to vector<16xi32>
      %get3A = arith.constant 0 : index
      %get3A_150 = tpu.vector_load %arg8[%get3A] {strides = array<i32>} : memref<80xi32, #tpu.memory_space<vmem>>, vector<16xi32>,
      %get3A_151 = vector.shape_cast %get3A_150 : vector<16xi32> to vector<16xi32>
      %add3A_152 = arith.addi %get3A_151, %broadcast_in_dim3A_149 : vector<16xi32>
      %swap3A_153 = arith.constant 0 : index
      %swap3A_154 = tpu.vector_load %arg8[%swap3A_153] {strides = array<i32>} : memref<80xi32, #tpu.memory_space<vmem>>, vector<16xi32>,
      %swap3A_155 = vector.shape_cast %swap3A_154 : vector<16xi32> to vector<16xi32>
      %swap3A_156 = vector.shape_cast %add3A_152 : vector<16xi32> to vector<16xi32>
      tpu.vector_store %arg8[%swap3A_153], %swap3A_156 {strides = array<i32>} : memref<80xi32, #tpu.memory_space<vmem>>, vector<16xi32>,
      %get3A_157 = arith.constant 16 : index
      %get3A_158 = tpu.vector_load %arg8[%get3A_157] {strides = array<i32>} : memref<80xi32, #tpu.memory_space<vmem>>, vector<16xi32>,
      %get3A_159 = vector.shape_cast %get3A_158 : vector<16xi32> to vector<16xi32>
      %add3A_160 = arith.addi %get3A_159, %broadcast_in_dim3A_149 : vector<16xi32>
      %swap3A_161 = arith.constant 16 : index
      %swap3A_162 = tpu.vector_load %arg8[%swap3A_161] {strides = array<i32>} : memref<80xi32, #tpu.memory_space<vmem>>, vector<16xi32>,
      %swap3A_163 = vector.shape_cast %swap3A_162 : vector<16xi32> to vector<16xi32>
      %swap3A_164 = vector.shape_cast %add3A_160 : vector<16xi32> to vector<16xi32>
      tpu.vector_store %arg8[%swap3A_161], %swap3A_164 {strides = array<i32>} : memref<80xi32, #tpu.memory_space<vmem>>, vector<16xi32>,
      %get3A_165 = arith.constant 32 : index
      %get3A_166 = tpu.vector_load %arg8[%get3A_165] {strides = array<i32>} : memref<80xi32, #tpu.memory_space<vmem>>, vector<16xi32>,
      %get3A_167 = vector.shape_cast %get3A_166 : vector<16xi32> to vector<16xi32>
      %add3A_168 = arith.addi %get3A_167, %broadcast_in_dim3A_149 : vector<16xi32>
      %swap3A_169 = arith.constant 32 : index
      %swap3A_170 = tpu.vector_load %arg8[%swap3A_169] {strides = array<i32>} : memref<80xi32, #tpu.memory_space<vmem>>, vector<16xi32>,
      %swap3A_171 = vector.shape_cast %swap3A_170 : vector<16xi32> to vector<16xi32>
      %swap3A_172 = vector.shape_cast %add3A_168 : vector<16xi32> to vector<16xi32>
      tpu.vector_store %arg8[%swap3A_169], %swap3A_172 {strides = array<i32>} : memref<80xi32, #tpu.memory_space<vmem>>, vector<16xi32>,
      %get3A_173 = arith.constant 48 : index
      %get3A_174 = tpu.vector_load %arg8[%get3A_173] {strides = array<i32>} : memref<80xi32, #tpu.memory_space<vmem>>, vector<16xi32>,
      %get3A_175 = vector.shape_cast %get3A_174 : vector<16xi32> to vector<16xi32>
      %add3A_176 = arith.addi %get3A_175, %broadcast_in_dim3A_149 : vector<16xi32>
      %swap3A_177 = arith.constant 48 : index
      %swap3A_178 = tpu.vector_load %arg8[%swap3A_177] {strides = array<i32>} : memref<80xi32, #tpu.memory_space<vmem>>, vector<16xi32>,
      %swap3A_179 = vector.shape_cast %swap3A_178 : vector<16xi32> to vector<16xi32>
      %swap3A_180 = vector.shape_cast %add3A_176 : vector<16xi32> to vector<16xi32>
      tpu.vector_store %arg8[%swap3A_177], %swap3A_180 {strides = array<i32>} : memref<80xi32, #tpu.memory_space<vmem>>, vector<16xi32>,
      %get3A_181 = arith.constant 64 : index
      %get3A_182 = tpu.vector_load %arg8[%get3A_181] {strides = array<i32>} : memref<80xi32, #tpu.memory_space<vmem>>, vector<16xi32>,
      %get3A_183 = vector.shape_cast %get3A_182 : vector<16xi32> to vector<16xi32>
      %add3A_184 = arith.addi %get3A_183, %broadcast_in_dim3A_149 : vector<16xi32>
      %swap3A_185 = arith.constant 64 : index
      %swap3A_186 = tpu.vector_load %arg8[%swap3A_185] {strides = array<i32>} : memref<80xi32, #tpu.memory_space<vmem>>, vector<16xi32>,
      %swap3A_187 = vector.shape_cast %swap3A_186 : vector<16xi32> to vector<16xi32>
      %swap3A_188 = vector.shape_cast %add3A_184 : vector<16xi32> to vector<16xi32>
      tpu.vector_store %arg8[%swap3A_185], %swap3A_188 {strides = array<i32>} : memref<80xi32, #tpu.memory_space<vmem>>, vector<16xi32>,
      %dma_start3A_189 = arith.constant 0 : i32
      %dma_start3A_190 = arith.constant 0 : i32
      %dma_start3A_191 = tpu.memref_slice %arg2[%dma_start3A_189, %dma_start3A_190] : memref<20000x128xf32, #tpu.memory_space<hbm>> -> memref<20000x128xf32, #tpu.memory_space<hbm>>
      tpu.enqueue_indirect_dma source(%dma_start3A_191 : memref<20000x128xf32, #tpu.memory_space<hbm>>) target(%arg12 : memref<80x128xf32, #tpu.memory_space<vmem>>) offsets(%arg8 : memref<80xi32, #tpu.memory_space<vmem>>) semaphore(%arg24 : memref<!tpu.dma_semaphore, #tpu.memory_space<semaphore_mem>>)
      %dma_wait3A_192 = arith.constant 0 : i32
      %dma_wait3A_193 = tpu.memref_slice %arg3[%dma_wait3A_192] : memref<320000xi32, #tpu.memory_space<hbm>> -> memref<80xi32, #tpu.memory_space<hbm>>
      %dma_wait3A_194 = arith.constant 0 : i32
      %dma_wait3A_195 = tpu.memref_slice %arg3[%dma_wait3A_194] : memref<320000xi32, #tpu.memory_space<hbm>> -> memref<80xi32, #tpu.memory_space<hbm>>
      tpu.wait_dma2 semaphore(%arg26 : memref<!tpu.dma_semaphore, #tpu.memory_space<semaphore_mem>>) src(%dma_wait3A_195 : memref<80xi32, #tpu.memory_space<hbm>>) dst(%arg15 : memref<80xi32, #tpu.memory_space<vmem>>)
      %dma_wait3A_196 = arith.constant 0 : i32
      %dma_wait3A_197 = tpu.memref_slice %arg4[%dma_wait3A_196] : memref<320000xi32, #tpu.memory_space<hbm>> -> memref<80xi32, #tpu.memory_space<hbm>>
      %dma_wait3A_198 = arith.constant 0 : i32
      %dma_wait3A_199 = tpu.memref_slice %arg4[%dma_wait3A_198] : memref<320000xi32, #tpu.memory_space<hbm>> -> memref<80xi32, #tpu.memory_space<hbm>>
      tpu.wait_dma2 semaphore(%arg26 : memref<!tpu.dma_semaphore, #tpu.memory_space<semaphore_mem>>) src(%dma_wait3A_199 : memref<80xi32, #tpu.memory_space<hbm>>) dst(%arg16 : memref<80xi32, #tpu.memory_space<vmem>>)
      %dma_wait3A_200 = arith.constant 0 : i32
      %dma_wait3A_201 = arith.constant 0 : i32
      %dma_wait3A_202 = tpu.memref_slice %arg5[%dma_wait3A_200, %dma_wait3A_201] : memref<320000x16xf32, #tpu.memory_space<hbm>> -> memref<80x16xf32, #tpu.memory_space<hbm>>
      %dma_wait3A_203 = arith.constant 0 : i32
      %dma_wait3A_204 = arith.constant 0 : i32
      %dma_wait3A_205 = tpu.memref_slice %arg5[%dma_wait3A_203, %dma_wait3A_204] : memref<320000x16xf32, #tpu.memory_space<hbm>> -> memref<80x16xf32, #tpu.memory_space<hbm>>
      tpu.wait_dma2 semaphore(%arg26 : memref<!tpu.dma_semaphore, #tpu.memory_space<semaphore_mem>>) src(%dma_wait3A_205 : memref<80x16xf32, #tpu.memory_space<hbm>>) dst(%arg17 : memref<80x16xf32, #tpu.memory_space<vmem>>)
      %dma_wait3A_206 = arith.constant 0 : i32
      %dma_wait3A_207 = arith.constant 0 : i32
      %dma_wait3A_208 = tpu.memref_slice %arg6[%arg0, %dma_wait3A_206, %dma_wait3A_207] : memref<2x40000x128xf32, #tpu.memory_space<hbm>> -> memref<1x10x128xf32, #tpu.memory_space<hbm>>
      %dma_wait3A_209 = tpu.memref_squeeze %dma_wait3A_208 : memref<1x10x128xf32, #tpu.memory_space<hbm>> -> memref<10x128xf32, #tpu.memory_space<hbm>>
      %dma_wait3A_210 = arith.constant 0 : i32
      %dma_wait3A_211 = arith.constant 0 : i32
      %dma_wait3A_212 = tpu.memref_slice %arg6[%arg0, %dma_wait3A_210, %dma_wait3A_211] : memref<2x40000x128xf32, #tpu.memory_space<hbm>> -> memref<1x10x128xf32, #tpu.memory_space<hbm>>
      %dma_wait3A_213 = tpu.memref_squeeze %dma_wait3A_212 : memref<1x10x128xf32, #tpu.memory_space<hbm>> -> memref<10x128xf32, #tpu.memory_space<hbm>>
      tpu.wait_dma2 semaphore(%arg26 : memref<!tpu.dma_semaphore, #tpu.memory_space<semaphore_mem>>) src(%dma_wait3A_213 : memref<10x128xf32, #tpu.memory_space<hbm>>) dst(%arg18 : memref<10x128xf32, #tpu.memory_space<vmem>>)
      %mul3A_214 = arith.constant 10000 : i32
      %mul3A_215 = arith.muli %arg0, %mul3A_214 : i32
      %broadcast_in_dim3A_216 = vector.broadcast %mul3A_215 : i32 to vector<16xi32>
      %get3A_217 = arith.constant 0 : index
      %get3A_218 = tpu.vector_load %arg15[%get3A_217] {strides = array<i32>} : memref<80xi32, #tpu.memory_space<vmem>>, vector<16xi32>,
      %get3A_219 = vector.shape_cast %get3A_218 : vector<16xi32> to vector<16xi32>
      %add3A_220 = arith.addi %get3A_219, %broadcast_in_dim3A_216 : vector<16xi32>
      %swap3A_221 = arith.constant 0 : index
      %swap3A_222 = tpu.vector_load %arg15[%swap3A_221] {strides = array<i32>} : memref<80xi32, #tpu.memory_space<vmem>>, vector<16xi32>,
      %swap3A_223 = vector.shape_cast %swap3A_222 : vector<16xi32> to vector<16xi32>
      %swap3A_224 = vector.shape_cast %add3A_220 : vector<16xi32> to vector<16xi32>
      tpu.vector_store %arg15[%swap3A_221], %swap3A_224 {strides = array<i32>} : memref<80xi32, #tpu.memory_space<vmem>>, vector<16xi32>,
      %get3A_225 = arith.constant 16 : index
      %get3A_226 = tpu.vector_load %arg15[%get3A_225] {strides = array<i32>} : memref<80xi32, #tpu.memory_space<vmem>>, vector<16xi32>,
      %get3A_227 = vector.shape_cast %get3A_226 : vector<16xi32> to vector<16xi32>
      %add3A_228 = arith.addi %get3A_227, %broadcast_in_dim3A_216 : vector<16xi32>
      %swap3A_229 = arith.constant 16 : index
      %swap3A_230 = tpu.vector_load %arg15[%swap3A_229] {strides = array<i32>} : memref<80xi32, #tpu.memory_space<vmem>>, vector<16xi32>,
      %swap3A_231 = vector.shape_cast %swap3A_230 : vector<16xi32> to vector<16xi32>
      %swap3A_232 = vector.shape_cast %add3A_228 : vector<16xi32> to vector<16xi32>
      tpu.vector_store %arg15[%swap3A_229], %swap3A_232 {strides = array<i32>} : memref<80xi32, #tpu.memory_space<vmem>>, vector<16xi32>,
      %get3A_233 = arith.constant 32 : index
      %get3A_234 = tpu.vector_load %arg15[%get3A_233] {strides = array<i32>} : memref<80xi32, #tpu.memory_space<vmem>>, vector<16xi32>,
      %get3A_235 = vector.shape_cast %get3A_234 : vector<16xi32> to vector<16xi32>
      %add3A_236 = arith.addi %get3A_235, %broadcast_in_dim3A_216 : vector<16xi32>
      %swap3A_237 = arith.constant 32 : index
      %swap3A_238 = tpu.vector_load %arg15[%swap3A_237] {strides = array<i32>} : memref<80xi32, #tpu.memory_space<vmem>>, vector<16xi32>,
      %swap3A_239 = vector.shape_cast %swap3A_238 : vector<16xi32> to vector<16xi32>
      %swap3A_240 = vector.shape_cast %add3A_236 : vector<16xi32> to vector<16xi32>
      tpu.vector_store %arg15[%swap3A_237], %swap3A_240 {strides = array<i32>} : memref<80xi32, #tpu.memory_space<vmem>>, vector<16xi32>,
      %get3A_241 = arith.constant 48 : index
      %get3A_242 = tpu.vector_load %arg15[%get3A_241] {strides = array<i32>} : memref<80xi32, #tpu.memory_space<vmem>>, vector<16xi32>,
      %get3A_243 = vector.shape_cast %get3A_242 : vector<16xi32> to vector<16xi32>
      %add3A_244 = arith.addi %get3A_243, %broadcast_in_dim3A_216 : vector<16xi32>
      %swap3A_245 = arith.constant 48 : index
      %swap3A_246 = tpu.vector_load %arg15[%swap3A_245] {strides = array<i32>} : memref<80xi32, #tpu.memory_space<vmem>>, vector<16xi32>,
      %swap3A_247 = vector.shape_cast %swap3A_246 : vector<16xi32> to vector<16xi32>
      %swap3A_248 = vector.shape_cast %add3A_244 : vector<16xi32> to vector<16xi32>
      tpu.vector_store %arg15[%swap3A_245], %swap3A_248 {strides = array<i32>} : memref<80xi32, #tpu.memory_space<vmem>>, vector<16xi32>,
      %get3A_249 = arith.constant 64 : index
      %get3A_250 = tpu.vector_load %arg15[%get3A_249] {strides = array<i32>} : memref<80xi32, #tpu.memory_space<vmem>>, vector<16xi32>,
      %get3A_251 = vector.shape_cast %get3A_250 : vector<16xi32> to vector<16xi32>
      %add3A_252 = arith.addi %get3A_251, %broadcast_in_dim3A_216 : vector<16xi32>
      %swap3A_253 = arith.constant 64 : index
      %swap3A_254 = tpu.vector_load %arg15[%swap3A_253] {strides = array<i32>} : memref<80xi32, #tpu.memory_space<vmem>>, vector<16xi32>,
      %swap3A_255 = vector.shape_cast %swap3A_254 : vector<16xi32> to vector<16xi32>
      %swap3A_256 = vector.shape_cast %add3A_252 : vector<16xi32> to vector<16xi32>
      tpu.vector_store %arg15[%swap3A_253], %swap3A_256 {strides = array<i32>} : memref<80xi32, #tpu.memory_space<vmem>>, vector<16xi32>,
      %dma_start3A_257 = arith.constant 0 : i32
      %dma_start3A_258 = arith.constant 0 : i32
      %dma_start3A_259 = tpu.memref_slice %arg2[%dma_start3A_257, %dma_start3A_258] : memref<20000x128xf32, #tpu.memory_space<hbm>> -> memref<20000x128xf32, #tpu.memory_space<hbm>>
      tpu.enqueue_indirect_dma source(%dma_start3A_259 : memref<20000x128xf32, #tpu.memory_space<hbm>>) target(%arg19 : memref<80x128xf32, #tpu.memory_space<vmem>>) offsets(%arg15 : memref<80xi32, #tpu.memory_space<vmem>>) semaphore(%arg27 : memref<!tpu.dma_semaphore, #tpu.memory_space<semaphore_mem>>)
      %dma_wait3A_260 = arith.constant 0 : i32
      %dma_wait3A_261 = arith.constant 0 : i32
      %dma_wait3A_262 = tpu.memref_slice %arg2[%dma_wait3A_260, %dma_wait3A_261] : memref<20000x128xf32, #tpu.memory_space<hbm>> -> memref<20000x128xf32, #tpu.memory_space<hbm>>
      tpu.wait_indirect_dma semaphore(%arg24 : memref<!tpu.dma_semaphore, #tpu.memory_space<semaphore_mem>>) src(%dma_wait3A_262 : memref<20000x128xf32, #tpu.memory_space<hbm>>) dst(%arg12 : memref<80x128xf32, #tpu.memory_space<vmem>>)
      %dma_wait3A_263 = arith.constant 0 : i32
      %dma_wait3A_264 = arith.constant 0 : i32
      %dma_wait3A_265 = tpu.memref_slice %arg22[%dma_wait3A_263, %dma_wait3A_264] : memref<10240x128xf32, #tpu.memory_space<vmem_shared>> -> memref<10240x128xf32, #tpu.memory_space<vmem_shared>>
      tpu.wait_indirect_dma semaphore(%arg25 : memref<!tpu.dma_semaphore, #tpu.memory_space<semaphore_mem>>) src(%arg13 : memref<80x128xf32, #tpu.memory_space<vmem>>) dst(%dma_wait3A_265 : memref<10240x128xf32, #tpu.memory_space<vmem_shared>>)
      %parallel_loop3A = arith.constant 0 : i32
      %parallel_loop3A_266 = arith.constant 80 : i32
      %parallel_loop3A_267 = arith.constant 1 : i32
      scf.for %parallel_loop3A_364 = %parallel_loop3A to %parallel_loop3A_266 step %parallel_loop3A_267  : i32 {
        %parallel_loop3A_365 = tpu.iota {dimensions = array<i32: 0>} : vector<16xi32>
        %parallel_loop3A_366 = arith.sitofp %parallel_loop3A_365 : vector<16xi32> to vector<16xf32>
        %parallel_loop3A_367 = arith.constant 2.000000e+00 : f32
        %parallel_loop3A_368 = vector.broadcast %parallel_loop3A_367 : f32 to vector<16xf32>
        %parallel_loop3A_369 = arith.subf %parallel_loop3A_368, %parallel_loop3A_366 : vector<16xf32>
        %parallel_loop3A_370 = arith.constant 1.000000e+00 : f32
        %parallel_loop3A_371 = vector.broadcast %parallel_loop3A_370 : f32 to vector<16xf32>
        %parallel_loop3A_372 = arith.minimumf %parallel_loop3A_371, %parallel_loop3A_369 : vector<16xf32>
        %parallel_loop3A_373 = arith.constant 0.000000e+00 : f32
        %parallel_loop3A_374 = vector.broadcast %parallel_loop3A_373 : f32 to vector<16xf32>
        %parallel_loop3A_375 = arith.maximumf %parallel_loop3A_374, %parallel_loop3A_372 : vector<16xf32>
        %parallel_loop3A_376 = arith.constant 2.000000e+00 : f32
        %parallel_loop3A_377 = vector.broadcast %parallel_loop3A_376 : f32 to vector<16xf32>
        %parallel_loop3A_378 = arith.subf %parallel_loop3A_366, %parallel_loop3A_377 : vector<16xf32>
        %parallel_loop3A_379 = math.absf %parallel_loop3A_378 : vector<16xf32>
        %parallel_loop3A_380 = arith.constant 1.000000e+00 : f32
        %parallel_loop3A_381 = vector.broadcast %parallel_loop3A_380 : f32 to vector<16xf32>
        %parallel_loop3A_382 = arith.subf %parallel_loop3A_381, %parallel_loop3A_379 : vector<16xf32>
        %parallel_loop3A_383 = arith.constant 0.000000e+00 : f32
        %parallel_loop3A_384 = vector.broadcast %parallel_loop3A_383 : f32 to vector<16xf32>
        %parallel_loop3A_385 = arith.maximumf %parallel_loop3A_384, %parallel_loop3A_382 : vector<16xf32>
        %parallel_loop3A_386 = arith.index_cast %parallel_loop3A_364 : i32 to index
        %parallel_loop3A_387 = arith.constant 64 : index
        %parallel_loop3A_388 = tpu.vector_load %arg12[%parallel_loop3A_386, %parallel_loop3A_387] {strides = array<i32>} : memref<80x128xf32, #tpu.memory_space<vmem>>, vector<1x16xf32>,
        %parallel_loop3A_389 = vector.shape_cast %parallel_loop3A_388 : vector<1x16xf32> to vector<16xf32>
        %parallel_loop3A_390 = arith.constant 3 : i32
        %parallel_loop3A_391 = arith.shrui %parallel_loop3A_364, %parallel_loop3A_390 : i32
        %parallel_loop3A_392 = arith.constant 7 : i32
        %parallel_loop3A_393 = arith.andi %parallel_loop3A_364, %parallel_loop3A_392 : i32
        %parallel_loop3A_394 = arith.constant 16 : i32
        %parallel_loop3A_395 = arith.muli %parallel_loop3A_393, %parallel_loop3A_394 : i32
        %parallel_loop3A_396 = arith.index_cast %parallel_loop3A_391 : i32 to index
        %parallel_loop3A_397 = arith.index_cast %parallel_loop3A_395 : i32 to index
        %parallel_loop3A_398 = tpu.vector_load %arg11[%parallel_loop3A_396, %parallel_loop3A_397] {strides = array<i32>} : memref<10x128xf32, #tpu.memory_space<vmem>>, vector<1x16xf32>,
        %parallel_loop3A_399 = vector.shape_cast %parallel_loop3A_398 : vector<1x16xf32> to vector<16xf32>
        %parallel_loop3A_400 = arith.addf %parallel_loop3A_389, %parallel_loop3A_399 : vector<16xf32>
        %parallel_loop3A_401 = arith.addf %parallel_loop3A_400, %parallel_loop3A_400 : vector<16xf32>
        %parallel_loop3A_402 = math.exp %parallel_loop3A_401 : vector<16xf32>
        %parallel_loop3A_403 = arith.constant 1.000000e+00 : f32
        %parallel_loop3A_404 = vector.broadcast %parallel_loop3A_403 : f32 to vector<16xf32>
        %parallel_loop3A_405 = arith.addf %parallel_loop3A_402, %parallel_loop3A_404 : vector<16xf32>
        %parallel_loop3A_406 = arith.constant 2.000000e+00 : f32
        %parallel_loop3A_407 = vector.broadcast %parallel_loop3A_406 : f32 to vector<16xf32>
        %parallel_loop3A_408 = arith.divf %parallel_loop3A_407, %parallel_loop3A_405 : vector<16xf32>
        %parallel_loop3A_409 = arith.constant 1.000000e+00 : f32
        %parallel_loop3A_410 = vector.broadcast %parallel_loop3A_409 : f32 to vector<16xf32>
        %parallel_loop3A_411 = arith.subf %parallel_loop3A_410, %parallel_loop3A_408 : vector<16xf32>
        %parallel_loop3A_412 = vector.extract_strided_slice %parallel_loop3A_411 {offsets = [0], sizes = [1], strides = [1]} : vector<16xf32> to vector<1xf32>
        %parallel_loop3A_413 = vector.extract %parallel_loop3A_412[0] : f32 from vector<1xf32>
        %parallel_loop3A_414 = vector.extract_strided_slice %parallel_loop3A_411 {offsets = [1], sizes = [1], strides = [1]} : vector<16xf32> to vector<1xf32>
        %parallel_loop3A_415 = vector.extract %parallel_loop3A_414[0] : f32 from vector<1xf32>
        %parallel_loop3A_416 = arith.index_cast %parallel_loop3A_364 : i32 to index
        %parallel_loop3A_417 = arith.constant 0 : index
        %parallel_loop3A_418 = tpu.vector_load %arg12[%parallel_loop3A_416, %parallel_loop3A_417] {strides = array<i32>} : memref<80x128xf32, #tpu.memory_space<vmem>>, vector<1x16xf32>,
        %parallel_loop3A_419 = vector.shape_cast %parallel_loop3A_418 : vector<1x16xf32> to vector<16xf32>
        %parallel_loop3A_420 = vector.broadcast %parallel_loop3A_413 : f32 to vector<16xf32>
        %parallel_loop3A_421 = arith.mulf %parallel_loop3A_420, %parallel_loop3A_419 : vector<16xf32>
        %parallel_loop3A_422 = arith.index_cast %parallel_loop3A_364 : i32 to index
        %parallel_loop3A_423 = arith.constant 0 : index
        %parallel_loop3A_424 = tpu.vector_load %arg13[%parallel_loop3A_422, %parallel_loop3A_423] {strides = array<i32>} : memref<80x128xf32, #tpu.memory_space<vmem>>, vector<1x16xf32>,
        %parallel_loop3A_425 = vector.shape_cast %parallel_loop3A_424 : vector<1x16xf32> to vector<16xf32>
        %parallel_loop3A_426 = vector.shape_cast %parallel_loop3A_421 : vector<16xf32> to vector<1x16xf32>
        tpu.vector_store %arg13[%parallel_loop3A_422, %parallel_loop3A_423], %parallel_loop3A_426 {strides = array<i32>} : memref<80x128xf32, #tpu.memory_space<vmem>>, vector<1x16xf32>,
        %parallel_loop3A_427 = arith.index_cast %parallel_loop3A_364 : i32 to index
        %parallel_loop3A_428 = arith.constant 16 : index
        %parallel_loop3A_429 = tpu.vector_load %arg12[%parallel_loop3A_427, %parallel_loop3A_428] {strides = array<i32>} : memref<80x128xf32, #tpu.memory_space<vmem>>, vector<1x16xf32>,
        %parallel_loop3A_430 = vector.shape_cast %parallel_loop3A_429 : vector<1x16xf32> to vector<16xf32>
        %parallel_loop3A_431 = vector.broadcast %parallel_loop3A_413 : f32 to vector<16xf32>
        %parallel_loop3A_432 = arith.mulf %parallel_loop3A_431, %parallel_loop3A_430 : vector<16xf32>
        %parallel_loop3A_433 = arith.index_cast %parallel_loop3A_364 : i32 to index
        %parallel_loop3A_434 = arith.constant 16 : index
        %parallel_loop3A_435 = tpu.vector_load %arg13[%parallel_loop3A_433, %parallel_loop3A_434] {strides = array<i32>} : memref<80x128xf32, #tpu.memory_space<vmem>>, vector<1x16xf32>,
        %parallel_loop3A_436 = vector.shape_cast %parallel_loop3A_435 : vector<1x16xf32> to vector<16xf32>
        %parallel_loop3A_437 = vector.shape_cast %parallel_loop3A_432 : vector<16xf32> to vector<1x16xf32>
        tpu.vector_store %arg13[%parallel_loop3A_433, %parallel_loop3A_434], %parallel_loop3A_437 {strides = array<i32>} : memref<80x128xf32, #tpu.memory_space<vmem>>, vector<1x16xf32>,
        %parallel_loop3A_438 = arith.index_cast %parallel_loop3A_364 : i32 to index
        %parallel_loop3A_439 = arith.constant 32 : index
        %parallel_loop3A_440 = tpu.vector_load %arg12[%parallel_loop3A_438, %parallel_loop3A_439] {strides = array<i32>} : memref<80x128xf32, #tpu.memory_space<vmem>>, vector<1x16xf32>,
        %parallel_loop3A_441 = vector.shape_cast %parallel_loop3A_440 : vector<1x16xf32> to vector<16xf32>
        %parallel_loop3A_442 = vector.broadcast %parallel_loop3A_415 : f32 to vector<16xf32>
        %parallel_loop3A_443 = arith.mulf %parallel_loop3A_442, %parallel_loop3A_441 : vector<16xf32>
        %parallel_loop3A_444 = arith.index_cast %parallel_loop3A_364 : i32 to index
        %parallel_loop3A_445 = arith.constant 32 : index
        %parallel_loop3A_446 = tpu.vector_load %arg13[%parallel_loop3A_444, %parallel_loop3A_445] {strides = array<i32>} : memref<80x128xf32, #tpu.memory_space<vmem>>, vector<1x16xf32>,
        %parallel_loop3A_447 = vector.shape_cast %parallel_loop3A_446 : vector<1x16xf32> to vector<16xf32>
        %parallel_loop3A_448 = vector.shape_cast %parallel_loop3A_443 : vector<16xf32> to vector<1x16xf32>
        tpu.vector_store %arg13[%parallel_loop3A_444, %parallel_loop3A_445], %parallel_loop3A_448 {strides = array<i32>} : memref<80x128xf32, #tpu.memory_space<vmem>>, vector<1x16xf32>,
        %parallel_loop3A_449 = arith.index_cast %parallel_loop3A_364 : i32 to index
        %parallel_loop3A_450 = arith.constant 48 : index
        %parallel_loop3A_451 = tpu.vector_load %arg12[%parallel_loop3A_449, %parallel_loop3A_450] {strides = array<i32>} : memref<80x128xf32, #tpu.memory_space<vmem>>, vector<1x16xf32>,
        %parallel_loop3A_452 = vector.shape_cast %parallel_loop3A_451 : vector<1x16xf32> to vector<16xf32>
        %parallel_loop3A_453 = vector.broadcast %parallel_loop3A_415 : f32 to vector<16xf32>
        %parallel_loop3A_454 = arith.mulf %parallel_loop3A_453, %parallel_loop3A_452 : vector<16xf32>
        %parallel_loop3A_455 = arith.index_cast %parallel_loop3A_364 : i32 to index
        %parallel_loop3A_456 = arith.constant 48 : index
        %parallel_loop3A_457 = tpu.vector_load %arg13[%parallel_loop3A_455, %parallel_loop3A_456] {strides = array<i32>} : memref<80x128xf32, #tpu.memory_space<vmem>>, vector<1x16xf32>,
        %parallel_loop3A_458 = vector.shape_cast %parallel_loop3A_457 : vector<1x16xf32> to vector<16xf32>
        %parallel_loop3A_459 = vector.shape_cast %parallel_loop3A_454 : vector<16xf32> to vector<1x16xf32>
        tpu.vector_store %arg13[%parallel_loop3A_455, %parallel_loop3A_456], %parallel_loop3A_459 {strides = array<i32>} : memref<80x128xf32, #tpu.memory_space<vmem>>, vector<1x16xf32>,
        %parallel_loop3A_460 = arith.index_cast %parallel_loop3A_364 : i32 to index
        %parallel_loop3A_461 = arith.constant 0 : index
        %parallel_loop3A_462 = tpu.vector_load %arg10[%parallel_loop3A_460, %parallel_loop3A_461] {strides = array<i32>} : memref<80x16xf32, #tpu.memory_space<vmem>>, vector<1x16xf32>,
        %parallel_loop3A_463 = vector.shape_cast %parallel_loop3A_462 : vector<1x16xf32> to vector<16xf32>
        %parallel_loop3A_464 = vector.broadcast %parallel_loop3A_413 : f32 to vector<16xf32>
        %parallel_loop3A_465 = arith.mulf %parallel_loop3A_464, %parallel_loop3A_463 : vector<16xf32>
        %parallel_loop3A_466 = arith.index_cast %parallel_loop3A_364 : i32 to index
        %parallel_loop3A_467 = arith.constant 64 : index
        %parallel_loop3A_468 = tpu.vector_load %arg13[%parallel_loop3A_466, %parallel_loop3A_467] {strides = array<i32>} : memref<80x128xf32, #tpu.memory_space<vmem>>, vector<1x16xf32>,
        %parallel_loop3A_469 = vector.shape_cast %parallel_loop3A_468 : vector<1x16xf32> to vector<16xf32>
        %parallel_loop3A_470 = vector.shape_cast %parallel_loop3A_465 : vector<16xf32> to vector<1x16xf32>
        tpu.vector_store %arg13[%parallel_loop3A_466, %parallel_loop3A_467], %parallel_loop3A_470 {strides = array<i32>} : memref<80x128xf32, #tpu.memory_space<vmem>>, vector<1x16xf32>,
        %parallel_loop3A_471 = vector.broadcast %parallel_loop3A_415 : f32 to vector<16xf32>
        %parallel_loop3A_472 = arith.mulf %parallel_loop3A_471, %parallel_loop3A_463 : vector<16xf32>
        %parallel_loop3A_473 = arith.index_cast %parallel_loop3A_364 : i32 to index
        %parallel_loop3A_474 = arith.constant 80 : index
        %parallel_loop3A_475 = tpu.vector_load %arg13[%parallel_loop3A_473, %parallel_loop3A_474] {strides = array<i32>} : memref<80x128xf32, #tpu.memory_space<vmem>>, vector<1x16xf32>,
        %parallel_loop3A_476 = vector.shape_cast %parallel_loop3A_475 : vector<1x16xf32> to vector<16xf32>
        %parallel_loop3A_477 = vector.shape_cast %parallel_loop3A_472 : vector<16xf32> to vector<1x16xf32>
        tpu.vector_store %arg13[%parallel_loop3A_473, %parallel_loop3A_474], %parallel_loop3A_477 {strides = array<i32>} : memref<80x128xf32, #tpu.memory_space<vmem>>, vector<1x16xf32>,
        %parallel_loop3A_478 = arith.mulf %parallel_loop3A_411, %parallel_loop3A_375 : vector<16xf32>
        %parallel_loop3A_479 = arith.addf %parallel_loop3A_478, %parallel_loop3A_385 : vector<16xf32>
        %parallel_loop3A_480 = arith.index_cast %parallel_loop3A_364 : i32 to index
        %parallel_loop3A_481 = arith.constant 96 : index
        %parallel_loop3A_482 = tpu.vector_load %arg13[%parallel_loop3A_480, %parallel_loop3A_481] {strides = array<i32>} : memref<80x128xf32, #tpu.memory_space<vmem>>, vector<1x16xf32>,
        %parallel_loop3A_483 = vector.shape_cast %parallel_loop3A_482 : vector<1x16xf32> to vector<16xf32>
        %parallel_loop3A_484 = vector.shape_cast %parallel_loop3A_479 : vector<16xf32> to vector<1x16xf32>
        tpu.vector_store %arg13[%parallel_loop3A_480, %parallel_loop3A_481], %parallel_loop3A_484 {strides = array<i32>} : memref<80x128xf32, #tpu.memory_space<vmem>>, vector<1x16xf32>,
      } {sc.loop_unroll_factor = 2 : i64, sc.parallel_access}
      %get3A_268 = arith.constant 0 : index
      %get3A_269 = tpu.vector_load %arg9[%get3A_268] {strides = array<i32>} : memref<80xi32, #tpu.memory_space<vmem>>, vector<16xi32>,
      %get3A_270 = vector.shape_cast %get3A_269 : vector<16xi32> to vector<16xi32>
      %swap3A_271 = arith.constant 0 : index
      %swap3A_272 = tpu.vector_load %arg14[%swap3A_271] {strides = array<i32>} : memref<80xi32, #tpu.memory_space<vmem>>, vector<16xi32>,
      %swap3A_273 = vector.shape_cast %swap3A_272 : vector<16xi32> to vector<16xi32>
      %swap3A_274 = vector.shape_cast %get3A_270 : vector<16xi32> to vector<16xi32>
      tpu.vector_store %arg14[%swap3A_271], %swap3A_274 {strides = array<i32>} : memref<80xi32, #tpu.memory_space<vmem>>, vector<16xi32>,
      %get3A_275 = arith.constant 16 : index
      %get3A_276 = tpu.vector_load %arg9[%get3A_275] {strides = array<i32>} : memref<80xi32, #tpu.memory_space<vmem>>, vector<16xi32>,
      %get3A_277 = vector.shape_cast %get3A_276 : vector<16xi32> to vector<16xi32>
      %swap3A_278 = arith.constant 16 : index
      %swap3A_279 = tpu.vector_load %arg14[%swap3A_278] {strides = array<i32>} : memref<80xi32, #tpu.memory_space<vmem>>, vector<16xi32>,
      %swap3A_280 = vector.shape_cast %swap3A_279 : vector<16xi32> to vector<16xi32>
      %swap3A_281 = vector.shape_cast %get3A_277 : vector<16xi32> to vector<16xi32>
      tpu.vector_store %arg14[%swap3A_278], %swap3A_281 {strides = array<i32>} : memref<80xi32, #tpu.memory_space<vmem>>, vector<16xi32>,
      %get3A_282 = arith.constant 32 : index
      %get3A_283 = tpu.vector_load %arg9[%get3A_282] {strides = array<i32>} : memref<80xi32, #tpu.memory_space<vmem>>, vector<16xi32>,
      %get3A_284 = vector.shape_cast %get3A_283 : vector<16xi32> to vector<16xi32>
      %swap3A_285 = arith.constant 32 : index
      %swap3A_286 = tpu.vector_load %arg14[%swap3A_285] {strides = array<i32>} : memref<80xi32, #tpu.memory_space<vmem>>, vector<16xi32>,
      %swap3A_287 = vector.shape_cast %swap3A_286 : vector<16xi32> to vector<16xi32>
      %swap3A_288 = vector.shape_cast %get3A_284 : vector<16xi32> to vector<16xi32>
      tpu.vector_store %arg14[%swap3A_285], %swap3A_288 {strides = array<i32>} : memref<80xi32, #tpu.memory_space<vmem>>, vector<16xi32>,
      %get3A_289 = arith.constant 48 : index
      %get3A_290 = tpu.vector_load %arg9[%get3A_289] {strides = array<i32>} : memref<80xi32, #tpu.memory_space<vmem>>, vector<16xi32>,
      %get3A_291 = vector.shape_cast %get3A_290 : vector<16xi32> to vector<16xi32>
      %swap3A_292 = arith.constant 48 : index
      %swap3A_293 = tpu.vector_load %arg14[%swap3A_292] {strides = array<i32>} : memref<80xi32, #tpu.memory_space<vmem>>, vector<16xi32>,
      %swap3A_294 = vector.shape_cast %swap3A_293 : vector<16xi32> to vector<16xi32>
      %swap3A_295 = vector.shape_cast %get3A_291 : vector<16xi32> to vector<16xi32>
      tpu.vector_store %arg14[%swap3A_292], %swap3A_295 {strides = array<i32>} : memref<80xi32, #tpu.memory_space<vmem>>, vector<16xi32>,
      %get3A_296 = arith.constant 64 : index
      %get3A_297 = tpu.vector_load %arg9[%get3A_296] {strides = array<i32>} : memref<80xi32, #tpu.memory_space<vmem>>, vector<16xi32>,
      %get3A_298 = vector.shape_cast %get3A_297 : vector<16xi32> to vector<16xi32>
      %swap3A_299 = arith.constant 64 : index
      %swap3A_300 = tpu.vector_load %arg14[%swap3A_299] {strides = array<i32>} : memref<80xi32, #tpu.memory_space<vmem>>, vector<16xi32>,
      %swap3A_301 = vector.shape_cast %swap3A_300 : vector<16xi32> to vector<16xi32>
      %swap3A_302 = vector.shape_cast %get3A_298 : vector<16xi32> to vector<16xi32>
      tpu.vector_store %arg14[%swap3A_299], %swap3A_302 {strides = array<i32>} : memref<80xi32, #tpu.memory_space<vmem>>, vector<16xi32>,
      %dma_start3A_303 = arith.constant 0 : i32
      %dma_start3A_304 = arith.constant 0 : i32
      %dma_start3A_305 = tpu.memref_slice %arg22[%dma_start3A_303, %dma_start3A_304] : memref<10240x128xf32, #tpu.memory_space<vmem_shared>> -> memref<10240x128xf32, #tpu.memory_space<vmem_shared>>
      tpu.enqueue_indirect_dma source(%arg13 : memref<80x128xf32, #tpu.memory_space<vmem>>) target(%dma_start3A_305 : memref<10240x128xf32, #tpu.memory_space<vmem_shared>>) offsets(%arg14 : memref<80xi32, #tpu.memory_space<vmem>>) semaphore(%arg25 : memref<!tpu.dma_semaphore, #tpu.memory_space<semaphore_mem>>) {add = true}
      %add3A_306 = arith.constant 2 : i32
      %add3A_307 = arith.addi %mul3A_124, %add3A_306 : i32
      %lt3A = arith.constant 250 : i32
      %lt3A_308 = arith.cmpi slt, %add3A_307, %lt3A : i32
      %convert_element_type3A = arith.extui %lt3A_308 : i1 to i32
      %cond3A = arith.constant 0 : i32
      %cond3A_309 = arith.cmpi ne, %convert_element_type3A, %cond3A : i32
      scf.if %cond3A_309 {
        %add3A_364 = arith.constant 2 : i32
        %add3A_365 = arith.addi %mul3A_124, %add3A_364 : i32
        %mul3A_366 = arith.constant 80 : i32
        %mul3A_367 = arith.muli %add3A_365, %mul3A_366 : i32
        %add3A_368 = arith.addi %mul3A_64, %mul3A_367 : i32
        %dma_start3A_369 = tpu.memref_slice %arg3[%add3A_368] : memref<320000xi32, #tpu.memory_space<hbm>> -> memref<80xi32, #tpu.memory_space<hbm>>
        %dma_start3A_370 = tpu.memref_slice %arg3[%add3A_368] : memref<320000xi32, #tpu.memory_space<hbm>> -> memref<80xi32, #tpu.memory_space<hbm>>
        tpu.enqueue_dma source(%dma_start3A_370 : memref<80xi32, #tpu.memory_space<hbm>>) target(%arg8 : memref<80xi32, #tpu.memory_space<vmem>>) target_semaphore(%arg23 : memref<!tpu.dma_semaphore, #tpu.memory_space<semaphore_mem>>)
        %dma_start3A_371 = tpu.memref_slice %arg4[%add3A_368] : memref<320000xi32, #tpu.memory_space<hbm>> -> memref<80xi32, #tpu.memory_space<hbm>>
        %dma_start3A_372 = tpu.memref_slice %arg4[%add3A_368] : memref<320000xi32, #tpu.memory_space<hbm>> -> memref<80xi32, #tpu.memory_space<hbm>>
        tpu.enqueue_dma source(%dma_start3A_372 : memref<80xi32, #tpu.memory_space<hbm>>) target(%arg9 : memref<80xi32, #tpu.memory_space<vmem>>) target_semaphore(%arg23 : memref<!tpu.dma_semaphore, #tpu.memory_space<semaphore_mem>>)
        %dma_start3A_373 = arith.constant 0 : i32
        %dma_start3A_374 = tpu.memref_slice %arg5[%add3A_368, %dma_start3A_373] : memref<320000x16xf32, #tpu.memory_space<hbm>> -> memref<80x16xf32, #tpu.memory_space<hbm>>
        %dma_start3A_375 = arith.constant 0 : i32
        %dma_start3A_376 = tpu.memref_slice %arg5[%add3A_368, %dma_start3A_375] : memref<320000x16xf32, #tpu.memory_space<hbm>> -> memref<80x16xf32, #tpu.memory_space<hbm>>
        tpu.enqueue_dma source(%dma_start3A_376 : memref<80x16xf32, #tpu.memory_space<hbm>>) target(%arg10 : memref<80x16xf32, #tpu.memory_space<vmem>>) target_semaphore(%arg23 : memref<!tpu.dma_semaphore, #tpu.memory_space<semaphore_mem>>)
        %mul3A_377 = arith.constant 2500 : i32
        %mul3A_378 = arith.muli %arg1, %mul3A_377 : i32
        %mul3A_379 = arith.constant 10 : i32
        %mul3A_380 = arith.muli %add3A_365, %mul3A_379 : i32
        %add3A_381 = arith.addi %mul3A_378, %mul3A_380 : i32
        %dma_start3A_382 = arith.constant 0 : i32
        %dma_start3A_383 = tpu.memref_slice %arg6[%arg0, %add3A_381, %dma_start3A_382] : memref<2x40000x128xf32, #tpu.memory_space<hbm>> -> memref<1x10x128xf32, #tpu.memory_space<hbm>>
        %dma_start3A_384 = tpu.memref_squeeze %dma_start3A_383 : memref<1x10x128xf32, #tpu.memory_space<hbm>> -> memref<10x128xf32, #tpu.memory_space<hbm>>
        %dma_start3A_385 = arith.constant 0 : i32
        %dma_start3A_386 = tpu.memref_slice %arg6[%arg0, %add3A_381, %dma_start3A_385] : memref<2x40000x128xf32, #tpu.memory_space<hbm>> -> memref<1x10x128xf32, #tpu.memory_space<hbm>>
        %dma_start3A_387 = tpu.memref_squeeze %dma_start3A_386 : memref<1x10x128xf32, #tpu.memory_space<hbm>> -> memref<10x128xf32, #tpu.memory_space<hbm>>
        tpu.enqueue_dma source(%dma_start3A_387 : memref<10x128xf32, #tpu.memory_space<hbm>>) target(%arg11 : memref<10x128xf32, #tpu.memory_space<vmem>>) target_semaphore(%arg23 : memref<!tpu.dma_semaphore, #tpu.memory_space<semaphore_mem>>)
      } else {
      }
      %dma_wait3A_310 = arith.constant 0 : i32
      %dma_wait3A_311 = arith.constant 0 : i32
      %dma_wait3A_312 = tpu.memref_slice %arg2[%dma_wait3A_310, %dma_wait3A_311] : memref<20000x128xf32, #tpu.memory_space<hbm>> -> memref<20000x128xf32, #tpu.memory_space<hbm>>
      tpu.wait_indirect_dma semaphore(%arg27 : memref<!tpu.dma_semaphore, #tpu.memory_space<semaphore_mem>>) src(%dma_wait3A_312 : memref<20000x128xf32, #tpu.memory_space<hbm>>) dst(%arg19 : memref<80x128xf32, #tpu.memory_space<vmem>>)
      %dma_wait3A_313 = arith.constant 0 : i32
      %dma_wait3A_314 = arith.constant 0 : i32
      %dma_wait3A_315 = tpu.memref_slice %arg22[%dma_wait3A_313, %dma_wait3A_314] : memref<10240x128xf32, #tpu.memory_space<vmem_shared>> -> memref<10240x128xf32, #tpu.memory_space<vmem_shared>>
      tpu.wait_indirect_dma semaphore(%arg28 : memref<!tpu.dma_semaphore, #tpu.memory_space<semaphore_mem>>) src(%arg20 : memref<80x128xf32, #tpu.memory_space<vmem>>) dst(%dma_wait3A_315 : memref<10240x128xf32, #tpu.memory_space<vmem_shared>>)
      %parallel_loop3A_316 = arith.constant 0 : i32
      %parallel_loop3A_317 = arith.constant 80 : i32
      %parallel_loop3A_318 = arith.constant 1 : i32
      scf.for %parallel_loop3A_364 = %parallel_loop3A_316 to %parallel_loop3A_317 step %parallel_loop3A_318  : i32 {
        %parallel_loop3A_365 = tpu.iota {dimensions = array<i32: 0>} : vector<16xi32>
        %parallel_loop3A_366 = arith.sitofp %parallel_loop3A_365 : vector<16xi32> to vector<16xf32>
        %parallel_loop3A_367 = arith.constant 2.000000e+00 : f32
        %parallel_loop3A_368 = vector.broadcast %parallel_loop3A_367 : f32 to vector<16xf32>
        %parallel_loop3A_369 = arith.subf %parallel_loop3A_368, %parallel_loop3A_366 : vector<16xf32>
        %parallel_loop3A_370 = arith.constant 1.000000e+00 : f32
        %parallel_loop3A_371 = vector.broadcast %parallel_loop3A_370 : f32 to vector<16xf32>
        %parallel_loop3A_372 = arith.minimumf %parallel_loop3A_371, %parallel_loop3A_369 : vector<16xf32>
        %parallel_loop3A_373 = arith.constant 0.000000e+00 : f32
        %parallel_loop3A_374 = vector.broadcast %parallel_loop3A_373 : f32 to vector<16xf32>
        %parallel_loop3A_375 = arith.maximumf %parallel_loop3A_374, %parallel_loop3A_372 : vector<16xf32>
        %parallel_loop3A_376 = arith.constant 2.000000e+00 : f32
        %parallel_loop3A_377 = vector.broadcast %parallel_loop3A_376 : f32 to vector<16xf32>
        %parallel_loop3A_378 = arith.subf %parallel_loop3A_366, %parallel_loop3A_377 : vector<16xf32>
        %parallel_loop3A_379 = math.absf %parallel_loop3A_378 : vector<16xf32>
        %parallel_loop3A_380 = arith.constant 1.000000e+00 : f32
        %parallel_loop3A_381 = vector.broadcast %parallel_loop3A_380 : f32 to vector<16xf32>
        %parallel_loop3A_382 = arith.subf %parallel_loop3A_381, %parallel_loop3A_379 : vector<16xf32>
        %parallel_loop3A_383 = arith.constant 0.000000e+00 : f32
        %parallel_loop3A_384 = vector.broadcast %parallel_loop3A_383 : f32 to vector<16xf32>
        %parallel_loop3A_385 = arith.maximumf %parallel_loop3A_384, %parallel_loop3A_382 : vector<16xf32>
        %parallel_loop3A_386 = arith.index_cast %parallel_loop3A_364 : i32 to index
        %parallel_loop3A_387 = arith.constant 64 : index
        %parallel_loop3A_388 = tpu.vector_load %arg19[%parallel_loop3A_386, %parallel_loop3A_387] {strides = array<i32>} : memref<80x128xf32, #tpu.memory_space<vmem>>, vector<1x16xf32>,
        %parallel_loop3A_389 = vector.shape_cast %parallel_loop3A_388 : vector<1x16xf32> to vector<16xf32>
        %parallel_loop3A_390 = arith.constant 3 : i32
        %parallel_loop3A_391 = arith.shrui %parallel_loop3A_364, %parallel_loop3A_390 : i32
        %parallel_loop3A_392 = arith.constant 7 : i32
        %parallel_loop3A_393 = arith.andi %parallel_loop3A_364, %parallel_loop3A_392 : i32
        %parallel_loop3A_394 = arith.constant 16 : i32
        %parallel_loop3A_395 = arith.muli %parallel_loop3A_393, %parallel_loop3A_394 : i32
        %parallel_loop3A_396 = arith.index_cast %parallel_loop3A_391 : i32 to index
        %parallel_loop3A_397 = arith.index_cast %parallel_loop3A_395 : i32 to index
        %parallel_loop3A_398 = tpu.vector_load %arg18[%parallel_loop3A_396, %parallel_loop3A_397] {strides = array<i32>} : memref<10x128xf32, #tpu.memory_space<vmem>>, vector<1x16xf32>,
        %parallel_loop3A_399 = vector.shape_cast %parallel_loop3A_398 : vector<1x16xf32> to vector<16xf32>
        %parallel_loop3A_400 = arith.addf %parallel_loop3A_389, %parallel_loop3A_399 : vector<16xf32>
        %parallel_loop3A_401 = arith.addf %parallel_loop3A_400, %parallel_loop3A_400 : vector<16xf32>
        %parallel_loop3A_402 = math.exp %parallel_loop3A_401 : vector<16xf32>
        %parallel_loop3A_403 = arith.constant 1.000000e+00 : f32
        %parallel_loop3A_404 = vector.broadcast %parallel_loop3A_403 : f32 to vector<16xf32>
        %parallel_loop3A_405 = arith.addf %parallel_loop3A_402, %parallel_loop3A_404 : vector<16xf32>
        %parallel_loop3A_406 = arith.constant 2.000000e+00 : f32
        %parallel_loop3A_407 = vector.broadcast %parallel_loop3A_406 : f32 to vector<16xf32>
        %parallel_loop3A_408 = arith.divf %parallel_loop3A_407, %parallel_loop3A_405 : vector<16xf32>
        %parallel_loop3A_409 = arith.constant 1.000000e+00 : f32
        %parallel_loop3A_410 = vector.broadcast %parallel_loop3A_409 : f32 to vector<16xf32>
        %parallel_loop3A_411 = arith.subf %parallel_loop3A_410, %parallel_loop3A_408 : vector<16xf32>
        %parallel_loop3A_412 = vector.extract_strided_slice %parallel_loop3A_411 {offsets = [0], sizes = [1], strides = [1]} : vector<16xf32> to vector<1xf32>
        %parallel_loop3A_413 = vector.extract %parallel_loop3A_412[0] : f32 from vector<1xf32>
        %parallel_loop3A_414 = vector.extract_strided_slice %parallel_loop3A_411 {offsets = [1], sizes = [1], strides = [1]} : vector<16xf32> to vector<1xf32>
        %parallel_loop3A_415 = vector.extract %parallel_loop3A_414[0] : f32 from vector<1xf32>
        %parallel_loop3A_416 = arith.index_cast %parallel_loop3A_364 : i32 to index
        %parallel_loop3A_417 = arith.constant 0 : index
        %parallel_loop3A_418 = tpu.vector_load %arg19[%parallel_loop3A_416, %parallel_loop3A_417] {strides = array<i32>} : memref<80x128xf32, #tpu.memory_space<vmem>>, vector<1x16xf32>,
        %parallel_loop3A_419 = vector.shape_cast %parallel_loop3A_418 : vector<1x16xf32> to vector<16xf32>
        %parallel_loop3A_420 = vector.broadcast %parallel_loop3A_413 : f32 to vector<16xf32>
        %parallel_loop3A_421 = arith.mulf %parallel_loop3A_420, %parallel_loop3A_419 : vector<16xf32>
        %parallel_loop3A_422 = arith.index_cast %parallel_loop3A_364 : i32 to index
        %parallel_loop3A_423 = arith.constant 0 : index
        %parallel_loop3A_424 = tpu.vector_load %arg20[%parallel_loop3A_422, %parallel_loop3A_423] {strides = array<i32>} : memref<80x128xf32, #tpu.memory_space<vmem>>, vector<1x16xf32>,
        %parallel_loop3A_425 = vector.shape_cast %parallel_loop3A_424 : vector<1x16xf32> to vector<16xf32>
        %parallel_loop3A_426 = vector.shape_cast %parallel_loop3A_421 : vector<16xf32> to vector<1x16xf32>
        tpu.vector_store %arg20[%parallel_loop3A_422, %parallel_loop3A_423], %parallel_loop3A_426 {strides = array<i32>} : memref<80x128xf32, #tpu.memory_space<vmem>>, vector<1x16xf32>,
        %parallel_loop3A_427 = arith.index_cast %parallel_loop3A_364 : i32 to index
        %parallel_loop3A_428 = arith.constant 16 : index
        %parallel_loop3A_429 = tpu.vector_load %arg19[%parallel_loop3A_427, %parallel_loop3A_428] {strides = array<i32>} : memref<80x128xf32, #tpu.memory_space<vmem>>, vector<1x16xf32>,
        %parallel_loop3A_430 = vector.shape_cast %parallel_loop3A_429 : vector<1x16xf32> to vector<16xf32>
        %parallel_loop3A_431 = vector.broadcast %parallel_loop3A_413 : f32 to vector<16xf32>
        %parallel_loop3A_432 = arith.mulf %parallel_loop3A_431, %parallel_loop3A_430 : vector<16xf32>
        %parallel_loop3A_433 = arith.index_cast %parallel_loop3A_364 : i32 to index
        %parallel_loop3A_434 = arith.constant 16 : index
        %parallel_loop3A_435 = tpu.vector_load %arg20[%parallel_loop3A_433, %parallel_loop3A_434] {strides = array<i32>} : memref<80x128xf32, #tpu.memory_space<vmem>>, vector<1x16xf32>,
        %parallel_loop3A_436 = vector.shape_cast %parallel_loop3A_435 : vector<1x16xf32> to vector<16xf32>
        %parallel_loop3A_437 = vector.shape_cast %parallel_loop3A_432 : vector<16xf32> to vector<1x16xf32>
        tpu.vector_store %arg20[%parallel_loop3A_433, %parallel_loop3A_434], %parallel_loop3A_437 {strides = array<i32>} : memref<80x128xf32, #tpu.memory_space<vmem>>, vector<1x16xf32>,
        %parallel_loop3A_438 = arith.index_cast %parallel_loop3A_364 : i32 to index
        %parallel_loop3A_439 = arith.constant 32 : index
        %parallel_loop3A_440 = tpu.vector_load %arg19[%parallel_loop3A_438, %parallel_loop3A_439] {strides = array<i32>} : memref<80x128xf32, #tpu.memory_space<vmem>>, vector<1x16xf32>,
        %parallel_loop3A_441 = vector.shape_cast %parallel_loop3A_440 : vector<1x16xf32> to vector<16xf32>
        %parallel_loop3A_442 = vector.broadcast %parallel_loop3A_415 : f32 to vector<16xf32>
        %parallel_loop3A_443 = arith.mulf %parallel_loop3A_442, %parallel_loop3A_441 : vector<16xf32>
        %parallel_loop3A_444 = arith.index_cast %parallel_loop3A_364 : i32 to index
        %parallel_loop3A_445 = arith.constant 32 : index
        %parallel_loop3A_446 = tpu.vector_load %arg20[%parallel_loop3A_444, %parallel_loop3A_445] {strides = array<i32>} : memref<80x128xf32, #tpu.memory_space<vmem>>, vector<1x16xf32>,
        %parallel_loop3A_447 = vector.shape_cast %parallel_loop3A_446 : vector<1x16xf32> to vector<16xf32>
        %parallel_loop3A_448 = vector.shape_cast %parallel_loop3A_443 : vector<16xf32> to vector<1x16xf32>
        tpu.vector_store %arg20[%parallel_loop3A_444, %parallel_loop3A_445], %parallel_loop3A_448 {strides = array<i32>} : memref<80x128xf32, #tpu.memory_space<vmem>>, vector<1x16xf32>,
        %parallel_loop3A_449 = arith.index_cast %parallel_loop3A_364 : i32 to index
        %parallel_loop3A_450 = arith.constant 48 : index
        %parallel_loop3A_451 = tpu.vector_load %arg19[%parallel_loop3A_449, %parallel_loop3A_450] {strides = array<i32>} : memref<80x128xf32, #tpu.memory_space<vmem>>, vector<1x16xf32>,
        %parallel_loop3A_452 = vector.shape_cast %parallel_loop3A_451 : vector<1x16xf32> to vector<16xf32>
        %parallel_loop3A_453 = vector.broadcast %parallel_loop3A_415 : f32 to vector<16xf32>
        %parallel_loop3A_454 = arith.mulf %parallel_loop3A_453, %parallel_loop3A_452 : vector<16xf32>
        %parallel_loop3A_455 = arith.index_cast %parallel_loop3A_364 : i32 to index
        %parallel_loop3A_456 = arith.constant 48 : index
        %parallel_loop3A_457 = tpu.vector_load %arg20[%parallel_loop3A_455, %parallel_loop3A_456] {strides = array<i32>} : memref<80x128xf32, #tpu.memory_space<vmem>>, vector<1x16xf32>,
        %parallel_loop3A_458 = vector.shape_cast %parallel_loop3A_457 : vector<1x16xf32> to vector<16xf32>
        %parallel_loop3A_459 = vector.shape_cast %parallel_loop3A_454 : vector<16xf32> to vector<1x16xf32>
        tpu.vector_store %arg20[%parallel_loop3A_455, %parallel_loop3A_456], %parallel_loop3A_459 {strides = array<i32>} : memref<80x128xf32, #tpu.memory_space<vmem>>, vector<1x16xf32>,
        %parallel_loop3A_460 = arith.index_cast %parallel_loop3A_364 : i32 to index
        %parallel_loop3A_461 = arith.constant 0 : index
        %parallel_loop3A_462 = tpu.vector_load %arg17[%parallel_loop3A_460, %parallel_loop3A_461] {strides = array<i32>} : memref<80x16xf32, #tpu.memory_space<vmem>>, vector<1x16xf32>,
        %parallel_loop3A_463 = vector.shape_cast %parallel_loop3A_462 : vector<1x16xf32> to vector<16xf32>
        %parallel_loop3A_464 = vector.broadcast %parallel_loop3A_413 : f32 to vector<16xf32>
        %parallel_loop3A_465 = arith.mulf %parallel_loop3A_464, %parallel_loop3A_463 : vector<16xf32>
        %parallel_loop3A_466 = arith.index_cast %parallel_loop3A_364 : i32 to index
        %parallel_loop3A_467 = arith.constant 64 : index
        %parallel_loop3A_468 = tpu.vector_load %arg20[%parallel_loop3A_466, %parallel_loop3A_467] {strides = array<i32>} : memref<80x128xf32, #tpu.memory_space<vmem>>, vector<1x16xf32>,
        %parallel_loop3A_469 = vector.shape_cast %parallel_loop3A_468 : vector<1x16xf32> to vector<16xf32>
        %parallel_loop3A_470 = vector.shape_cast %parallel_loop3A_465 : vector<16xf32> to vector<1x16xf32>
        tpu.vector_store %arg20[%parallel_loop3A_466, %parallel_loop3A_467], %parallel_loop3A_470 {strides = array<i32>} : memref<80x128xf32, #tpu.memory_space<vmem>>, vector<1x16xf32>,
        %parallel_loop3A_471 = vector.broadcast %parallel_loop3A_415 : f32 to vector<16xf32>
        %parallel_loop3A_472 = arith.mulf %parallel_loop3A_471, %parallel_loop3A_463 : vector<16xf32>
        %parallel_loop3A_473 = arith.index_cast %parallel_loop3A_364 : i32 to index
        %parallel_loop3A_474 = arith.constant 80 : index
        %parallel_loop3A_475 = tpu.vector_load %arg20[%parallel_loop3A_473, %parallel_loop3A_474] {strides = array<i32>} : memref<80x128xf32, #tpu.memory_space<vmem>>, vector<1x16xf32>,
        %parallel_loop3A_476 = vector.shape_cast %parallel_loop3A_475 : vector<1x16xf32> to vector<16xf32>
        %parallel_loop3A_477 = vector.shape_cast %parallel_loop3A_472 : vector<16xf32> to vector<1x16xf32>
        tpu.vector_store %arg20[%parallel_loop3A_473, %parallel_loop3A_474], %parallel_loop3A_477 {strides = array<i32>} : memref<80x128xf32, #tpu.memory_space<vmem>>, vector<1x16xf32>,
        %parallel_loop3A_478 = arith.mulf %parallel_loop3A_411, %parallel_loop3A_375 : vector<16xf32>
        %parallel_loop3A_479 = arith.addf %parallel_loop3A_478, %parallel_loop3A_385 : vector<16xf32>
        %parallel_loop3A_480 = arith.index_cast %parallel_loop3A_364 : i32 to index
        %parallel_loop3A_481 = arith.constant 96 : index
        %parallel_loop3A_482 = tpu.vector_load %arg20[%parallel_loop3A_480, %parallel_loop3A_481] {strides = array<i32>} : memref<80x128xf32, #tpu.memory_space<vmem>>, vector<1x16xf32>,
        %parallel_loop3A_483 = vector.shape_cast %parallel_loop3A_482 : vector<1x16xf32> to vector<16xf32>
        %parallel_loop3A_484 = vector.shape_cast %parallel_loop3A_479 : vector<16xf32> to vector<1x16xf32>
        tpu.vector_store %arg20[%parallel_loop3A_480, %parallel_loop3A_481], %parallel_loop3A_484 {strides = array<i32>} : memref<80x128xf32, #tpu.memory_space<vmem>>, vector<1x16xf32>,
      } {sc.loop_unroll_factor = 2 : i64, sc.parallel_access}
      %get3A_319 = arith.constant 0 : index
      %get3A_320 = tpu.vector_load %arg16[%get3A_319] {strides = array<i32>} : memref<80xi32, #tpu.memory_space<vmem>>, vector<16xi32>,
      %get3A_321 = vector.shape_cast %get3A_320 : vector<16xi32> to vector<16xi32>
      %swap3A_322 = arith.constant 0 : index
      %swap3A_323 = tpu.vector_load %arg21[%swap3A_322] {strides = array<i32>} : memref<80xi32, #tpu.memory_space<vmem>>, vector<16xi32>,
      %swap3A_324 = vector.shape_cast %swap3A_323 : vector<16xi32> to vector<16xi32>
      %swap3A_325 = vector.shape_cast %get3A_321 : vector<16xi32> to vector<16xi32>
      tpu.vector_store %arg21[%swap3A_322], %swap3A_325 {strides = array<i32>} : memref<80xi32, #tpu.memory_space<vmem>>, vector<16xi32>,
      %get3A_326 = arith.constant 16 : index
      %get3A_327 = tpu.vector_load %arg16[%get3A_326] {strides = array<i32>} : memref<80xi32, #tpu.memory_space<vmem>>, vector<16xi32>,
      %get3A_328 = vector.shape_cast %get3A_327 : vector<16xi32> to vector<16xi32>
      %swap3A_329 = arith.constant 16 : index
      %swap3A_330 = tpu.vector_load %arg21[%swap3A_329] {strides = array<i32>} : memref<80xi32, #tpu.memory_space<vmem>>, vector<16xi32>,
      %swap3A_331 = vector.shape_cast %swap3A_330 : vector<16xi32> to vector<16xi32>
      %swap3A_332 = vector.shape_cast %get3A_328 : vector<16xi32> to vector<16xi32>
      tpu.vector_store %arg21[%swap3A_329], %swap3A_332 {strides = array<i32>} : memref<80xi32, #tpu.memory_space<vmem>>, vector<16xi32>,
      %get3A_333 = arith.constant 32 : index
      %get3A_334 = tpu.vector_load %arg16[%get3A_333] {strides = array<i32>} : memref<80xi32, #tpu.memory_space<vmem>>, vector<16xi32>,
      %get3A_335 = vector.shape_cast %get3A_334 : vector<16xi32> to vector<16xi32>
      %swap3A_336 = arith.constant 32 : index
      %swap3A_337 = tpu.vector_load %arg21[%swap3A_336] {strides = array<i32>} : memref<80xi32, #tpu.memory_space<vmem>>, vector<16xi32>,
      %swap3A_338 = vector.shape_cast %swap3A_337 : vector<16xi32> to vector<16xi32>
      %swap3A_339 = vector.shape_cast %get3A_335 : vector<16xi32> to vector<16xi32>
      tpu.vector_store %arg21[%swap3A_336], %swap3A_339 {strides = array<i32>} : memref<80xi32, #tpu.memory_space<vmem>>, vector<16xi32>,
      %get3A_340 = arith.constant 48 : index
      %get3A_341 = tpu.vector_load %arg16[%get3A_340] {strides = array<i32>} : memref<80xi32, #tpu.memory_space<vmem>>, vector<16xi32>,
      %get3A_342 = vector.shape_cast %get3A_341 : vector<16xi32> to vector<16xi32>
      %swap3A_343 = arith.constant 48 : index
      %swap3A_344 = tpu.vector_load %arg21[%swap3A_343] {strides = array<i32>} : memref<80xi32, #tpu.memory_space<vmem>>, vector<16xi32>,
      %swap3A_345 = vector.shape_cast %swap3A_344 : vector<16xi32> to vector<16xi32>
      %swap3A_346 = vector.shape_cast %get3A_342 : vector<16xi32> to vector<16xi32>
      tpu.vector_store %arg21[%swap3A_343], %swap3A_346 {strides = array<i32>} : memref<80xi32, #tpu.memory_space<vmem>>, vector<16xi32>,
      %get3A_347 = arith.constant 64 : index
      %get3A_348 = tpu.vector_load %arg16[%get3A_347] {strides = array<i32>} : memref<80xi32, #tpu.memory_space<vmem>>, vector<16xi32>,
      %get3A_349 = vector.shape_cast %get3A_348 : vector<16xi32> to vector<16xi32>
      %swap3A_350 = arith.constant 64 : index
      %swap3A_351 = tpu.vector_load %arg21[%swap3A_350] {strides = array<i32>} : memref<80xi32, #tpu.memory_space<vmem>>, vector<16xi32>,
      %swap3A_352 = vector.shape_cast %swap3A_351 : vector<16xi32> to vector<16xi32>
      %swap3A_353 = vector.shape_cast %get3A_349 : vector<16xi32> to vector<16xi32>
      tpu.vector_store %arg21[%swap3A_350], %swap3A_353 {strides = array<i32>} : memref<80xi32, #tpu.memory_space<vmem>>, vector<16xi32>,
      %dma_start3A_354 = arith.constant 0 : i32
      %dma_start3A_355 = arith.constant 0 : i32
      %dma_start3A_356 = tpu.memref_slice %arg22[%dma_start3A_354, %dma_start3A_355] : memref<10240x128xf32, #tpu.memory_space<vmem_shared>> -> memref<10240x128xf32, #tpu.memory_space<vmem_shared>>
      tpu.enqueue_indirect_dma source(%arg20 : memref<80x128xf32, #tpu.memory_space<vmem>>) target(%dma_start3A_356 : memref<10240x128xf32, #tpu.memory_space<vmem_shared>>) offsets(%arg21 : memref<80xi32, #tpu.memory_space<vmem>>) semaphore(%arg28 : memref<!tpu.dma_semaphore, #tpu.memory_space<semaphore_mem>>) {add = true}
      %add3A_357 = arith.constant 3 : i32
      %add3A_358 = arith.addi %mul3A_124, %add3A_357 : i32
      %lt3A_359 = arith.constant 250 : i32
      %lt3A_360 = arith.cmpi slt, %add3A_358, %lt3A_359 : i32
      %convert_element_type3A_361 = arith.extui %lt3A_360 : i1 to i32
      %cond3A_362 = arith.constant 0 : i32
      %cond3A_363 = arith.cmpi ne, %convert_element_type3A_361, %cond3A_362 : i32
      scf.if %cond3A_363 {
        %add3A_364 = arith.constant 3 : i32
        %add3A_365 = arith.addi %mul3A_124, %add3A_364 : i32
        %mul3A_366 = arith.constant 80 : i32
        %mul3A_367 = arith.muli %add3A_365, %mul3A_366 : i32
        %add3A_368 = arith.addi %mul3A_64, %mul3A_367 : i32
        %dma_start3A_369 = tpu.memref_slice %arg3[%add3A_368] : memref<320000xi32, #tpu.memory_space<hbm>> -> memref<80xi32, #tpu.memory_space<hbm>>
        %dma_start3A_370 = tpu.memref_slice %arg3[%add3A_368] : memref<320000xi32, #tpu.memory_space<hbm>> -> memref<80xi32, #tpu.memory_space<hbm>>
        tpu.enqueue_dma source(%dma_start3A_370 : memref<80xi32, #tpu.memory_space<hbm>>) target(%arg15 : memref<80xi32, #tpu.memory_space<vmem>>) target_semaphore(%arg26 : memref<!tpu.dma_semaphore, #tpu.memory_space<semaphore_mem>>)
        %dma_start3A_371 = tpu.memref_slice %arg4[%add3A_368] : memref<320000xi32, #tpu.memory_space<hbm>> -> memref<80xi32, #tpu.memory_space<hbm>>
        %dma_start3A_372 = tpu.memref_slice %arg4[%add3A_368] : memref<320000xi32, #tpu.memory_space<hbm>> -> memref<80xi32, #tpu.memory_space<hbm>>
        tpu.enqueue_dma source(%dma_start3A_372 : memref<80xi32, #tpu.memory_space<hbm>>) target(%arg16 : memref<80xi32, #tpu.memory_space<vmem>>) target_semaphore(%arg26 : memref<!tpu.dma_semaphore, #tpu.memory_space<semaphore_mem>>)
        %dma_start3A_373 = arith.constant 0 : i32
        %dma_start3A_374 = tpu.memref_slice %arg5[%add3A_368, %dma_start3A_373] : memref<320000x16xf32, #tpu.memory_space<hbm>> -> memref<80x16xf32, #tpu.memory_space<hbm>>
        %dma_start3A_375 = arith.constant 0 : i32
        %dma_start3A_376 = tpu.memref_slice %arg5[%add3A_368, %dma_start3A_375] : memref<320000x16xf32, #tpu.memory_space<hbm>> -> memref<80x16xf32, #tpu.memory_space<hbm>>
        tpu.enqueue_dma source(%dma_start3A_376 : memref<80x16xf32, #tpu.memory_space<hbm>>) target(%arg17 : memref<80x16xf32, #tpu.memory_space<vmem>>) target_semaphore(%arg26 : memref<!tpu.dma_semaphore, #tpu.memory_space<semaphore_mem>>)
        %mul3A_377 = arith.constant 2500 : i32
        %mul3A_378 = arith.muli %arg1, %mul3A_377 : i32
        %mul3A_379 = arith.constant 10 : i32
        %mul3A_380 = arith.muli %add3A_365, %mul3A_379 : i32
        %add3A_381 = arith.addi %mul3A_378, %mul3A_380 : i32
        %dma_start3A_382 = arith.constant 0 : i32
        %dma_start3A_383 = tpu.memref_slice %arg6[%arg0, %add3A_381, %dma_start3A_382] : memref<2x40000x128xf32, #tpu.memory_space<hbm>> -> memref<1x10x128xf32, #tpu.memory_space<hbm>>
        %dma_start3A_384 = tpu.memref_squeeze %dma_start3A_383 : memref<1x10x128xf32, #tpu.memory_space<hbm>> -> memref<10x128xf32, #tpu.memory_space<hbm>>
        %dma_start3A_385 = arith.constant 0 : i32
        %dma_start3A_386 = tpu.memref_slice %arg6[%arg0, %add3A_381, %dma_start3A_385] : memref<2x40000x128xf32, #tpu.memory_space<hbm>> -> memref<1x10x128xf32, #tpu.memory_space<hbm>>
        %dma_start3A_387 = tpu.memref_squeeze %dma_start3A_386 : memref<1x10x128xf32, #tpu.memory_space<hbm>> -> memref<10x128xf32, #tpu.memory_space<hbm>>
        tpu.enqueue_dma source(%dma_start3A_387 : memref<10x128xf32, #tpu.memory_space<hbm>>) target(%arg18 : memref<10x128xf32, #tpu.memory_space<vmem>>) target_semaphore(%arg26 : memref<!tpu.dma_semaphore, #tpu.memory_space<semaphore_mem>>)
      } else {
      }
    }
    %scan3A_115 = arith.constant 125 : i32
    %dma_wait3A = arith.constant 0 : i32
    %dma_wait3A_116 = arith.constant 0 : i32
    %dma_wait3A_117 = tpu.memref_slice %arg22[%dma_wait3A, %dma_wait3A_116] : memref<10240x128xf32, #tpu.memory_space<vmem_shared>> -> memref<10240x128xf32, #tpu.memory_space<vmem_shared>>
    tpu.wait_indirect_dma semaphore(%arg25 : memref<!tpu.dma_semaphore, #tpu.memory_space<semaphore_mem>>) src(%arg13 : memref<80x128xf32, #tpu.memory_space<vmem>>) dst(%dma_wait3A_117 : memref<10240x128xf32, #tpu.memory_space<vmem_shared>>)
    %dma_wait3A_118 = arith.constant 0 : i32
    %dma_wait3A_119 = arith.constant 0 : i32
    %dma_wait3A_120 = tpu.memref_slice %arg22[%dma_wait3A_118, %dma_wait3A_119] : memref<10240x128xf32, #tpu.memory_space<vmem_shared>> -> memref<10240x128xf32, #tpu.memory_space<vmem_shared>>
    tpu.wait_indirect_dma semaphore(%arg28 : memref<!tpu.dma_semaphore, #tpu.memory_space<semaphore_mem>>) src(%arg20 : memref<80x128xf32, #tpu.memory_space<vmem>>) dst(%dma_wait3A_120 : memref<10240x128xf32, #tpu.memory_space<vmem_shared>>)
    %barrier3A_121 = arith.constant 0 : index
    tpu.barrier barrier_id(%barrier3A_121)
    "tpu.region"() ({
      %run_scoped3A = tpu.sem_alloc : memref<!tpu.dma_semaphore, #tpu.memory_space<semaphore_mem>>
      %dma_start3A_122 = arith.constant 0 : i32
      %dma_start3A_123 = tpu.memref_slice %arg7[%arg0, %mul3A_47, %dma_start3A_122] : memref<2x10240x128xf32, #tpu.memory_space<hbm>> -> memref<1x640x128xf32, #tpu.memory_space<hbm>>
      %dma_start3A_124 = tpu.memref_squeeze %dma_start3A_123 : memref<1x640x128xf32, #tpu.memory_space<hbm>> -> memref<640x128xf32, #tpu.memory_space<hbm>>
      %dma_start3A_125 = arith.constant 0 : i32
      %dma_start3A_126 = tpu.memref_slice %arg22[%mul3A_47, %dma_start3A_125] : memref<10240x128xf32, #tpu.memory_space<vmem_shared>> -> memref<640x128xf32, #tpu.memory_space<vmem_shared>>
      tpu.enqueue_dma source(%dma_start3A_126 : memref<640x128xf32, #tpu.memory_space<vmem_shared>>) target(%dma_start3A_124 : memref<640x128xf32, #tpu.memory_space<hbm>>) target_semaphore(%run_scoped3A : memref<!tpu.dma_semaphore, #tpu.memory_space<semaphore_mem>>)
      %dma_wait3A_127 = arith.constant 0 : i32
      %dma_wait3A_128 = tpu.memref_slice %arg7[%arg0, %mul3A_47, %dma_wait3A_127] : memref<2x10240x128xf32, #tpu.memory_space<hbm>> -> memref<1x640x128xf32, #tpu.memory_space<hbm>>
      %dma_wait3A_129 = tpu.memref_squeeze %dma_wait3A_128 : memref<1x640x128xf32, #tpu.memory_space<hbm>> -> memref<640x128xf32, #tpu.memory_space<hbm>>
      %dma_wait3A_130 = arith.constant 0 : i32
      %dma_wait3A_131 = tpu.memref_slice %arg22[%mul3A_47, %dma_wait3A_130] : memref<10240x128xf32, #tpu.memory_space<vmem_shared>> -> memref<640x128xf32, #tpu.memory_space<vmem_shared>>
      tpu.wait_dma2 semaphore(%run_scoped3A : memref<!tpu.dma_semaphore, #tpu.memory_space<semaphore_mem>>) src(%dma_wait3A_131 : memref<640x128xf32, #tpu.memory_space<vmem_shared>>) dst(%dma_wait3A_129 : memref<640x128xf32, #tpu.memory_space<hbm>>)
      tpu.yield
    }) : () -> ()
    return
  }
}

module attributes {stable_mosaic.version = 14 : i64} {
  func.func @_q_body(%arg0: i32, %arg1: memref<1000x128xf32, #tpu.memory_space<vmem>>, %arg2: memref<2x128x128xf32, #tpu.memory_space<vmem>>, %arg3: memref<2x1000x128xf32, #tpu.memory_space<vmem>>) attributes {dimension_semantics = [#tpu.dimension_semantics<arbitrary>], iteration_bounds = array<i64: 40>, scalar_prefetch = 0 : i64, scratch_operands = 0 : i64, tpu.core_type = #tpu.core_type<tc>, window_params = [{transform_indices = @transform_0, window_bounds = array<i64: 1000, 128>}, {pipeline_mode = #tpu.pipeline_mode<synchronous>, transform_indices = @transform_1, window_bounds = array<i64: 2, 128, 128>}, {transform_indices = @transform_2, window_bounds = array<i64: 2, 1000, 128>}]} {
    %get3A = arith.constant 0 : index
    %get3A_0 = arith.constant 0 : index
    %get3A_1 = vector.load %arg1[%get3A, %get3A_0] : memref<1000x128xf32, #tpu.memory_space<vmem>>, vector<1000x128xf32>
    %get3A_2 = arith.constant 0 : index
    %get3A_3 = arith.constant 0 : index
    %get3A_4 = arith.constant 0 : index
    %get3A_5 = vector.load %arg2[%get3A_2, %get3A_3, %get3A_4] : memref<2x128x128xf32, #tpu.memory_space<vmem>>, vector<1x128x128xf32>
    %get3A_6 = vector.shape_cast %get3A_5 : vector<1x128x128xf32> to vector<128x128xf32>
    %dot_general3A = arith.constant dense<0.000000e+00> : vector<1000x128xf32>
    %dot_general3A_7 = tpu.matmul %get3A_1, %get3A_6, %dot_general3A {dimension_numbers = #tpu.dot_dimension_numbers<[1], [0], [0], [1], [0, 0, 1, 1], [], []>, transpose_lhs_hint = false} : vector<1000x128xf32>, vector<128x128xf32>, vector<1000x128xf32> -> vector<1000x128xf32>
    %swap3A = arith.constant 0 : index
    %swap3A_8 = arith.constant 0 : index
    %swap3A_9 = arith.constant 0 : index
    %swap3A_10 = vector.load %arg3[%swap3A, %swap3A_8, %swap3A_9] : memref<2x1000x128xf32, #tpu.memory_space<vmem>>, vector<1x1000x128xf32>
    %swap3A_11 = vector.shape_cast %swap3A_10 : vector<1x1000x128xf32> to vector<1000x128xf32>
    %swap3A_12 = vector.shape_cast %dot_general3A_7 : vector<1000x128xf32> to vector<1x1000x128xf32>
    tpu.vector_store %arg3[%swap3A, %swap3A_8, %swap3A_9], %swap3A_12 {strides = array<i32>} : memref<2x1000x128xf32, #tpu.memory_space<vmem>>, vector<1x1000x128xf32>,
    %get3A_13 = arith.constant 1 : index
    %get3A_14 = arith.constant 0 : index
    %get3A_15 = arith.constant 0 : index
    %get3A_16 = vector.load %arg2[%get3A_13, %get3A_14, %get3A_15] : memref<2x128x128xf32, #tpu.memory_space<vmem>>, vector<1x128x128xf32>
    %get3A_17 = vector.shape_cast %get3A_16 : vector<1x128x128xf32> to vector<128x128xf32>
    %dot_general3A_18 = arith.constant dense<0.000000e+00> : vector<1000x128xf32>
    %dot_general3A_19 = tpu.matmul %get3A_1, %get3A_17, %dot_general3A_18 {dimension_numbers = #tpu.dot_dimension_numbers<[1], [0], [0], [1], [0, 0, 1, 1], [], []>, transpose_lhs_hint = false} : vector<1000x128xf32>, vector<128x128xf32>, vector<1000x128xf32> -> vector<1000x128xf32>
    %swap3A_20 = arith.constant 1 : index
    %swap3A_21 = arith.constant 0 : index
    %swap3A_22 = arith.constant 0 : index
    %swap3A_23 = vector.load %arg3[%swap3A_20, %swap3A_21, %swap3A_22] : memref<2x1000x128xf32, #tpu.memory_space<vmem>>, vector<1x1000x128xf32>
    %swap3A_24 = vector.shape_cast %swap3A_23 : vector<1x1000x128xf32> to vector<1000x128xf32>
    %swap3A_25 = vector.shape_cast %dot_general3A_19 : vector<1000x128xf32> to vector<1x1000x128xf32>
    tpu.vector_store %arg3[%swap3A_20, %swap3A_21, %swap3A_22], %swap3A_25 {strides = array<i32>} : memref<2x1000x128xf32, #tpu.memory_space<vmem>>, vector<1x1000x128xf32>,
    return
  }
  func.func @transform_0(%arg0: i32) -> (i32, i32) {
    %c0_i32 = arith.constant 0 : i32
    %c0_i32_0 = arith.constant 0 : i32
    return %arg0, %c0_i32 : i32, i32
  }
  func.func @transform_1(%arg0: i32) -> (i32, i32, i32) {
    %c0_i32 = arith.constant 0 : i32
    %c0_i32_0 = arith.constant 0 : i32
    %c0_i32_1 = arith.constant 0 : i32
    %c0_i32_2 = arith.constant 0 : i32
    return %c0_i32, %c0_i32_0, %c0_i32_1 : i32, i32, i32
  }
  func.func @transform_2(%arg0: i32) -> (i32, i32, i32) {
    %c0_i32 = arith.constant 0 : i32
    %c0_i32_0 = arith.constant 0 : i32
    %c0_i32_1 = arith.constant 0 : i32
    return %c0_i32, %arg0, %c0_i32_0 : i32, i32, i32
  }
}

module attributes {stable_mosaic.version = 14 : i64} {
  func.func @_tbl_body(%arg0: i32, %arg1: memref<1000x128xf32, #tpu.memory_space<vmem>>, %arg2: memref<128x4xf32, #tpu.memory_space<vmem>>, %arg3: memref<1x4xf32, #tpu.memory_space<vmem>>, %arg4: memref<2x1000x128xf32, #tpu.memory_space<vmem>>) attributes {dimension_semantics = [#tpu.dimension_semantics<arbitrary>], iteration_bounds = array<i64: 10>, scalar_prefetch = 0 : i64, scratch_operands = 0 : i64, tpu.core_type = #tpu.core_type<tc>, window_params = [{transform_indices = @transform_0, window_bounds = array<i64: 1000, 128>}, {pipeline_mode = #tpu.pipeline_mode<synchronous>, transform_indices = @transform_1, window_bounds = array<i64: 128, 4>}, {pipeline_mode = #tpu.pipeline_mode<synchronous>, transform_indices = @transform_2, window_bounds = array<i64: 1, 4>}, {transform_indices = @transform_3, window_bounds = array<i64: 2, 1000, 128>}]} {
    %get3A = arith.constant 0 : index
    %get3A_0 = arith.constant 0 : index
    %get3A_1 = vector.load %arg1[%get3A, %get3A_0] : memref<1000x128xf32, #tpu.memory_space<vmem>>, vector<1000x128xf32>
    %get3A_2 = arith.constant 0 : index
    %get3A_3 = arith.constant 0 : index
    %get3A_4 = vector.load %arg2[%get3A_2, %get3A_3] : memref<128x4xf32, #tpu.memory_space<vmem>>, vector<128x4xf32>
    %dot_general3A = arith.constant dense<0.000000e+00> : vector<1000x4xf32>
    %dot_general3A_5 = tpu.matmul %get3A_1, %get3A_4, %dot_general3A {dimension_numbers = #tpu.dot_dimension_numbers<[1], [0], [0], [1], [0, 0, 1, 1], [], []>, transpose_lhs_hint = false} : vector<1000x128xf32>, vector<128x4xf32>, vector<1000x4xf32> -> vector<1000x4xf32>
    %get3A_6 = arith.constant 0 : index
    %get3A_7 = arith.constant 0 : index
    %get3A_8 = vector.load %arg3[%get3A_6, %get3A_7] : memref<1x4xf32, #tpu.memory_space<vmem>>, vector<1x4xf32>
    %add3A = vector.broadcast %get3A_8 : vector<1x4xf32> to vector<1000x4xf32>
    %add3A_9 = arith.addf %dot_general3A_5, %add3A : vector<1000x4xf32>
    %broadcast_in_dim3A = arith.constant 0.000000e+00 : f32
    %broadcast_in_dim3A_10 = vector.broadcast %broadcast_in_dim3A : f32 to vector<1000x62xf32>
    %slice3A = vector.extract_strided_slice %get3A_1 {offsets = [0, 0], sizes = [1000, 64], strides = [1, 1]} : vector<1000x128xf32> to vector<1000x64xf32>
    %slice3A_11 = vector.extract_strided_slice %add3A_9 {offsets = [0, 0], sizes = [1000, 2], strides = [1, 1]} : vector<1000x4xf32> to vector<1000x2xf32>
    %concatenate3A = tpu.concatenate %slice3A, %slice3A_11, %broadcast_in_dim3A_10 in 1 : vector<1000x64xf32>, vector<1000x2xf32>, vector<1000x62xf32> -> vector<1000x128xf32>
    %swap3A = arith.constant 0 : index
    %swap3A_12 = arith.constant 0 : index
    %swap3A_13 = arith.constant 0 : index
    %swap3A_14 = vector.load %arg4[%swap3A, %swap3A_12, %swap3A_13] : memref<2x1000x128xf32, #tpu.memory_space<vmem>>, vector<1x1000x128xf32>
    %swap3A_15 = vector.shape_cast %swap3A_14 : vector<1x1000x128xf32> to vector<1000x128xf32>
    %swap3A_16 = vector.shape_cast %concatenate3A : vector<1000x128xf32> to vector<1x1000x128xf32>
    tpu.vector_store %arg4[%swap3A, %swap3A_12, %swap3A_13], %swap3A_16 {strides = array<i32>} : memref<2x1000x128xf32, #tpu.memory_space<vmem>>, vector<1x1000x128xf32>,
    %slice3A_17 = vector.extract_strided_slice %get3A_1 {offsets = [0, 64], sizes = [1000, 64], strides = [1, 1]} : vector<1000x128xf32> to vector<1000x64xf32>
    %slice3A_18 = vector.extract_strided_slice %add3A_9 {offsets = [0, 2], sizes = [1000, 2], strides = [1, 1]} : vector<1000x4xf32> to vector<1000x2xf32>
    %concatenate3A_19 = tpu.concatenate %slice3A_17, %slice3A_18, %broadcast_in_dim3A_10 in 1 : vector<1000x64xf32>, vector<1000x2xf32>, vector<1000x62xf32> -> vector<1000x128xf32>
    %swap3A_20 = arith.constant 1 : index
    %swap3A_21 = arith.constant 0 : index
    %swap3A_22 = arith.constant 0 : index
    %swap3A_23 = vector.load %arg4[%swap3A_20, %swap3A_21, %swap3A_22] : memref<2x1000x128xf32, #tpu.memory_space<vmem>>, vector<1x1000x128xf32>
    %swap3A_24 = vector.shape_cast %swap3A_23 : vector<1x1000x128xf32> to vector<1000x128xf32>
    %swap3A_25 = vector.shape_cast %concatenate3A_19 : vector<1000x128xf32> to vector<1x1000x128xf32>
    tpu.vector_store %arg4[%swap3A_20, %swap3A_21, %swap3A_22], %swap3A_25 {strides = array<i32>} : memref<2x1000x128xf32, #tpu.memory_space<vmem>>, vector<1x1000x128xf32>,
    return
  }
  func.func @transform_0(%arg0: i32) -> (i32, i32) {
    %c0_i32 = arith.constant 0 : i32
    %c0_i32_0 = arith.constant 0 : i32
    return %arg0, %c0_i32 : i32, i32
  }
  func.func @transform_1(%arg0: i32) -> (i32, i32) {
    %c0_i32 = arith.constant 0 : i32
    %c0_i32_0 = arith.constant 0 : i32
    %c0_i32_1 = arith.constant 0 : i32
    return %c0_i32, %c0_i32_0 : i32, i32
  }
  func.func @transform_2(%arg0: i32) -> (i32, i32) {
    %c0_i32 = arith.constant 0 : i32
    %c0_i32_0 = arith.constant 0 : i32
    %c0_i32_1 = arith.constant 0 : i32
    return %c0_i32, %c0_i32_0 : i32, i32
  }
  func.func @transform_3(%arg0: i32) -> (i32, i32, i32) {
    %c0_i32 = arith.constant 0 : i32
    %c0_i32_0 = arith.constant 0 : i32
    %c0_i32_1 = arith.constant 0 : i32
    return %c0_i32, %arg0, %c0_i32_0 : i32, i32, i32
  }
}

module attributes {stable_mosaic.version = 14 : i64} {
  func.func @_epi_body(%arg0: i32, %arg1: memref<2x1000x128xf32, #tpu.memory_space<vmem>>, %arg2: memref<1000x128xf32, #tpu.memory_space<vmem>>, %arg3: memref<128x64xf32, #tpu.memory_space<vmem>>, %arg4: memref<64x64xf32, #tpu.memory_space<vmem>>, %arg5: memref<4x64xf32, #tpu.memory_space<vmem>>, %arg6: memref<128x64xf32, #tpu.memory_space<vmem>>, %arg7: memref<64x64xf32, #tpu.memory_space<vmem>>, %arg8: memref<1x64xf32, #tpu.memory_space<vmem>>, %arg9: memref<64x1xf32, #tpu.memory_space<vmem>>, %arg10: memref<1000x64xf32, #tpu.memory_space<vmem>>) attributes {dimension_semantics = [#tpu.dimension_semantics<arbitrary>], iteration_bounds = array<i64: 10>, scalar_prefetch = 0 : i64, scratch_operands = 0 : i64, tpu.core_type = #tpu.core_type<tc>, window_params = [{transform_indices = @transform_0, window_bounds = array<i64: 2, 1000, 128>}, {transform_indices = @transform_1, window_bounds = array<i64: 1000, 128>}, {pipeline_mode = #tpu.pipeline_mode<synchronous>, transform_indices = @transform_2, window_bounds = array<i64: 128, 64>}, {pipeline_mode = #tpu.pipeline_mode<synchronous>, transform_indices = @transform_3, window_bounds = array<i64: 64, 64>}, {pipeline_mode = #tpu.pipeline_mode<synchronous>, transform_indices = @transform_4, window_bounds = array<i64: 4, 64>}, {pipeline_mode = #tpu.pipeline_mode<synchronous>, transform_indices = @transform_5, window_bounds = array<i64: 128, 64>}, {pipeline_mode = #tpu.pipeline_mode<synchronous>, transform_indices = @transform_6, window_bounds = array<i64: 64, 64>}, {pipeline_mode = #tpu.pipeline_mode<synchronous>, transform_indices = @transform_7, window_bounds = array<i64: 1, 64>}, {pipeline_mode = #tpu.pipeline_mode<synchronous>, transform_indices = @transform_8, window_bounds = array<i64: 64, 1>}, {transform_indices = @transform_9, window_bounds = array<i64: 1000, 64>}]} {
    %get3A = arith.constant 0 : index
    %get3A_0 = arith.constant 0 : index
    %get3A_1 = vector.load %arg2[%get3A, %get3A_0] : memref<1000x128xf32, #tpu.memory_space<vmem>>, vector<1000x128xf32>
    %get3A_2 = arith.constant 0 : index
    %get3A_3 = arith.constant 0 : index
    %get3A_4 = arith.constant 98 : index
    %get3A_5 = vector.load %arg1[%get3A_2, %get3A_3, %get3A_4] : memref<2x1000x128xf32, #tpu.memory_space<vmem>>, vector<1x1000x1xf32>
    %get3A_6 = vector.shape_cast %get3A_5 : vector<1x1000x1xf32> to vector<1000x1xf32>
    %max3A = arith.constant 1.000000e+00 : f32
    %max3A_7 = vector.broadcast %max3A : f32 to vector<1000x1xf32>
    %max3A_8 = arith.maximumf %get3A_6, %max3A_7 : vector<1000x1xf32>
    %get3A_9 = arith.constant 0 : index
    %get3A_10 = arith.constant 0 : index
    %get3A_11 = vector.load %arg7[%get3A_9, %get3A_10] : memref<64x64xf32, #tpu.memory_space<vmem>>, vector<64x64xf32>
    %get3A_12 = arith.constant 0 : index
    %get3A_13 = arith.constant 0 : index
    %get3A_14 = vector.load %arg8[%get3A_12, %get3A_13] : memref<1x64xf32, #tpu.memory_space<vmem>>, vector<1x64xf32>
    %get3A_15 = arith.constant 0 : index
    %get3A_16 = arith.constant 0 : index
    %get3A_17 = vector.load %arg9[%get3A_15, %get3A_16] : memref<64x1xf32, #tpu.memory_space<vmem>>, vector<64x1xf32>
    %get3A_18 = arith.constant 0 : index
    %get3A_19 = arith.constant 0 : index
    %get3A_20 = arith.constant 0 : index
    %get3A_21 = vector.load %arg1[%get3A_18, %get3A_19, %get3A_20] : memref<2x1000x128xf32, #tpu.memory_space<vmem>>, vector<1x1000x128xf32>
    %get3A_22 = vector.shape_cast %get3A_21 : vector<1x1000x128xf32> to vector<1000x128xf32>
    %slice3A = vector.extract_strided_slice %get3A_22 {offsets = [0, 0], sizes = [1000, 32], strides = [1, 1]} : vector<1000x128xf32> to vector<1000x32xf32>
    %slice3A_23 = vector.extract_strided_slice %get3A_22 {offsets = [0, 64], sizes = [1000, 16], strides = [1, 1]} : vector<1000x128xf32> to vector<1000x16xf32>
    %slice3A_24 = vector.extract_strided_slice %get3A_22 {offsets = [0, 96], sizes = [1000, 1], strides = [1, 1]} : vector<1000x128xf32> to vector<1000x1xf32>
    %get3A_25 = arith.constant 0 : index
    %get3A_26 = arith.constant 0 : index
    %get3A_27 = vector.load %arg3[%get3A_25, %get3A_26] : memref<128x64xf32, #tpu.memory_space<vmem>>, vector<32x64xf32>
    %dot_general3A = arith.constant dense<0.000000e+00> : vector<1000x64xf32>
    %dot_general3A_28 = tpu.matmul %slice3A, %get3A_27, %dot_general3A {dimension_numbers = #tpu.dot_dimension_numbers<[1], [0], [0], [1], [0, 0, 1, 1], [], []>, transpose_lhs_hint = false} : vector<1000x32xf32>, vector<32x64xf32>, vector<1000x64xf32> -> vector<1000x64xf32>
    %get3A_29 = arith.constant 0 : index
    %get3A_30 = arith.constant 0 : index
    %get3A_31 = vector.load %arg4[%get3A_29, %get3A_30] : memref<64x64xf32, #tpu.memory_space<vmem>>, vector<16x64xf32>
    %dot_general3A_32 = arith.constant dense<0.000000e+00> : vector<1000x64xf32>
    %dot_general3A_33 = tpu.matmul %slice3A_23, %get3A_31, %dot_general3A_32 {dimension_numbers = #tpu.dot_dimension_numbers<[1], [0], [0], [1], [0, 0, 1, 1], [], []>, transpose_lhs_hint = false} : vector<1000x16xf32>, vector<16x64xf32>, vector<1000x64xf32> -> vector<1000x64xf32>
    %add3A = arith.addf %dot_general3A_28, %dot_general3A_33 : vector<1000x64xf32>
    %get3A_34 = arith.constant 0 : index
    %get3A_35 = arith.constant 0 : index
    %get3A_36 = vector.load %arg5[%get3A_34, %get3A_35] : memref<4x64xf32, #tpu.memory_space<vmem>>, vector<1x64xf32>
    %mul3A = vector.broadcast %slice3A_24 : vector<1000x1xf32> to vector<1000x64xf32>
    %mul3A_37 = vector.broadcast %get3A_36 : vector<1x64xf32> to vector<1000x64xf32>
    %mul3A_38 = arith.mulf %mul3A, %mul3A_37 : vector<1000x64xf32>
    %add3A_39 = arith.addf %add3A, %mul3A_38 : vector<1000x64xf32>
    %div3A = vector.broadcast %max3A_8 : vector<1000x1xf32> to vector<1000x64xf32>
    %div3A_40 = arith.divf %add3A_39, %div3A : vector<1000x64xf32>
    %slice3A_41 = vector.extract_strided_slice %get3A_1 {offsets = [0, 0], sizes = [1000, 32], strides = [1, 1]} : vector<1000x128xf32> to vector<1000x32xf32>
    %get3A_42 = arith.constant 0 : index
    %get3A_43 = arith.constant 0 : index
    %get3A_44 = vector.load %arg6[%get3A_42, %get3A_43] : memref<128x64xf32, #tpu.memory_space<vmem>>, vector<32x64xf32>
    %dot_general3A_45 = arith.constant dense<0.000000e+00> : vector<1000x64xf32>
    %dot_general3A_46 = tpu.matmul %slice3A_41, %get3A_44, %dot_general3A_45 {dimension_numbers = #tpu.dot_dimension_numbers<[1], [0], [0], [1], [0, 0, 1, 1], [], []>, transpose_lhs_hint = false} : vector<1000x32xf32>, vector<32x64xf32>, vector<1000x64xf32> -> vector<1000x64xf32>
    %add3A_47 = arith.addf %div3A_40, %dot_general3A_46 : vector<1000x64xf32>
    %get3A_48 = arith.constant 0 : index
    %get3A_49 = arith.constant 0 : index
    %get3A_50 = arith.constant 0 : index
    %get3A_51 = vector.load %arg1[%get3A_48, %get3A_49, %get3A_50] : memref<2x1000x128xf32, #tpu.memory_space<vmem>>, vector<1x1000x128xf32>
    %get3A_52 = vector.shape_cast %get3A_51 : vector<1x1000x128xf32> to vector<1000x128xf32>
    %slice3A_53 = vector.extract_strided_slice %get3A_52 {offsets = [0, 32], sizes = [1000, 32], strides = [1, 1]} : vector<1000x128xf32> to vector<1000x32xf32>
    %slice3A_54 = vector.extract_strided_slice %get3A_52 {offsets = [0, 80], sizes = [1000, 16], strides = [1, 1]} : vector<1000x128xf32> to vector<1000x16xf32>
    %slice3A_55 = vector.extract_strided_slice %get3A_52 {offsets = [0, 97], sizes = [1000, 1], strides = [1, 1]} : vector<1000x128xf32> to vector<1000x1xf32>
    %get3A_56 = arith.constant 32 : index
    %get3A_57 = arith.constant 0 : index
    %get3A_58 = vector.load %arg3[%get3A_56, %get3A_57] : memref<128x64xf32, #tpu.memory_space<vmem>>, vector<32x64xf32>
    %dot_general3A_59 = arith.constant dense<0.000000e+00> : vector<1000x64xf32>
    %dot_general3A_60 = tpu.matmul %slice3A_53, %get3A_58, %dot_general3A_59 {dimension_numbers = #tpu.dot_dimension_numbers<[1], [0], [0], [1], [0, 0, 1, 1], [], []>, transpose_lhs_hint = false} : vector<1000x32xf32>, vector<32x64xf32>, vector<1000x64xf32> -> vector<1000x64xf32>
    %get3A_61 = arith.constant 16 : index
    %get3A_62 = arith.constant 0 : index
    %get3A_63 = vector.load %arg4[%get3A_61, %get3A_62] : memref<64x64xf32, #tpu.memory_space<vmem>>, vector<16x64xf32>
    %dot_general3A_64 = arith.constant dense<0.000000e+00> : vector<1000x64xf32>
    %dot_general3A_65 = tpu.matmul %slice3A_54, %get3A_63, %dot_general3A_64 {dimension_numbers = #tpu.dot_dimension_numbers<[1], [0], [0], [1], [0, 0, 1, 1], [], []>, transpose_lhs_hint = false} : vector<1000x16xf32>, vector<16x64xf32>, vector<1000x64xf32> -> vector<1000x64xf32>
    %add3A_66 = arith.addf %dot_general3A_60, %dot_general3A_65 : vector<1000x64xf32>
    %get3A_67 = arith.constant 1 : index
    %get3A_68 = arith.constant 0 : index
    %get3A_69 = vector.load %arg5[%get3A_67, %get3A_68] : memref<4x64xf32, #tpu.memory_space<vmem>>, vector<1x64xf32>
    %mul3A_70 = vector.broadcast %slice3A_55 : vector<1000x1xf32> to vector<1000x64xf32>
    %mul3A_71 = vector.broadcast %get3A_69 : vector<1x64xf32> to vector<1000x64xf32>
    %mul3A_72 = arith.mulf %mul3A_70, %mul3A_71 : vector<1000x64xf32>
    %add3A_73 = arith.addf %add3A_66, %mul3A_72 : vector<1000x64xf32>
    %div3A_74 = vector.broadcast %max3A_8 : vector<1000x1xf32> to vector<1000x64xf32>
    %div3A_75 = arith.divf %add3A_73, %div3A_74 : vector<1000x64xf32>
    %slice3A_76 = vector.extract_strided_slice %get3A_1 {offsets = [0, 32], sizes = [1000, 32], strides = [1, 1]} : vector<1000x128xf32> to vector<1000x32xf32>
    %get3A_77 = arith.constant 32 : index
    %get3A_78 = arith.constant 0 : index
    %get3A_79 = vector.load %arg6[%get3A_77, %get3A_78] : memref<128x64xf32, #tpu.memory_space<vmem>>, vector<32x64xf32>
    %dot_general3A_80 = arith.constant dense<0.000000e+00> : vector<1000x64xf32>
    %dot_general3A_81 = tpu.matmul %slice3A_76, %get3A_79, %dot_general3A_80 {dimension_numbers = #tpu.dot_dimension_numbers<[1], [0], [0], [1], [0, 0, 1, 1], [], []>, transpose_lhs_hint = false} : vector<1000x32xf32>, vector<32x64xf32>, vector<1000x64xf32> -> vector<1000x64xf32>
    %add3A_82 = arith.addf %div3A_75, %dot_general3A_81 : vector<1000x64xf32>
    %get3A_83 = arith.constant 1 : index
    %get3A_84 = arith.constant 0 : index
    %get3A_85 = arith.constant 0 : index
    %get3A_86 = vector.load %arg1[%get3A_83, %get3A_84, %get3A_85] : memref<2x1000x128xf32, #tpu.memory_space<vmem>>, vector<1x1000x128xf32>
    %get3A_87 = vector.shape_cast %get3A_86 : vector<1x1000x128xf32> to vector<1000x128xf32>
    %slice3A_88 = vector.extract_strided_slice %get3A_87 {offsets = [0, 0], sizes = [1000, 32], strides = [1, 1]} : vector<1000x128xf32> to vector<1000x32xf32>
    %slice3A_89 = vector.extract_strided_slice %get3A_87 {offsets = [0, 64], sizes = [1000, 16], strides = [1, 1]} : vector<1000x128xf32> to vector<1000x16xf32>
    %slice3A_90 = vector.extract_strided_slice %get3A_87 {offsets = [0, 96], sizes = [1000, 1], strides = [1, 1]} : vector<1000x128xf32> to vector<1000x1xf32>
    %get3A_91 = arith.constant 64 : index
    %get3A_92 = arith.constant 0 : index
    %get3A_93 = vector.load %arg3[%get3A_91, %get3A_92] : memref<128x64xf32, #tpu.memory_space<vmem>>, vector<32x64xf32>
    %dot_general3A_94 = arith.constant dense<0.000000e+00> : vector<1000x64xf32>
    %dot_general3A_95 = tpu.matmul %slice3A_88, %get3A_93, %dot_general3A_94 {dimension_numbers = #tpu.dot_dimension_numbers<[1], [0], [0], [1], [0, 0, 1, 1], [], []>, transpose_lhs_hint = false} : vector<1000x32xf32>, vector<32x64xf32>, vector<1000x64xf32> -> vector<1000x64xf32>
    %get3A_96 = arith.constant 32 : index
    %get3A_97 = arith.constant 0 : index
    %get3A_98 = vector.load %arg4[%get3A_96, %get3A_97] : memref<64x64xf32, #tpu.memory_space<vmem>>, vector<16x64xf32>
    %dot_general3A_99 = arith.constant dense<0.000000e+00> : vector<1000x64xf32>
    %dot_general3A_100 = tpu.matmul %slice3A_89, %get3A_98, %dot_general3A_99 {dimension_numbers = #tpu.dot_dimension_numbers<[1], [0], [0], [1], [0, 0, 1, 1], [], []>, transpose_lhs_hint = false} : vector<1000x16xf32>, vector<16x64xf32>, vector<1000x64xf32> -> vector<1000x64xf32>
    %add3A_101 = arith.addf %dot_general3A_95, %dot_general3A_100 : vector<1000x64xf32>
    %get3A_102 = arith.constant 2 : index
    %get3A_103 = arith.constant 0 : index
    %get3A_104 = vector.load %arg5[%get3A_102, %get3A_103] : memref<4x64xf32, #tpu.memory_space<vmem>>, vector<1x64xf32>
    %mul3A_105 = vector.broadcast %slice3A_90 : vector<1000x1xf32> to vector<1000x64xf32>
    %mul3A_106 = vector.broadcast %get3A_104 : vector<1x64xf32> to vector<1000x64xf32>
    %mul3A_107 = arith.mulf %mul3A_105, %mul3A_106 : vector<1000x64xf32>
    %add3A_108 = arith.addf %add3A_101, %mul3A_107 : vector<1000x64xf32>
    %div3A_109 = vector.broadcast %max3A_8 : vector<1000x1xf32> to vector<1000x64xf32>
    %div3A_110 = arith.divf %add3A_108, %div3A_109 : vector<1000x64xf32>
    %slice3A_111 = vector.extract_strided_slice %get3A_1 {offsets = [0, 64], sizes = [1000, 32], strides = [1, 1]} : vector<1000x128xf32> to vector<1000x32xf32>
    %get3A_112 = arith.constant 64 : index
    %get3A_113 = arith.constant 0 : index
    %get3A_114 = vector.load %arg6[%get3A_112, %get3A_113] : memref<128x64xf32, #tpu.memory_space<vmem>>, vector<32x64xf32>
    %dot_general3A_115 = arith.constant dense<0.000000e+00> : vector<1000x64xf32>
    %dot_general3A_116 = tpu.matmul %slice3A_111, %get3A_114, %dot_general3A_115 {dimension_numbers = #tpu.dot_dimension_numbers<[1], [0], [0], [1], [0, 0, 1, 1], [], []>, transpose_lhs_hint = false} : vector<1000x32xf32>, vector<32x64xf32>, vector<1000x64xf32> -> vector<1000x64xf32>
    %add3A_117 = arith.addf %div3A_110, %dot_general3A_116 : vector<1000x64xf32>
    %get3A_118 = arith.constant 1 : index
    %get3A_119 = arith.constant 0 : index
    %get3A_120 = arith.constant 0 : index
    %get3A_121 = vector.load %arg1[%get3A_118, %get3A_119, %get3A_120] : memref<2x1000x128xf32, #tpu.memory_space<vmem>>, vector<1x1000x128xf32>
    %get3A_122 = vector.shape_cast %get3A_121 : vector<1x1000x128xf32> to vector<1000x128xf32>
    %slice3A_123 = vector.extract_strided_slice %get3A_122 {offsets = [0, 32], sizes = [1000, 32], strides = [1, 1]} : vector<1000x128xf32> to vector<1000x32xf32>
    %slice3A_124 = vector.extract_strided_slice %get3A_122 {offsets = [0, 80], sizes = [1000, 16], strides = [1, 1]} : vector<1000x128xf32> to vector<1000x16xf32>
    %slice3A_125 = vector.extract_strided_slice %get3A_122 {offsets = [0, 97], sizes = [1000, 1], strides = [1, 1]} : vector<1000x128xf32> to vector<1000x1xf32>
    %get3A_126 = arith.constant 96 : index
    %get3A_127 = arith.constant 0 : index
    %get3A_128 = vector.load %arg3[%get3A_126, %get3A_127] : memref<128x64xf32, #tpu.memory_space<vmem>>, vector<32x64xf32>
    %dot_general3A_129 = arith.constant dense<0.000000e+00> : vector<1000x64xf32>
    %dot_general3A_130 = tpu.matmul %slice3A_123, %get3A_128, %dot_general3A_129 {dimension_numbers = #tpu.dot_dimension_numbers<[1], [0], [0], [1], [0, 0, 1, 1], [], []>, transpose_lhs_hint = false} : vector<1000x32xf32>, vector<32x64xf32>, vector<1000x64xf32> -> vector<1000x64xf32>
    %get3A_131 = arith.constant 48 : index
    %get3A_132 = arith.constant 0 : index
    %get3A_133 = vector.load %arg4[%get3A_131, %get3A_132] : memref<64x64xf32, #tpu.memory_space<vmem>>, vector<16x64xf32>
    %dot_general3A_134 = arith.constant dense<0.000000e+00> : vector<1000x64xf32>
    %dot_general3A_135 = tpu.matmul %slice3A_124, %get3A_133, %dot_general3A_134 {dimension_numbers = #tpu.dot_dimension_numbers<[1], [0], [0], [1], [0, 0, 1, 1], [], []>, transpose_lhs_hint = false} : vector<1000x16xf32>, vector<16x64xf32>, vector<1000x64xf32> -> vector<1000x64xf32>
    %add3A_136 = arith.addf %dot_general3A_130, %dot_general3A_135 : vector<1000x64xf32>
    %get3A_137 = arith.constant 3 : index
    %get3A_138 = arith.constant 0 : index
    %get3A_139 = vector.load %arg5[%get3A_137, %get3A_138] : memref<4x64xf32, #tpu.memory_space<vmem>>, vector<1x64xf32>
    %mul3A_140 = vector.broadcast %slice3A_125 : vector<1000x1xf32> to vector<1000x64xf32>
    %mul3A_141 = vector.broadcast %get3A_139 : vector<1x64xf32> to vector<1000x64xf32>
    %mul3A_142 = arith.mulf %mul3A_140, %mul3A_141 : vector<1000x64xf32>
    %add3A_143 = arith.addf %add3A_136, %mul3A_142 : vector<1000x64xf32>
    %div3A_144 = vector.broadcast %max3A_8 : vector<1000x1xf32> to vector<1000x64xf32>
    %div3A_145 = arith.divf %add3A_143, %div3A_144 : vector<1000x64xf32>
    %slice3A_146 = vector.extract_strided_slice %get3A_1 {offsets = [0, 96], sizes = [1000, 32], strides = [1, 1]} : vector<1000x128xf32> to vector<1000x32xf32>
    %get3A_147 = arith.constant 96 : index
    %get3A_148 = arith.constant 0 : index
    %get3A_149 = vector.load %arg6[%get3A_147, %get3A_148] : memref<128x64xf32, #tpu.memory_space<vmem>>, vector<32x64xf32>
    %dot_general3A_150 = arith.constant dense<0.000000e+00> : vector<1000x64xf32>
    %dot_general3A_151 = tpu.matmul %slice3A_146, %get3A_149, %dot_general3A_150 {dimension_numbers = #tpu.dot_dimension_numbers<[1], [0], [0], [1], [0, 0, 1, 1], [], []>, transpose_lhs_hint = false} : vector<1000x32xf32>, vector<32x64xf32>, vector<1000x64xf32> -> vector<1000x64xf32>
    %add3A_152 = arith.addf %div3A_145, %dot_general3A_151 : vector<1000x64xf32>
    %dot_general3A_153 = arith.constant dense<0.000000e+00> : vector<1000x64xf32>
    %dot_general3A_154 = tpu.matmul %add3A_47, %get3A_11, %dot_general3A_153 {dimension_numbers = #tpu.dot_dimension_numbers<[1], [0], [0], [1], [0, 0, 1, 1], [], []>, transpose_lhs_hint = false} : vector<1000x64xf32>, vector<64x64xf32>, vector<1000x64xf32> -> vector<1000x64xf32>
    %squeeze3A = vector.shape_cast %get3A_14 : vector<1x64xf32> to vector<64xf32>
    %broadcast_in_dim3A = vector.shape_cast %squeeze3A : vector<64xf32> to vector<1x64xf32>
    %add3A_155 = vector.broadcast %broadcast_in_dim3A : vector<1x64xf32> to vector<1000x64xf32>
    %add3A_156 = arith.addf %dot_general3A_154, %add3A_155 : vector<1000x64xf32>
    %tanh3A = math.tanh %add3A_156 : vector<1000x64xf32>
    %dot_general3A_157 = arith.constant dense<0.000000e+00> : vector<1000x1xf32>
    %dot_general3A_158 = tpu.matmul %tanh3A, %get3A_17, %dot_general3A_157 {dimension_numbers = #tpu.dot_dimension_numbers<[1], [0], [0], [1], [0, 0, 1, 1], [], []>, transpose_lhs_hint = false} : vector<1000x64xf32>, vector<64x1xf32>, vector<1000x1xf32> -> vector<1000x1xf32>
    %dot_general3A_159 = arith.constant dense<0.000000e+00> : vector<1000x64xf32>
    %dot_general3A_160 = tpu.matmul %add3A_82, %get3A_11, %dot_general3A_159 {dimension_numbers = #tpu.dot_dimension_numbers<[1], [0], [0], [1], [0, 0, 1, 1], [], []>, transpose_lhs_hint = false} : vector<1000x64xf32>, vector<64x64xf32>, vector<1000x64xf32> -> vector<1000x64xf32>
    %squeeze3A_161 = vector.shape_cast %get3A_14 : vector<1x64xf32> to vector<64xf32>
    %broadcast_in_dim3A_162 = vector.shape_cast %squeeze3A_161 : vector<64xf32> to vector<1x64xf32>
    %add3A_163 = vector.broadcast %broadcast_in_dim3A_162 : vector<1x64xf32> to vector<1000x64xf32>
    %add3A_164 = arith.addf %dot_general3A_160, %add3A_163 : vector<1000x64xf32>
    %tanh3A_165 = math.tanh %add3A_164 : vector<1000x64xf32>
    %dot_general3A_166 = arith.constant dense<0.000000e+00> : vector<1000x1xf32>
    %dot_general3A_167 = tpu.matmul %tanh3A_165, %get3A_17, %dot_general3A_166 {dimension_numbers = #tpu.dot_dimension_numbers<[1], [0], [0], [1], [0, 0, 1, 1], [], []>, transpose_lhs_hint = false} : vector<1000x64xf32>, vector<64x1xf32>, vector<1000x1xf32> -> vector<1000x1xf32>
    %dot_general3A_168 = arith.constant dense<0.000000e+00> : vector<1000x64xf32>
    %dot_general3A_169 = tpu.matmul %add3A_117, %get3A_11, %dot_general3A_168 {dimension_numbers = #tpu.dot_dimension_numbers<[1], [0], [0], [1], [0, 0, 1, 1], [], []>, transpose_lhs_hint = false} : vector<1000x64xf32>, vector<64x64xf32>, vector<1000x64xf32> -> vector<1000x64xf32>
    %squeeze3A_170 = vector.shape_cast %get3A_14 : vector<1x64xf32> to vector<64xf32>
    %broadcast_in_dim3A_171 = vector.shape_cast %squeeze3A_170 : vector<64xf32> to vector<1x64xf32>
    %add3A_172 = vector.broadcast %broadcast_in_dim3A_171 : vector<1x64xf32> to vector<1000x64xf32>
    %add3A_173 = arith.addf %dot_general3A_169, %add3A_172 : vector<1000x64xf32>
    %tanh3A_174 = math.tanh %add3A_173 : vector<1000x64xf32>
    %dot_general3A_175 = arith.constant dense<0.000000e+00> : vector<1000x1xf32>
    %dot_general3A_176 = tpu.matmul %tanh3A_174, %get3A_17, %dot_general3A_175 {dimension_numbers = #tpu.dot_dimension_numbers<[1], [0], [0], [1], [0, 0, 1, 1], [], []>, transpose_lhs_hint = false} : vector<1000x64xf32>, vector<64x1xf32>, vector<1000x1xf32> -> vector<1000x1xf32>
    %dot_general3A_177 = arith.constant dense<0.000000e+00> : vector<1000x64xf32>
    %dot_general3A_178 = tpu.matmul %add3A_152, %get3A_11, %dot_general3A_177 {dimension_numbers = #tpu.dot_dimension_numbers<[1], [0], [0], [1], [0, 0, 1, 1], [], []>, transpose_lhs_hint = false} : vector<1000x64xf32>, vector<64x64xf32>, vector<1000x64xf32> -> vector<1000x64xf32>
    %squeeze3A_179 = vector.shape_cast %get3A_14 : vector<1x64xf32> to vector<64xf32>
    %broadcast_in_dim3A_180 = vector.shape_cast %squeeze3A_179 : vector<64xf32> to vector<1x64xf32>
    %add3A_181 = vector.broadcast %broadcast_in_dim3A_180 : vector<1x64xf32> to vector<1000x64xf32>
    %add3A_182 = arith.addf %dot_general3A_178, %add3A_181 : vector<1000x64xf32>
    %tanh3A_183 = math.tanh %add3A_182 : vector<1000x64xf32>
    %dot_general3A_184 = arith.constant dense<0.000000e+00> : vector<1000x1xf32>
    %dot_general3A_185 = tpu.matmul %tanh3A_183, %get3A_17, %dot_general3A_184 {dimension_numbers = #tpu.dot_dimension_numbers<[1], [0], [0], [1], [0, 0, 1, 1], [], []>, transpose_lhs_hint = false} : vector<1000x64xf32>, vector<64x1xf32>, vector<1000x1xf32> -> vector<1000x1xf32>
    %concatenate3A = tpu.concatenate %dot_general3A_158, %dot_general3A_167, %dot_general3A_176, %dot_general3A_185 in 1 : vector<1000x1xf32>, vector<1000x1xf32>, vector<1000x1xf32>, vector<1000x1xf32> -> vector<1000x4xf32>
    %reduce_max3A = arith.constant dense<0xFF800000> : vector<1000xf32>
    %reduce_max3A_186 = vector.multi_reduction <maximumf>, %concatenate3A, %reduce_max3A [1] : vector<1000x4xf32> to vector<1000xf32>
    %broadcast_in_dim3A_187 = vector.shape_cast %reduce_max3A_186 : vector<1000xf32> to vector<1000x1xf32>
    %sub3A = vector.broadcast %broadcast_in_dim3A_187 : vector<1000x1xf32> to vector<1000x4xf32>
    %sub3A_188 = arith.subf %concatenate3A, %sub3A : vector<1000x4xf32>
    %exp3A = math.exp %sub3A_188 : vector<1000x4xf32>
    %reduce_sum3A = arith.constant dense<0.000000e+00> : vector<1000xf32>
    %reduce_sum3A_189 = vector.multi_reduction <add>, %exp3A, %reduce_sum3A [1] : vector<1000x4xf32> to vector<1000xf32>
    %broadcast_in_dim3A_190 = vector.shape_cast %reduce_sum3A_189 : vector<1000xf32> to vector<1000x1xf32>
    %div3A_191 = vector.broadcast %broadcast_in_dim3A_190 : vector<1000x1xf32> to vector<1000x4xf32>
    %div3A_192 = arith.divf %exp3A, %div3A_191 : vector<1000x4xf32>
    %broadcast_in_dim3A_193 = arith.constant 0.000000e+00 : f32
    %broadcast_in_dim3A_194 = vector.broadcast %broadcast_in_dim3A_193 : f32 to vector<1000x64xf32>
    %slice3A_195 = vector.extract_strided_slice %div3A_192 {offsets = [0, 0], sizes = [1000, 1], strides = [1, 1]} : vector<1000x4xf32> to vector<1000x1xf32>
    %squeeze3A_196 = vector.shape_cast %slice3A_195 : vector<1000x1xf32> to vector<1000xf32>
    %broadcast_in_dim3A_197 = vector.shape_cast %squeeze3A_196 : vector<1000xf32> to vector<1000x1xf32>
    %mul3A_198 = vector.broadcast %broadcast_in_dim3A_197 : vector<1000x1xf32> to vector<1000x64xf32>
    %mul3A_199 = arith.mulf %mul3A_198, %add3A_47 : vector<1000x64xf32>
    %add3A_200 = arith.addf %broadcast_in_dim3A_194, %mul3A_199 : vector<1000x64xf32>
    %slice3A_201 = vector.extract_strided_slice %div3A_192 {offsets = [0, 1], sizes = [1000, 1], strides = [1, 1]} : vector<1000x4xf32> to vector<1000x1xf32>
    %squeeze3A_202 = vector.shape_cast %slice3A_201 : vector<1000x1xf32> to vector<1000xf32>
    %broadcast_in_dim3A_203 = vector.shape_cast %squeeze3A_202 : vector<1000xf32> to vector<1000x1xf32>
    %mul3A_204 = vector.broadcast %broadcast_in_dim3A_203 : vector<1000x1xf32> to vector<1000x64xf32>
    %mul3A_205 = arith.mulf %mul3A_204, %add3A_82 : vector<1000x64xf32>
    %add3A_206 = arith.addf %add3A_200, %mul3A_205 : vector<1000x64xf32>
    %slice3A_207 = vector.extract_strided_slice %div3A_192 {offsets = [0, 2], sizes = [1000, 1], strides = [1, 1]} : vector<1000x4xf32> to vector<1000x1xf32>
    %squeeze3A_208 = vector.shape_cast %slice3A_207 : vector<1000x1xf32> to vector<1000xf32>
    %broadcast_in_dim3A_209 = vector.shape_cast %squeeze3A_208 : vector<1000xf32> to vector<1000x1xf32>
    %mul3A_210 = vector.broadcast %broadcast_in_dim3A_209 : vector<1000x1xf32> to vector<1000x64xf32>
    %mul3A_211 = arith.mulf %mul3A_210, %add3A_117 : vector<1000x64xf32>
    %add3A_212 = arith.addf %add3A_206, %mul3A_211 : vector<1000x64xf32>
    %slice3A_213 = vector.extract_strided_slice %div3A_192 {offsets = [0, 3], sizes = [1000, 1], strides = [1, 1]} : vector<1000x4xf32> to vector<1000x1xf32>
    %squeeze3A_214 = vector.shape_cast %slice3A_213 : vector<1000x1xf32> to vector<1000xf32>
    %broadcast_in_dim3A_215 = vector.shape_cast %squeeze3A_214 : vector<1000xf32> to vector<1000x1xf32>
    %mul3A_216 = vector.broadcast %broadcast_in_dim3A_215 : vector<1000x1xf32> to vector<1000x64xf32>
    %mul3A_217 = arith.mulf %mul3A_216, %add3A_152 : vector<1000x64xf32>
    %add3A_218 = arith.addf %add3A_212, %mul3A_217 : vector<1000x64xf32>
    %swap3A = arith.constant 0 : index
    %swap3A_219 = arith.constant 0 : index
    %swap3A_220 = vector.load %arg10[%swap3A, %swap3A_219] : memref<1000x64xf32, #tpu.memory_space<vmem>>, vector<1000x64xf32>
    tpu.vector_store %arg10[%swap3A, %swap3A_219], %add3A_218 {strides = array<i32>} : memref<1000x64xf32, #tpu.memory_space<vmem>>, vector<1000x64xf32>,
    return
  }
  func.func @transform_0(%arg0: i32) -> (i32, i32, i32) {
    %c0_i32 = arith.constant 0 : i32
    %c0_i32_0 = arith.constant 0 : i32
    %c0_i32_1 = arith.constant 0 : i32
    return %c0_i32, %arg0, %c0_i32_0 : i32, i32, i32
  }
  func.func @transform_1(%arg0: i32) -> (i32, i32) {
    %c0_i32 = arith.constant 0 : i32
    %c0_i32_0 = arith.constant 0 : i32
    return %arg0, %c0_i32 : i32, i32
  }
  func.func @transform_2(%arg0: i32) -> (i32, i32) {
    %c0_i32 = arith.constant 0 : i32
    %c0_i32_0 = arith.constant 0 : i32
    %c0_i32_1 = arith.constant 0 : i32
    return %c0_i32, %c0_i32_0 : i32, i32
  }
  func.func @transform_3(%arg0: i32) -> (i32, i32) {
    %c0_i32 = arith.constant 0 : i32
    %c0_i32_0 = arith.constant 0 : i32
    %c0_i32_1 = arith.constant 0 : i32
    return %c0_i32, %c0_i32_0 : i32, i32
  }
  func.func @transform_4(%arg0: i32) -> (i32, i32) {
    %c0_i32 = arith.constant 0 : i32
    %c0_i32_0 = arith.constant 0 : i32
    %c0_i32_1 = arith.constant 0 : i32
    return %c0_i32, %c0_i32_0 : i32, i32
  }
  func.func @transform_5(%arg0: i32) -> (i32, i32) {
    %c0_i32 = arith.constant 0 : i32
    %c0_i32_0 = arith.constant 0 : i32
    %c0_i32_1 = arith.constant 0 : i32
    return %c0_i32, %c0_i32_0 : i32, i32
  }
  func.func @transform_6(%arg0: i32) -> (i32, i32) {
    %c0_i32 = arith.constant 0 : i32
    %c0_i32_0 = arith.constant 0 : i32
    %c0_i32_1 = arith.constant 0 : i32
    return %c0_i32, %c0_i32_0 : i32, i32
  }
  func.func @transform_7(%arg0: i32) -> (i32, i32) {
    %c0_i32 = arith.constant 0 : i32
    %c0_i32_0 = arith.constant 0 : i32
    %c0_i32_1 = arith.constant 0 : i32
    return %c0_i32, %c0_i32_0 : i32, i32
  }
  func.func @transform_8(%arg0: i32) -> (i32, i32) {
    %c0_i32 = arith.constant 0 : i32
    %c0_i32_0 = arith.constant 0 : i32
    %c0_i32_1 = arith.constant 0 : i32
    return %c0_i32, %c0_i32_0 : i32, i32
  }
  func.func @transform_9(%arg0: i32) -> (i32, i32) {
    %c0_i32 = arith.constant 0 : i32
    %c0_i32_0 = arith.constant 0 : i32
    return %arg0, %c0_i32 : i32, i32
  }
}

</mosaic_0001>

<sc_bundles>
// kernel: kernel.6.cloned.1.call-start
scs
__scs_entry_jumppad:
0x0: {  	(pc) =	sbr.rel $0x88, $3  }
0x1: {  	(tag) =	ssettag $0x0;
	lr =	simm.s32 $0x1  }
0x2: {  	[smem:$0x3F96] =	sst lr;
	_ =	strace $0xD0000000  }
0x3: {  	_ = 	snop  }
0x4: {  	_ = 	snop  }
0x5: {  	_ = 	snop  }
0x6: {  	_ = 	snop  }
0x7: {  	_ = 	snop  }
__scs_overlays_trampoline_lowered:
0x8: {  	[smem:$0x3FA5] =	sst s0  }
0x9: {  	[smem:$0x3FA6] =	sst s1  }
0xa: {  	[smem:$0x3FA7] =	sst s2  }
0xb: {  	[smem:$0x3FA8] =	sst s3  }
0xc: {  	[smem:$0x3FA9] =	sst s4  }
0xd: {  	[smem:$0x3FAA] =	sst s5  }
0xe: {  	[smem:$0x3FAB] =	sst s6  }
0xf: {  	[smem:$0x3FAC] =	sst s7  }
0x10: {  	[smem:$0x3FAD] =	sst s8  }
0x11: {  	[smem:$0x3FAE] =	sst s9;
	s0 =	simm.s32 @!p0 $0x0  }
0x12: {  	s1 =	sld [smem:$0x3F94];
	s0 =	simm.s32 @p0 $0x1  }
0x13: {  	[smem:$0x3FAF] =	sst s0;
	s0 =	simm.s32 @!p1 $0x0  }
0x14: {  	s2 =	sld [smem:$0x3F93];
	s0 =	simm.s32 @p1 $0x1  }
0x15: {  	[smem:$0x3FB0] =	sst s0;
	s0 =	simm.s32 @!p2 $0x0  }
0x16: {  	s3 =	sld [smem:$0x3FDB];
	s0 =	simm.s32 @p2 $0x1  }
0x17: {  	s4 =	simm.s32 $0x1BF5;
	[smem:$0x3FB2] =	sst s0  }
0x18: {  	s0 =	sld [smem:$0x3F95];
	_ =	swait.ge [sflag:s4], $0x0  }
0x19: {  	s7 =	sld [smem:$0x3F96]  }
0x1a: {  	s8 =	sadd.s32 $0xFFFFE003, lr  }
0x1b: {  	s9 =	sadd.s32 $0xFFFFFEF7, lr;
	s5 =	simm.s32 $0xFFFFFFFF;
	p2 =	slt.u32 s8, $0xFFFFF086  }
0x1c: {  	p1 =	slt.u32 s9, $0xF7A;
	s5 =	simm.s32 @!p2 $0x0  }
0x1d: {  	s5 =	simm.s32 @p1 $0x1;
	p0 =	seq.s32 s7, s2  }
0x1e: {  	s7 =	smul.u32 @!p0 $0xF7A, s2;
	p2 =	seq.s32 @!p0 s5, $0x0  }
0x1f: {  	s9 =	smul.u32 $0xF7A, s1;
	s8 =	simm.s32 @!p0 $0x1BF5;
	p2 =	por !p2, p0  }
0x20: {  	[sflag:s8] =	ssyncset.s32 @!p0 $0xFFFFF086;
	s6 =	sadd.s32 @!p0 s3, s7;
	s7 =	simm.s32 @!p0 $0x108  }
0x21: {  	s3 =	sadd.s32 s3, s9;
	s6 =	sadd.s32 @!p0 $0x88, s6;
	s7 =	simm.s32 @p2 $0x1082  }
0x22: {  	[simem:s7], [sflag:s8] =	dma.local @!p0 [hbm:s6], $0xF7A  }
0x23: {  	s9 =	sor.u32 $0xD0000000, s2;
	s6 =	simm.s32 $0x108;
	_ =	swait.ge @!p0 [sflag:s8], $0x0  }
0x24: {  	s3 =	sadd.s32 $0x88, s3;
	s6 =	simm.s32 @!p1 $0x1082;
	[sflag:s4] =	ssyncset.s32 $0xFFFFF086  }
0x25: {  	[simem:s6], [sflag:s4] =	dma.local [hbm:s3], $0xF7A  }
0x26: {  	[smem:$0x3F96] =	sst s1;
	(tag) =	ssettag s2;
	_ =	strace s9  }
0x27: {  	s1 =	sld [smem:$0x3FA6]  }
0x28: {  	s2 =	sld [smem:$0x3FA7]  }
0x29: {  	s4 =	sld [smem:$0x3FA9]  }
0x2a: {  	p0 =	seq.s32 s5, $0x0;
	s5 =	sld [smem:$0x3FAA]  }
0x2b: {  	s6 =	sld [smem:$0x3FAB]  }
0x2c: {  	s7 =	sld [smem:$0x3FAC]  }
0x2d: {  	s3 =	simm.s32 $0x108;
	s8 =	sld [smem:$0x3FAD]  }
0x2e: {  	s3 =	simm.s32 @!p0 $0x1082;
	s9 =	sld [smem:$0x3FAE]  }
0x2f: {  	lr =	sadd.s32 s0, s3;
	s0 =	sld [smem:$0x3FA5]  }
0x30: {  	s3 =	sld [smem:$0x3FA8]  }
0x31: {  	[smem:$0x3FB1] =	sst s10  }
0x32: {  	s10 =	sld [smem:$0x3FAF];
	_ =	sdelay $0x3  }
0x33: {  	p0 =	seq.s32 s10, $0x1;
	s10 =	sld [smem:$0x3FB1];
	_ =	sdelay $0x3  }
0x34: {  	[smem:$0x3FB1] =	sst s10  }
0x35: {  	s10 =	sld [smem:$0x3FB0];
	_ =	sdelay $0x3  }
0x36: {  	p1 =	seq.s32 s10, $0x1;
	s10 =	sld [smem:$0x3FB1];
	_ =	sdelay $0x3  }
0x37: {  	[smem:$0x3FB1] =	sst s10  }
0x38: {  	s10 =	sld [smem:$0x3FB2]  }
0x39: {  	_ = 	snop;
	(pc) =	sbr.ind lr, $3  }
0x3a: {  	_ = 	snop  }
0x3b: {  	_ = 	snop  }
0x3c: {  	p2 =	seq.s32 s10, $0x1;
	s10 =	sld [smem:$0x3FB1]  }
0x3d: {  	_ =	shalt  }
0x3e: {  	_ =	shalt  }
0x3f: {  	_ =	shalt  }
0x40: {  	_ =	shalt  }
0x41: {  	_ =	shalt  }
0x42: {  	_ =	shalt  }
0x43: {  	_ =	shalt  }
0x44: {  	_ =	shalt  }
0x45: {  	_ =	shalt  }
0x46: {  	_ =	shalt  }
0x47: {  	_ =	shalt  }
0x48: {  	_ =	shalt  }
0x49: {  	_ =	shalt  }
0x4a: {  	_ =	shalt  }
0x4b: {  	_ =	shalt  }
0x4c: {  	_ =	shalt  }
0x4d: {  	_ =	shalt  }
0x4e: {  	_ =	shalt  }
0x4f: {  	_ =	shalt  }
0x50: {  	_ =	shalt  }
0x51: {  	_ =	shalt  }
0x52: {  	_ =	shalt  }
0x53: {  	_ =	shalt  }
0x54: {  	_ =	shalt  }
0x55: {  	_ =	shalt  }
0x56: {  	_ =	shalt  }
0x57: {  	_ =	shalt  }
0x58: {  	_ =	shalt  }
0x59: {  	_ =	shalt  }
0x5a: {  	_ =	shalt  }
0x5b: {  	_ =	shalt  }
0x5c: {  	_ =	shalt  }
0x5d: {  	_ =	shalt  }
0x5e: {  	_ =	shalt  }
0x5f: {  	_ =	shalt  }
0x60: {  	_ =	shalt  }
0x61: {  	_ =	shalt  }
0x62: {  	_ =	shalt  }
0x63: {  	_ =	shalt  }
0x64: {  	_ =	shalt  }
0x65: {  	_ =	shalt  }
0x66: {  	_ =	shalt  }
0x67: {  	_ =	shalt  }
0x68: {  	_ =	shalt  }
0x69: {  	_ =	shalt  }
0x6a: {  	_ =	shalt  }
0x6b: {  	_ =	shalt  }
0x6c: {  	_ =	shalt  }
0x6d: {  	_ =	shalt  }
0x6e: {  	_ =	shalt  }
0x6f: {  	_ =	shalt  }
0x70: {  	_ =	shalt  }
0x71: {  	_ =	shalt  }
0x72: {  	_ =	shalt  }
0x73: {  	_ =	shalt  }
0x74: {  	_ =	shalt  }
0x75: {  	_ =	shalt  }
0x76: {  	_ =	shalt  }
0x77: {  	_ =	shalt  }
0x78: {  	_ =	shalt  }
0x79: {  	_ =	shalt  }
0x7a: {  	_ =	shalt  }
0x7b: {  	_ =	shalt  }
0x7c: {  	_ =	shalt  }
0x7d: {  	_ =	shalt  }
0x7e: {  	_ =	shalt  }
0x7f: {  	_ =	shalt  }
0x80: {  	_ =	shalt  }
0x81: {  	_ =	shalt  }
0x82: {  	_ =	shalt  }
0x83: {  	_ =	shalt  }
0x84: {  	_ =	shalt  }
0x85: {  	_ =	shalt  }
0x86: {  	_ =	shalt  }
0x87: {  	_ =	shalt  }
.Lfunc_end0:
.L_simem_size_0:
called_computation_lowered:
.L_overlay_start_0:
0x88: {  	s2 =	sld [smem:$0x3FD9]  }
0x89: {  	s3 =	sld [smem:$0x3FFE];
	_ =	sdelay $0x1  }
0x8a: {  	s1 =	srdreg.scid  }
0x8b: {  	s0 =	sand.u32 $0x1, s1  }
0x8c: {  	s17 =	sshll.u32 s0, $0xA;
	s2 =	sadd.s32 s3, s2  }
0x8d: {  	s2 =	sadd.s32 s2, s17  }
0x8e: {  	[smem:$0x3FBD] =	sst s2  }
0x8f: {  	_ = 	snop  }
0x90: {  	s2 =	sld [smem:$0x3FD0];
	(tm) =	ssettm $0x1  }
0x91: {  	s18 =	sld [smem:$0x3FFB];
	_ =	sdelay $0x3  }
0x92: {  	_ =	strace s18  }
0x93: {  	s3 =	sld [smem:$0x3FFC];
	_ =	sdelay $0x3  }
0x94: {  	_ =	strace s3  }
0x95: {  	s3 =	sld [smem:$0x3FFD];
	_ =	sdelay $0x3  }
0x96: {  	_ =	strace s3  }
0x97: {  	_ =	strace $0x8FFFFFFF  }
0x98: {  	s19 =	sld [smem:$0x3FDB];
	_ =	sdelay $0x1  }
0x99: {  	s4 =	simm.s32 $_scs_section_size  }
0x9a: {  	s5 =	simm.s32 $_size__tile_overlayer_lowered;
	s6 =	simm.s32 $_tile_overlayer_lowered  }
0x9b: {  	s22 =	simm.s32 $0x1BFF;
	s21 =	sshll.u32 s6, $0x1;
	s3 =	sadd.s32 s4, s19  }
0x9c: {  	s7 =	simm.s32 $0x0;
	s20 =	sshll.u32 s5, $0x1;
	s5 =	sadd.s32 s21, s3  }
0x9d: {  	[timem:s7], [sflag:s22] =	dma.local [hbm:s5], s20  }
0x9e: {  	_ =	swait.ge [sflag:s22], s20  }
0x9f: {  	s4 =	ssub.s32 $0x0, s20;
	[sflag:s22] =	ssyncset.done $0x0  }
0xa0: {  	[sflag:s22] =	ssyncadd.s32 s4;
	_ =	sdelay $0x1  }
0xa1: {  	s23 =	simm.s32 $0x1B8B  }
0xa2: {  	_ =	swait.ge [sflag:s23], $0x1  }
0xa3: {  	[sflag:s23] =	ssyncset.done $0x0  }
0xa4: {  	s25 =	simm.s32 $0x1B8E;
	s24 =	sld [smem:$0x3FFE];
	[sflag:s23] =	ssyncadd.s32 $0xFFFFFFFF  }
0xa5: {  	s26 =	simm.s32 $execute0_lowered;
	[smem:$0x3FD2] =	sst s25  }
0xa6: {  	s5 =	sshll.u32 s26, $0x1;
	_ =	strace $0x80000046;
	[dreg:$0x1] =	wrdreg $0xFFFFFFFF  }
0xa7: {  	s28 =	simm.s32 $_size_execute0_lowered;
	s3 =	sadd.s32 s3, s5;
	[dreg:$0x0] =	wrdreg $0x0  }
0xa8: {  	s5 =	sshll.u32 s28, $0x1;
	[dreg:$0x2] =	wrdreg s3  }
0xa9: {  	[dreg:$0x3] =	wrdreg s5  }
0xaa: {  	[dreg:$0x4] =	wrdreg $0xC0  }
0xab: {  	_ =	task [dreg:s7], $0x5FFFF  }
0xac: {  	[dreg:$0x1] =	wrdreg $0xFFFFFFFF  }
0xad: {  	[dreg:$0x0] =	wrdreg $0x60  }
0xae: {  	[dreg:$0x2] =	wrdreg s24  }
0xaf: {  	[dreg:$0x3] =	wrdreg s2  }
0xb0: {  	[dreg:$0x4] =	wrdreg $0xB5E00  }
0xb1: {  	[dreg:$0x5] =	wrdreg $0x9  }
0xb2: {  	_ =	task.clear_ibuf [dreg:s7], $0x6FFFF;
	_ =	strace $0x90000046  }
0xb3: {  	s29 =	simm.s32 $0x9;
	_ =	strace $0x80000048  }
0xb4: {  	_ =	swait.ge [sflag:s29], $0x1  }
0xb5: {  	[sflag:s29] =	ssyncadd.s32 $0xFFFFFFFF  }
0xb6: {  	_ =	strace $0x90000048  }
0xb7: {  	_ =	sfence  }
0xb8: {  	s30 =	sld [smem:$0x0];
	_ =	sdelay $0x2  }
0xb9: {  	s31 =	sshll.u32 s1, $0xD;
	s1 =	sshrl.u32 s1, $0x2  }
0xba: {  	s3 =	sand.u32 $0x4000, s31;
	s1 =	sadd.s32 s1, s30  }
0xbb: {  	s0 =	sor.u32 s3, s0;
	s1 =	sshll.u32 s1, $0x11  }
0xbc: {  	s0 =	sor.u32 s1, s0  }
0xbd: {  	s0 =	sadd.s32 $0x8F2B, s0  }
0xbe: {  	[sflag:s0] =	ssyncadd.remote.s32 $0x1  }
0xbf: {  	_ =	sfence.sel $0xFFFF  }
0xc0: {  	[dreg:$0x0] =	wrdreg $0xFFFFFFFF;
	(pc) =	sbr.abs _section_cstart, $3  }
0xc1: {  	[dreg:$0x1] =	wrdreg $0xFFFFFFFF  }
0xc2: {  	_ =	task.clear_ibuf [dreg:s7], $0x2FFFF;
	_ =	strace $0x9FFFFFFF  }
0xc3: {  	(tm) =	ssettm $0x7FFFFFFF  }
tec
execute0_lowered:
.L_overlay_start_1:
0x0: {  	(tag) =	ssettag $0x1  }
0x1: {  	s0 =	rddreg [dreg:$0x0]  }
0x2: {  	s12 =	rddreg [dreg:$0x1]  }
0x3: {  	s22 =	rddreg [dreg:$0x2];
	s2 =	simm.s32 $0x0;
	s1 =	srdreg.scid  }
0x4: {  	s13 =	stileid.u32;
	[smem:$0x7FF] =	sst s2  }
0x5: {  	s1 =	sand.u32 $0x1, s1;
	s30 =	smul.u32 $0x14000, s13;
	s5 =	sadd.s32 $0x144000, s0  }
0x6: {  	s6 =	sadd.s32 $0x1A00, s0;
	s7 =	sadd.s32 $0x4E3A00, s0;
	s9 =	smul.u32 $0x50000, s13  }
0x7: {  	s8 =	sadd.s32 $0xB800, s0;
	s18 =	smul.u32 $0x4E200, s13;
	s10 =	ssub.s32 $0x2, s1  }
0x8: {  	s23 =	smul.u32 $0x9C40, s13;
	_ =	strace $0x80000047;
	s11 =	sshrl.u32 s10, $0x1  }
0x9: {  	s9 =	sshrl.u32 s9, $0x2;
	s4 =	sadd.s32 s30, s22;
	s31 =	ssub.s32 s10, s11  }
0xa: {  	s9 =	sadd.s32 s9, s22;
	s10 =	sadd.s32 s7, s23;
	[dreg:$0x4] =	wrdreg s4  }
0xb: {  	s3 =	smul.u32 $0x140000, s1;
	s11 =	sadd.s32 $0x2800, s9;
	[dreg:$0xe] =	wrdreg s10  }
0xc: {  	s29 =	smul.u32 $0x9C4, s13;
	s14 =	sadd.s32 $0x5000, s9;
	[dreg:$0x5] =	wrdreg s11  }
0xd: {  	s3 =	sadd.s32 s30, s3;
	s15 =	sadd.s32 $0x7800, s9;
	[dreg:$0x6] =	wrdreg s14  }
0xe: {  	s3 =	sshrl.u32 s3, $0x3;
	s16 =	sadd.s32 $0xA000, s9;
	[dreg:$0x7] =	wrdreg s15  }
0xf: {  	s17 =	sadd.s32 $0xC800, s9;
	s19 =	sadd.s32 $0xF000, s9;
	[dreg:$0x8] =	wrdreg s16  }
0x10: {  	s9 =	sadd.s32 $0x11800, s9;
	s11 =	smul.u32 $0x4E20, s13;
	[dreg:$0x9] =	wrdreg s17  }
0x11: {  	s30 =	smax.u32 s31, $0x1;
	s14 =	smul.u32 $0x4E2000, s1;
	[dreg:$0xa] =	wrdreg s19  }
0x12: {  	s0 =	sadd.s32 s3, s0;
	[dreg:$0xb] =	wrdreg s9;
	s1 =	smul.u32 $0x2710, s1  }
0x13: {  	[dreg:$0x14] =	wrdreg s30;
	s3 =	simm.s32 $0x7;
	s0 =	sadd.s32 $0x192200, s0  }
0x14: {  	s20 =	sshrl.u32 s11, $0x3;
	s2 =	sadd.s32 s18, s14;
	s24 =	sadd.s32 $0x50, s11  }
0x15: {  	[dreg:$0x13] =	wrdreg s0;
	s21 =	sadd.s32 s6, s20;
	s9 =	sadd.s32 s12, s20  }
0x16: {  	s2 =	sshrl.u32 s2, $0x3;
	s26 =	sshrl.u32 s24, $0x3;
	[dreg:$0xc] =	wrdreg s21  }
0x17: {  	[dreg:$0xd] =	wrdreg s9;
	s25 =	sadd.s32 s8, s2;
	s15 =	sadd.s32 s6, s26  }
.Ltmp0:
0x18: {  	s2 =	sadd.s32 s12, s26;
	[dreg:$0x10] =	wrdreg s15;
	(pc) =	sbr.rel .LBB2_1-.Ltmp0, $4  }
0x19: {  	s19 =	simm.s32 $0x1;
	s28 =	sshll.u32 s24, $0x1;
	[dreg:$0x11] =	wrdreg s2  }
0x1a: {  	v0 =	vmov s1;
	s1 =	simm.s32 $0x0;
	s2 =	sadd.s32 s7, s28;
	[dreg:$0xf] =	wrdreg s25  }
0x1b: {  	v1 =	vimm.f32 $0.0e+00;
	vm0 =	vcmask $0x700;
	vm1 =	vcmask $0xB08;
	s12 =	simm.s32 $0x5AF0;
	s31 =	sadd.s32 $0xA0, s25;
	[dreg:$0x12] =	wrdreg s2  }
0x1c: {  	v3 =	vimm.s32 $0x0;
	v2 =	vsel vm0, $0x3F800000, v1;
	v4 =	vsel vm1, $0x3F800000, v1;
	s21 =	simm.s32 $0x4;
	[dreg:$0x15] =	wrdreg s31;
	s2 =	simm.s32 $0x50  }
.LBB2_10:
0x1d: {  	s0 =	simm.s32 $0x3  }
0x1e: {  	_ =	swait.ge [sflag:s0], $0x2800  }
0x1f: {  	[sflag:s0] =	ssyncset.done $0x0  }
0x20: {  	s26 =	simm.s32 $0x6;
	[sflag:s0] =	ssyncadd.s32 $0xFFFFD800  }
0x21: {  	_ =	swait.ge [sflag:s26], $0x2800  }
0x22: {  	[sflag:s26] =	ssyncset.done $0x0  }
0x23: {  	[sflag:s26] =	ssyncadd.s32 $0xFFFFD800  }
0x24: {  	s28 =	stileid.u32;
	[bflag:$0x0] =	sbarrier.arrive $0xFFFF  }
0x25: {  	s0 =	sshll.u32 s28, $0x6;
	s4 =	rddreg [dreg:$0x4]  }
0x26: {  	s0 =	sor.u32 $0x1C07, s0;
	s3 =	rddreg [dreg:$0x13];
	s1 =	sshrl.u32 s4, $0x3  }
0x27: {  	[hbm:s3], [sflag:s0] =	dma.local [spmem:s1], $0x2800  }
0x28: {  	s3 =	simm.s32 $0x7  }
0x29: {  	_ =	swait.ge [sflag:s3], $0x2800  }
0x2a: {  	s30 =	rddreg [dreg:$0x16]  }
0x2b: {  	s31 =	rddreg [dreg:$0x14];
	s1 =	sadd.s32 $0x1, s30  }
0x2c: {  	p0 =	sne.s32 s1, s31  }
.Ltmp1:
0x2d: {  	_ = 	snop;
	(pc) =	sbr.rel @!p0 .LBB2_11-.Ltmp1, $3  }
0x2e: {  	_ =	sdelay $0x1  }
0x2f: {  	[sflag:s3] =	ssyncset.done $0x0  }
0x30: {  	s12 =	simm.s32 $0x5AF0;
	[sflag:s3] =	ssyncadd.s32 $0xFFFFD800  }
.LBB2_1:
0x31: {  	[dreg:$0x16] =	wrdreg s1;
	s0 =	simm.s32 $0x0;
	s1 =	simm.s32 $0x200  }
.LBB2_2:
0x32: {  	p0 =	sne.s32 s1, $0x9E00;
	[tilespmem:s0+$0x8E00] =	vst v1  }
0x33: {  	[tilespmem:s0+$0x32A0] =	vst v1  }
0x34: {  	[tilespmem:s0+$0x8D90] =	vst v1  }
0x35: {  	[tilespmem:s0+$0x32B0] =	vst v1  }
0x36: {  	[tilespmem:s0+$0x8DA0] =	vst v1  }
0x37: {  	[tilespmem:s0+$0x32C0] =	vst v1  }
0x38: {  	[tilespmem:s0+$0x8DB0] =	vst v1  }
0x39: {  	[tilespmem:s0+$0x32D0] =	vst v1  }
0x3a: {  	[tilespmem:s0+$0x8DC0] =	vst v1  }
0x3b: {  	[tilespmem:s0+$0x32E0] =	vst v1  }
0x3c: {  	[tilespmem:s0+$0x8DD0] =	vst v1  }
.Ltmp2:
0x3d: {  	[tilespmem:s0+$0x32F0] =	vst v1;
	(pc) =	sbr.rel @p0 .LBB2_2-.Ltmp2, $4  }
0x3e: {  	[tilespmem:s0+$0x8DE0] =	vst v1  }
0x3f: {  	[tilespmem:s0+$0x3300] =	vst v1  }
0x40: {  	[tilespmem:s0+$0x8DF0] =	vst v1  }
0x41: {  	[tilespmem:s0+$0x3310] =	vst v1;
	s0 =	sshra.s32 s1, $0x2;
	s1 =	sadd.s32 $0x200, s1  }
0x42: {  	[tilespmem:s0+$0x8E00] =	vst v1  }
0x43: {  	[tilespmem:s0+$0x32A0] =	vst v1  }
0x44: {  	[tilespmem:s0+$0x8D90] =	vst v1  }
0x45: {  	[tilespmem:s0+$0x32B0] =	vst v1  }
0x46: {  	[tilespmem:s0+$0x8DA0] =	vst v1  }
0x47: {  	[tilespmem:s0+$0x32C0] =	vst v1  }
0x48: {  	[tilespmem:s0+$0x8DB0] =	vst v1  }
0x49: {  	[tilespmem:s0+$0x32D0] =	vst v1  }
0x4a: {  	[tilespmem:s0+$0x8DC0] =	vst v1  }
0x4b: {  	[tilespmem:s0+$0x32E0] =	vst v1  }
0x4c: {  	[tilespmem:s0+$0x8DD0] =	vst v1  }
0x4d: {  	[tilespmem:s0+$0x32F0] =	vst v1  }
0x4e: {  	[tilespmem:s0+$0x8DE0] =	vst v1  }
0x4f: {  	[tilespmem:s0+$0x3300] =	vst v1  }
0x50: {  	[tilespmem:s0+$0x8DF0] =	vst v1  }
0x51: {  	[tilespmem:s0+$0x3310] =	vst v1  }
0x52: {  	[tilespmem:$0x5AA0] =	vst v3  }
0x53: {  	[tilespmem:$0xB590] =	vst v3  }
0x54: {  	[tilespmem:$0x5AB0] =	vst v3  }
0x55: {  	[tilespmem:$0xB5A0] =	vst v3  }
0x56: {  	[tilespmem:$0x5AC0] =	vst v3  }
0x57: {  	[tilespmem:$0xB5B0] =	vst v3  }
0x58: {  	[tilespmem:$0x5AD0] =	vst v3  }
0x59: {  	[tilespmem:$0xB5C0] =	vst v3  }
0x5a: {  	[tilespmem:$0x5AE0] =	vst v3  }
0x5b: {  	s1 =	simm.s32 $0x32A0;
	[tilespmem:$0xB5D0] =	vst v3  }
0x5c: {  	[spmem:s4] =	stream.linear.scatter [tilespmem:s1], [sflag:$0x7], $0x2800, $0x38;
	[tilespmem:$0x1F5E0] =	vst v63  }
0x5d: {  	_ =	swait.ge [sflag:s3], $0x2800  }
0x5e: {  	[sflag:s3] =	ssyncset.done $0x0  }
0x5f: {  	s23 =	rddreg [dreg:$0x5];
	[sflag:s3] =	ssyncadd.s32 $0xFFFFD800  }
0x60: {  	[spmem:s23] =	stream.linear.scatter [tilespmem:s1], [sflag:$0x7], $0x2800, $0x38;
	[tilespmem:$0x1F5E0] =	vst v63  }
0x61: {  	_ =	swait.ge [sflag:s3], $0x2800  }
0x62: {  	[sflag:s3] =	ssyncset.done $0x0  }
0x63: {  	s24 =	rddreg [dreg:$0x6];
	[sflag:s3] =	ssyncadd.s32 $0xFFFFD800  }
0x64: {  	[spmem:s24] =	stream.linear.scatter [tilespmem:s1], [sflag:$0x7], $0x2800, $0x38;
	[tilespmem:$0x1F5E0] =	vst v63  }
0x65: {  	_ =	swait.ge [sflag:s3], $0x2800  }
0x66: {  	[sflag:s3] =	ssyncset.done $0x0  }
0x67: {  	s25 =	rddreg [dreg:$0x7];
	[sflag:s3] =	ssyncadd.s32 $0xFFFFD800  }
0x68: {  	[spmem:s25] =	stream.linear.scatter [tilespmem:s1], [sflag:$0x7], $0x2800, $0x38;
	[tilespmem:$0x1F5E0] =	vst v63  }
0x69: {  	_ =	swait.ge [sflag:s3], $0x2800  }
0x6a: {  	[sflag:s3] =	ssyncset.done $0x0  }
0x6b: {  	s26 =	rddreg [dreg:$0x8];
	[sflag:s3] =	ssyncadd.s32 $0xFFFFD800  }
0x6c: {  	[spmem:s26] =	stream.linear.scatter [tilespmem:s1], [sflag:$0x7], $0x2800, $0x38;
	[tilespmem:$0x1F5E0] =	vst v63  }
0x6d: {  	_ =	swait.ge [sflag:s3], $0x2800  }
0x6e: {  	[sflag:s3] =	ssyncset.done $0x0  }
0x6f: {  	s28 =	rddreg [dreg:$0x9];
	[sflag:s3] =	ssyncadd.s32 $0xFFFFD800  }
0x70: {  	[spmem:s28] =	stream.linear.scatter [tilespmem:s1], [sflag:$0x7], $0x2800, $0x38;
	[tilespmem:$0x1F5E0] =	vst v63  }
0x71: {  	_ =	swait.ge [sflag:s3], $0x2800  }
0x72: {  	[sflag:s3] =	ssyncset.done $0x0  }
0x73: {  	s30 =	rddreg [dreg:$0xa];
	[sflag:s3] =	ssyncadd.s32 $0xFFFFD800  }
0x74: {  	[spmem:s30] =	stream.linear.scatter [tilespmem:s1], [sflag:$0x7], $0x2800, $0x38;
	[tilespmem:$0x1F5E0] =	vst v63  }
0x75: {  	_ =	swait.ge [sflag:s3], $0x2800  }
0x76: {  	[sflag:s3] =	ssyncset.done $0x0  }
0x77: {  	s31 =	rddreg [dreg:$0xb];
	[sflag:s3] =	ssyncadd.s32 $0xFFFFD800  }
0x78: {  	[spmem:s31] =	stream.linear.scatter [tilespmem:s1], [sflag:$0x7], $0x2800, $0x38;
	[tilespmem:$0x1F5E0] =	vst v63  }
0x79: {  	_ =	swait.ge [sflag:s3], $0x2800  }
0x7a: {  	[sflag:s3] =	ssyncset.done $0x0  }
0x7b: {  	[sflag:s3] =	ssyncadd.s32 $0xFFFFD800  }
0x7c: {  	s3 =	simm.s32 $0x5AA0;
	[bflag:$0x0] =	sbarrier.arrive $0xFFFF  }
0x7d: {  	[spmem:s22] =	stream.indirect.scatter.add.f32 [tilespmem:s1], [sflag:$0x3], $0x80, s3, s2, $0xb8;
	[tilespmem:$0x1F5E0] =	vst v63  }
0x7e: {  	s9 =	simm.s32 $0x8D90;
	s4 =	simm.s32 $0xB590  }
0x7f: {  	[spmem:s22] =	stream.indirect.scatter.add.f32 [tilespmem:s9], [sflag:$0x6], $0x80, s4, s2, $0xb8;
	[tilespmem:$0x1F5E0] =	vst v63  }
0x80: {  	s10 =	simm.s32 $0x0;
	s13 =	rddreg [dreg:$0xc]  }
0x81: {  	[tilespmem:s10], [sflag:$0x1] =	stream.linear.gather [hbm4b:s13+s10], $0x50, $0x38;
	[tilespmem:$0x1F5E0] =	vst v63  }
0x82: {  	s15 =	rddreg [dreg:$0xd]  }
0x83: {  	[tilespmem:s2], [sflag:$0x1] =	stream.linear.gather [hbm4b:s15+s10], $0x50, $0x38;
	[tilespmem:$0x1F5E0] =	vst v63  }
0x84: {  	s17 =	simm.s32 $0xA0;
	s16 =	rddreg [dreg:$0xe]  }
0x85: {  	[tilespmem:s17], [sflag:$0x1] =	stream.linear.gather [hbm4b:s16+s10], $0x500, $0x38;
	[tilespmem:$0x1F5E0] =	vst v63  }
0x86: {  	s20 =	simm.s32 $0x5A0;
	s18 =	rddreg [dreg:$0xf]  }
0x87: {  	[tilespmem:s20], [sflag:$0x1] =	stream.linear.gather [hbm4b:s18+s10], $0x500, $0x38;
	[tilespmem:$0x1F5E0] =	vst v63  }
0x88: {  	s23 =	rddreg [dreg:$0x10]  }
0x89: {  	[tilespmem:s12], [sflag:$0x4] =	stream.linear.gather [hbm4b:s23+s10], $0x50, $0x38;
	[tilespmem:$0x1F5E0] =	vst v63  }
0x8a: {  	s25 =	simm.s32 $0x5B40;
	s24 =	rddreg [dreg:$0x11]  }
0x8b: {  	[tilespmem:s25], [sflag:$0x4] =	stream.linear.gather [hbm4b:s24+s10], $0x50, $0x38;
	[tilespmem:$0x1F5E0] =	vst v63  }
0x8c: {  	s28 =	simm.s32 $0x5B90;
	s26 =	rddreg [dreg:$0x12]  }
0x8d: {  	[tilespmem:s28], [sflag:$0x4] =	stream.linear.gather [hbm4b:s26+s10], $0x500, $0x38;
	[tilespmem:$0x1F5E0] =	vst v63  }
0x8e: {  	s31 =	simm.s32 $0x6090;
	s30 =	rddreg [dreg:$0x15];
	s9 =	simm.s32 $0x0  }
0x8f: {  	[tilespmem:s31], [sflag:$0x4] =	stream.linear.gather [hbm4b:s30+s10], $0x500, $0x38;
	[tilespmem:$0x1F5E0] =	vst v63  }
.LBB2_4:
0x90: {  	_ =	swait.ge [sflag:s19], $0x50  }
0x91: {  	[sflag:s19] =	ssyncset.done $0x0  }
0x92: {  	[sflag:s19] =	ssyncadd.s32 $0xFFFFFFB0  }
0x93: {  	_ =	swait.ge [sflag:s19], $0x50  }
0x94: {  	[sflag:s19] =	ssyncset.done $0x0  }
0x95: {  	[sflag:s19] =	ssyncadd.s32 $0xFFFFFFB0  }
0x96: {  	_ =	swait.ge [sflag:s19], $0x500  }
0x97: {  	[sflag:s19] =	ssyncset.done $0x0  }
0x98: {  	[sflag:s19] =	ssyncadd.s32 $0xFFFFFB00  }
0x99: {  	_ =	swait.ge [sflag:s19], $0x500  }
0x9a: {  	[sflag:s19] =	ssyncset.done $0x0  }
0x9b: {  	[sflag:s19] =	ssyncadd.s32 $0xFFFFFB00  }
0x9c: {  	v5 =	vld [tilespmem:$0x0]  }
0x9d: {  	v6 =	vld [tilespmem:$0x10]  }
0x9e: {  	v7 =	vld [tilespmem:$0x20]  }
0x9f: {  	v8 =	vld [tilespmem:$0x30]  }
0xa0: {  	v9 =	vld [tilespmem:$0x40]  }
0xa1: {  	v5 =	vadd.s32 v0, v5  }
0xa2: {  	[tilespmem:$0x0] =	vst v5;
	v5 =	vadd.s32 v0, v6  }
0xa3: {  	[tilespmem:$0x10] =	vst v5;
	v5 =	vadd.s32 v0, v7  }
0xa4: {  	[tilespmem:$0x20] =	vst v5;
	v5 =	vadd.s32 v0, v8  }
0xa5: {  	[tilespmem:$0x30] =	vst v5;
	v5 =	vadd.s32 v0, v9  }
0xa6: {  	s0 =	simm.s32 $0xAA0;
	s4 =	simm.s32 $0x0;
	[tilespmem:$0x40] =	vst v5  }
0xa7: {  	[tilespmem:s0], [sflag:$0x2] =	stream.indirect.gather [hbm4b:s5+s2], $0x80, s4, s2, $0xb8;
	[tilespmem:$0x1F5E0] =	vst v63  }
0xa8: {  	_ =	swait.ge [sflag:s21], $0x50  }
0xa9: {  	[sflag:s21] =	ssyncset.done $0x0  }
0xaa: {  	[sflag:s21] =	ssyncadd.s32 $0xFFFFFFB0  }
0xab: {  	_ =	swait.ge [sflag:s21], $0x50  }
0xac: {  	[sflag:s21] =	ssyncset.done $0x0  }
0xad: {  	[sflag:s21] =	ssyncadd.s32 $0xFFFFFFB0  }
0xae: {  	_ =	swait.ge [sflag:s21], $0x500  }
0xaf: {  	[sflag:s21] =	ssyncset.done $0x0  }
0xb0: {  	[sflag:s21] =	ssyncadd.s32 $0xFFFFFB00  }
0xb1: {  	_ =	swait.ge [sflag:s21], $0x500  }
0xb2: {  	[sflag:s21] =	ssyncset.done $0x0  }
0xb3: {  	[sflag:s21] =	ssyncadd.s32 $0xFFFFFB00  }
0xb4: {  	v5 =	vld [tilespmem:$0x5AF0]  }
0xb5: {  	v6 =	vld [tilespmem:$0x5B00]  }
0xb6: {  	v7 =	vld [tilespmem:$0x5B10]  }
0xb7: {  	v8 =	vld [tilespmem:$0x5B20]  }
0xb8: {  	v9 =	vld [tilespmem:$0x5B30]  }
0xb9: {  	v5 =	vadd.s32 v0, v5  }
0xba: {  	[tilespmem:$0x5AF0] =	vst v5;
	v5 =	vadd.s32 v0, v6  }
0xbb: {  	[tilespmem:$0x5B00] =	vst v5;
	v5 =	vadd.s32 v0, v7  }
0xbc: {  	[tilespmem:$0x5B10] =	vst v5;
	v5 =	vadd.s32 v0, v8  }
0xbd: {  	[tilespmem:$0x5B20] =	vst v5;
	v5 =	vadd.s32 v0, v9  }
0xbe: {  	s18 =	simm.s32 $0x6590;
	s20 =	simm.s32 $0x2;
	[tilespmem:$0x5B30] =	vst v5  }
0xbf: {  	[tilespmem:s18], [sflag:$0x5] =	stream.indirect.gather [hbm4b:s5+s2], $0x80, s12, s2, $0xb8;
	[tilespmem:$0x1F5E0] =	vst v63  }
0xc0: {  	_ =	swait.ge [sflag:s20], $0x2800  }
0xc1: {  	[sflag:s20] =	ssyncset.done $0x0  }
0xc2: {  	s23 =	simm.s32 $0x3;
	[sflag:s20] =	ssyncadd.s32 $0xFFFFD800  }
0xc3: {  	s3 =	simm.s32 $0x10;
	_ =	swait.ge [sflag:s23], $0x2800  }
0xc4: {  	s1 =	simm.s32 $0xB20;
	s24 =	sand.u32 $0x780, s4;
	[sflag:s23] =	ssyncset.done $0x0  }
0xc5: {  	s3 =	sand.u32 $0x70, s3;
	s0 =	sadd.s32 $0x5A0, s24;
	[sflag:s23] =	ssyncadd.s32 $0xFFFFD800  }
0xc6: {  	s3 =	sadd.s32 s3, s0;
	v5 =	vld [tilespmem:s1+$0x40]  }
0xc7: {  	v6 =	vld [tilespmem:s3+$0x0];
	_ =	sdelay $0x3  }
0xc8: {  	s25 =	sand.u32 $0x60, s4  }
0xc9: {  	s0 =	sadd.s32 s25, s0;
	v5 =	vadd.f32 v6, v5  }
0xca: {  	v7 =	vld [tilespmem:s0+$0x0]  }
0xcb: {  	v6 =	vld [tilespmem:s1+$0xFFFFFFC0];
	v5 =	vadd.f32 v5, v5  }
0xcc: {  	s26 =	simm.s32 $0x20  }
0xcd: {  	s10 =	simm.s32 $0x30;
	s28 =	sand.u32 $0x780, s26;
	v5 =	vmul.f32 $1.442695020e+00, v5  }
0xce: {  	s10 =	sand.u32 $0x70, s10;
	s3 =	sadd.s32 $0x5A0, s28  }
0xcf: {  	s10 =	sadd.s32 s10, s3;
	(erf) = vpow2.f32 v5  }
0xd0: {  	s13 =	simm.s32 $0xC20;
	v6 =	vadd.f32 v7, v6;
	v7 =	vld [tilespmem:s10+$0x0]  }
0xd1: {  	v5 =	vld [tilespmem:s13+$0x40]  }
0xd2: {  	v6 =	vadd.f32 v6, v6;
	_ =	sdelay $0x1  }
0xd3: {  	s0 =	sand.u32 $0x60, s26;
	v6 =	vmul.f32 $1.442695020e+00, v6  }
0xd4: {  	v8 =	vld [tilespmem:s13+$0xFFFFFFC0];
	s0 =	sadd.s32 s0, s3  }
0xd5: {  	v5 =	vadd.f32 v7, v5;
	(erf) = vpow2.f32 v6;
	v6 =	vld [tilespmem:s0+$0x0];
	_ =	sdelay $0x1  }
0xd6: {  	v5 =	vadd.f32 v5, v5;
	v7 =	vpop (erf)  }
0xd7: {  	s4 =	simm.s32 $0x40;
	v7 =	vadd.f32 $1.000000000e+00, v7  }
0xd8: {  	s15 =	simm.s32 $0x50;
	s10 =	sand.u32 $0x780, s4;
	v5 =	vmul.f32 $1.442695020e+00, v5  }
0xd9: {  	s3 =	sadd.s32 $0x5A0, s10;
	s10 =	sand.u32 $0x70, s15;
	v6 =	vadd.f32 v6, v8;
	(erf) = vrcp.f32 v7  }
0xda: {  	s10 =	sadd.s32 s10, s3;
	(erf) = vpow2.f32 v5  }
0xdb: {  	s12 =	simm.s32 $0xD20;
	v7 =	vld [tilespmem:s10+$0x0];
	v5 =	vadd.f32 v6, v6  }
0xdc: {  	v6 =	vld [tilespmem:s12+$0x40]  }
0xdd: {  	v8 =	vpop (erf);
	v5 =	vmul.f32 $1.442695020e+00, v5  }
0xde: {  	v8 =	vadd.f32 $1.000000000e+00, v8  }
0xdf: {  	(erf) = vpow2.f32 v5  }
0xe0: {  	s0 =	sand.u32 $0x60, s4;
	(erf) = vrcp.f32 v8  }
0xe1: {  	v9 =	vld [tilespmem:s12+$0xFFFFFFC0];
	s0 =	sadd.s32 s0, s3;
	v5 =	vadd.f32 v7, v6  }
0xe2: {  	v10 =	vld [tilespmem:s0+$0x0];
	v6 =	vpop (erf)  }
0xe3: {  	v5 =	vadd.f32 v5, v5;
	v7 =	vpop (erf);
	v6 =	vadd.f32 v6, v6  }
0xe4: {  	s16 =	simm.s32 $0x60;
	v11 =	vld [tilespmem:s1+$0x0];
	v7 =	vadd.f32 $1.000000000e+00, v7  }
0xe5: {  	s17 =	sand.u32 $0x780, s16;
	s15 =	simm.s32 $0x70;
	v5 =	vmul.f32 $1.442695020e+00, v5;
	v8 =	vsub.f32 $1.000000000e+00, v6  }
0xe6: {  	s15 =	sand.u32 $0x70, s15;
	s10 =	sadd.s32 $0x5A0, s17;
	(erf) = vrcp.f32 v7  }
0xe7: {  	s15 =	sadd.s32 s15, s10;
	v7 =	vbroadcast v8, $0x0;
	(erf) = vpow2.f32 v5;
	v5 =	vadd.f32 v10, v9  }
0xe8: {  	s0 =	simm.s32 $0xE20;
	v12 =	vld [tilespmem:s15+$0x0];
	v6 =	vpop (erf)  }
0xe9: {  	v9 =	vld [tilespmem:s0+$0x40];
	v10 =	vpop (erf);
	v11 =	vmul.f32 v7, v11;
	v5 =	vadd.f32 v5, v5  }
0xea: {  	s23 =	simm.s32 $0x3320;
	v13 =	vld [tilespmem:s1+$0xFFFFFF80];
	v10 =	vadd.f32 v10, v10  }
0xeb: {  	s3 =	sand.u32 $0x60, s16;
	v14 =	vld [tilespmem:s0+$0xFFFFFFC0];
	[tilespmem:s23+$0x0] =	vst v11;
	v5 =	vmul.f32 $1.442695020e+00, v5  }
0xec: {  	s3 =	sadd.s32 s3, s10;
	v11 =	vsub.f32 $1.000000000e+00, v10;
	v10 =	vld [tilespmem:s1+$0x10]  }
0xed: {  	v6 =	vadd.f32 $1.000000000e+00, v6;
	(erf) = vpow2.f32 v5;
	v5 =	vld [tilespmem:s3+$0x0]  }
0xee: {  	v9 =	vadd.f32 v12, v9;
	v19 =	vbroadcast v11, $0x0  }
0xef: {  	v12 =	vpop (erf);
	(erf) = vrcp.f32 v6  }
0xf0: {  	s18 =	simm.s32 $0x80;
	v9 =	vadd.f32 v9, v9;
	v6 =	vadd.f32 v12, v12;
	v12 =	vmul.f32 v19, v13;
	v13 =	vpop (erf)  }
0xf1: {  	s24 =	simm.s32 $0x90;
	s20 =	sand.u32 $0x780, s18;
	v15 =	vld [tilespmem:s13+$0x0];
	v10 =	vmul.f32 v7, v10;
	v13 =	vadd.f32 $1.000000000e+00, v13  }
0xf2: {  	s10 =	sadd.s32 $0x5A0, s20;
	s15 =	sand.u32 $0x70, s24;
	v16 =	vsub.f32 $1.000000000e+00, v6;
	v6 =	vmul.f32 $1.442695020e+00, v9;
	v5 =	vadd.f32 v5, v14  }
0xf3: {  	s15 =	sadd.s32 s15, s10;
	[tilespmem:s23+$0xFFFFFF80] =	vst v12;
	(erf) = vrcp.f32 v13  }
0xf4: {  	v17 =	vld [tilespmem:s15+$0x0];
	[tilespmem:s23+$0x10] =	vst v10;
	v10 =	vbroadcast v16, $0x0;
	v5 =	vadd.f32 v5, v5;
	(erf) = vpow2.f32 v6  }
0xf5: {  	s30 =	simm.s32 $0xF20;
	v9 =	vld [tilespmem:s1+$0xFFFFFF90]  }
0xf6: {  	s3 =	sand.u32 $0x60, s18;
	v6 =	vmul.f32 v10, v15;
	v15 =	vld [tilespmem:s30+$0x40];
	v5 =	vmul.f32 $1.442695020e+00, v5  }
0xf7: {  	s17 =	simm.s32 $0x3420;
	s3 =	sadd.s32 s3, s10;
	v13 =	vld [tilespmem:s30+$0xFFFFFFC0];
	v14 =	vpop (erf)  }
0xf8: {  	[tilespmem:s17+$0x0] =	vst v6;
	v6 =	vadd.f32 $1.000000000e+00, v14;
	v14 =	vpop (erf);
	(erf) = vpow2.f32 v5;
	v5 =	vld [tilespmem:s3+$0x0]  }
0xf9: {  	v18 =	vld [tilespmem:s13+$0x10]  }
0xfa: {  	v12 =	vld [tilespmem:s1+$0x20];
	(erf) = vrcp.f32 v6  }
0xfb: {  	v15 =	vadd.f32 v17, v15  }
0xfc: {  	v21 =	vld [tilespmem:s13+$0xFFFFFF80];
	v20 =	vbroadcast v8, $0x1;
	v14 =	vadd.f32 v14, v14;
	v17 =	vpop (erf)  }
0xfd: {  	v48 =	vld [tilespmem:s30+$0x0];
	s16 =	simm.s32 $0x1020;
	v9 =	vmul.f32 v19, v9;
	v25 =	vpop (erf);
	v5 =	vadd.f32 v5, v13;
	v13 =	vadd.f32 v15, v15  }
0xfe: {  	v27 =	vld [tilespmem:s16+$0xFFFFFFC0];
	v24 =	vadd.f32 v17, v17;
	v18 =	vmul.f32 v10, v18;
	v25 =	vadd.f32 $1.000000000e+00, v25  }
0xff: {  	s25 =	simm.s32 $0xA0;
	v6 =	vmul.f32 v20, v12;
	[tilespmem:s23+$0xFFFFFF90] =	vst v9;
	v22 =	vsub.f32 $1.000000000e+00, v14;
	v15 =	vld [tilespmem:s12+$0x0];
	v9 =	vmul.f32 $1.442695020e+00, v13  }
0x100: {  	s26 =	sand.u32 $0x780, s25;
	s28 =	simm.s32 $0xB0;
	v30 =	vld [tilespmem:s16+$0x40];
	v26 =	vsub.f32 $1.000000000e+00, v24;
	[tilespmem:s17+$0x10] =	vst v18  }
0x101: {  	s15 =	sand.u32 $0x70, s28;
	s18 =	simm.s32 $0x1120;
	s10 =	sadd.s32 $0x5A0, s26;
	v29 =	vbroadcast v16, $0x1;
	[tilespmem:s23+$0x20] =	vst v6;
	v6 =	vbroadcast v22, $0x0;
	v13 =	vld [tilespmem:s13+$0x20]  }
0x102: {  	v63 =	vld [tilespmem:s18+$0xFFFFFFC0];
	s15 =	sadd.s32 s15, s10;
	v5 =	vadd.f32 v5, v5;
	(erf) = vrcp.f32 v25;
	v24 =	vbroadcast v26, $0x0;
	v25 =	vpop (erf)  }
0x103: {  	v31 =	vld [tilespmem:s15+$0x0];
	v21 =	vmul.f32 v6, v21;
	(erf) = vpow2.f32 v9;
	v9 =	vpop (erf)  }
0x104: {  	v23 =	vld [tilespmem:s1+$0x30];
	v5 =	vmul.f32 $1.442695020e+00, v5;
	v15 =	vmul.f32 v24, v15;
	v9 =	vadd.f32 v9, v9  }
0x105: {  	s20 =	simm.s32 $0x3520;
	v12 =	vld [tilespmem:s12+$0xFFFFFF80];
	[tilespmem:s17+$0xFFFFFF80] =	vst v21;
	v25 =	vadd.f32 $1.000000000e+00, v25  }
0x106: {  	s3 =	sand.u32 $0x60, s25;
	v21 =	vld [tilespmem:s1+$0xFFFFFFA0];
	(erf) = vpow2.f32 v5;
	[tilespmem:s20+$0x0] =	vst v15;
	v5 =	vmul.f32 v29, v13;
	v15 =	vsub.f32 $1.000000000e+00, v9  }
0x107: {  	v28 =	vbroadcast v11, $0x1;
	s3 =	sadd.s32 s3, s10;
	v18 =	vld [tilespmem:s13+$0xFFFFFF90];
	(erf) = vrcp.f32 v25  }
0x108: {  	s4 =	simm.s32 $0xC0;
	v25 =	vmul.f32 v2, v11;
	v11 =	vld [tilespmem:s3+$0x0];
	[tilespmem:s17+$0x20] =	vst v5;
	v5 =	vbroadcast v15, $0x0  }
0x109: {  	s26 =	simm.s32 $0xD0;
	s25 =	sand.u32 $0x780, s4;
	v13 =	vmul.f32 v20, v23;
	v23 =	vld [tilespmem:s12+$0x10]  }
0x10a: {  	s28 =	sand.u32 $0x70, s26;
	s25 =	sadd.s32 $0x5A0, s25;
	v14 =	vld [tilespmem:s0+$0xFFFFFF80];
	v12 =	vmul.f32 v5, v12  }
0x10b: {  	s15 =	sadd.s32 s28, s25;
	v9 =	vbroadcast v22, $0x1;
	v32 =	vld [tilespmem:s13+$0x30]  }
0x10c: {  	v40 =	vld [tilespmem:s15+$0x0];
	s3 =	simm.s32 $0xB0;
	[tilespmem:s23+$0x30] =	vst v13;
	v13 =	vmul.f32 v6, v18;
	v18 =	vmul.f32 v2, v22;
	v22 =	vadd.f32 v31, v30;
	v30 =	vpop (erf)  }
0x10d: {  	v8 =	vmul.f32 v2, v8;
	v21 =	vmul.f32 v28, v21;
	v33 =	vld [tilespmem:s3+$0x0];
	v30 =	vadd.f32 v30, v30  }
0x10e: {  	v11 =	vadd.f32 v11, v27;
	v22 =	vadd.f32 v22, v22;
	v27 =	vld [tilespmem:s0+$0x0];
	v23 =	vmul.f32 v24, v23;
	[tilespmem:s20+$0xFFFFFF80] =	vst v12;
	v12 =	vpop (erf)  }
0x10f: {  	v16 =	vmul.f32 v2, v16;
	v17 =	vld [tilespmem:s30+$0xFFFFFF80];
	[tilespmem:s17+$0xFFFFFF90] =	vst v13;
	v30 =	vsub.f32 $1.000000000e+00, v30;
	v12 =	vadd.f32 $1.000000000e+00, v12  }
0x110: {  	v8 =	vadd.f32 v4, v8;
	v31 =	vld [tilespmem:s13+$0xFFFFFFA0];
	v22 =	vmul.f32 $1.442695020e+00, v22;
	[tilespmem:s20+$0x10] =	vst v23;
	v23 =	vmul.f32 v29, v32  }
0x111: {  	[tilespmem:s23+$0xFFFFFFA0] =	vst v21;
	v62 =	vld [tilespmem:s12+$0x20];
	v21 =	vpop (erf);
	(erf) = vrcp.f32 v12;
	v12 =	vbroadcast v30, $0x0  }
0x112: {  	v37 =	vbroadcast v26, $0x1;
	v35 =	vld [tilespmem:s1+$0xFFFFFFB0];
	[tilespmem:s23+$0x60] =	vst v8;
	s1 =	sand.u32 $0x60, s4;
	v11 =	vadd.f32 v11, v11;
	v20 =	vmul.f32 v33, v20;
	v36 =	vpop (erf)  }
0x113: {  	s1 =	sadd.s32 s1, s25;
	v34 =	vld [tilespmem:s12+$0xFFFFFF90];
	[tilespmem:s17+$0x30] =	vst v23;
	v23 =	vadd.f32 v36, v36;
	(erf) = vpow2.f32 v22;
	v27 =	vmul.f32 v12, v27  }
0x114: {  	v16 =	vadd.f32 v4, v16;
	s10 =	simm.s32 $0x3620;
	v42 =	vld [tilespmem:s1+$0x0];
	v11 =	vmul.f32 $1.442695020e+00, v11;
	v7 =	vmul.f32 v33, v7;
	[tilespmem:s23+$0x50] =	vst v20  }
0x115: {  	v8 =	vadd.f32 $1.000000000e+00, v21;
	v31 =	vmul.f32 v9, v31;
	v21 =	vsub.f32 $1.000000000e+00, v23;
	v23 =	vld [tilespmem:s18+$0x40];
	[tilespmem:s10+$0x0] =	vst v27  }
0x116: {  	s24 =	simm.s32 $0xD0;
	[tilespmem:s23+$0x40] =	vst v7;
	(erf) = vpow2.f32 v11;
	v27 =	vmul.f32 v37, v62;
	v20 =	vld [tilespmem:s0+$0x10]  }
0x117: {  	v22 =	vld [tilespmem:s24+$0x0];
	[tilespmem:s17+$0x60] =	vst v16;
	(erf) = vrcp.f32 v8;
	v8 =	vbroadcast v21, $0x0  }
0x118: {  	v26 =	vmul.f32 v2, v26;
	s4 =	simm.s32 $0xE0;
	v13 =	vld [tilespmem:s16+$0xFFFFFF80];
	v41 =	vmul.f32 v5, v34;
	[tilespmem:s20+$0x20] =	vst v27  }
0x119: {  	s26 =	simm.s32 $0xF0;
	s25 =	sand.u32 $0x780, s4;
	[tilespmem:s17+$0xFFFFFFA0] =	vst v31;
	v31 =	vadd.f32 v42, v63;
	v11 =	vbroadcast v15, $0x1;
	v14 =	vmul.f32 v8, v14;
	v38 =	vld [tilespmem:s12+$0x30]  }
0x11a: {  	s15 =	sand.u32 $0x70, s26;
	v49 =	vld [tilespmem:s13+$0xFFFFFFB0];
	s13 =	sadd.s32 $0x5A0, s25;
	[tilespmem:s20+$0xFFFFFF90] =	vst v41;
	v7 =	vbroadcast v21, $0x1;
	v46 =	vmul.f32 v2, v21;
	v23 =	vadd.f32 v40, v23;
	v43 =	vpop (erf)  }
0x11b: {  	s28 =	sadd.s32 s15, s13;
	v44 =	vld [tilespmem:s12+$0xFFFFFFA0];
	[tilespmem:s10+$0xFFFFFF80] =	vst v14;
	v14 =	vmul.f32 v28, v35;
	v16 =	vadd.f32 v43, v43;
	v20 =	vmul.f32 v12, v20  }
0x11c: {  	v53 =	vld [tilespmem:s28+$0x0];
	v27 =	vmul.f32 v2, v15;
	v29 =	vmul.f32 v22, v29;
	v47 =	vadd.f32 v23, v23;
	v21 =	vpop (erf)  }
0x11d: {  	v10 =	vmul.f32 v22, v10;
	v45 =	vld [tilespmem:s0+$0xFFFFFF90];
	v21 =	vadd.f32 $1.000000000e+00, v21;
	v23 =	vsub.f32 $1.000000000e+00, v16;
	[tilespmem:s10+$0x10] =	vst v20  }
0x11e: {  	v22 =	vadd.f32 v31, v31;
	[tilespmem:s23+$0xFFFFFFB0] =	vst v14;
	v31 =	vmul.f32 $1.442695020e+00, v47;
	v20 =	vmul.f32 v37, v38;
	v50 =	vld [tilespmem:s0+$0x20]  }
0x11f: {  	v25 =	vadd.f32 v4, v25;
	s1 =	sand.u32 $0x60, s4;
	[tilespmem:s17+$0x50] =	vst v29;
	v40 =	vld [tilespmem:s3+$0xFFFFFFF0];
	s3 =	simm.s32 $0x1220;
	v14 =	vpop (erf);
	(erf) = vrcp.f32 v21;
	v16 =	vbroadcast v23, $0x0  }
0x120: {  	s1 =	sadd.s32 s1, s13;
	[tilespmem:s17+$0x40] =	vst v10;
	v52 =	vld [tilespmem:s3+$0x40];
	v39 =	vpop (erf);
	v21 =	vmul.f32 $1.442695020e+00, v22;
	v14 =	vadd.f32 $1.000000000e+00, v14;
	v22 =	vbroadcast v30, $0x1  }
0x121: {  	v54 =	vld [tilespmem:s1+$0x0];
	[tilespmem:s20+$0x30] =	vst v20;
	v20 =	vadd.f32 v39, v39;
	(erf) = vpow2.f32 v31;
	v29 =	vmul.f32 v16, v48  }
0x122: {  	s31 =	simm.s32 $0xF0;
	s15 =	simm.s32 $0x3720;
	v55 =	vmul.f32 v11, v44;
	[tilespmem:s23+$0xFFFFFFE0] =	vst v25;
	v25 =	vadd.f32 v4, v18;
	v51 =	vld [tilespmem:s3+$0xFFFFFFC0];
	(erf) = vpow2.f32 v21  }
0x123: {  	v31 =	vld [tilespmem:s31+$0x0];
	v20 =	vsub.f32 $1.000000000e+00, v20;
	(erf) = vrcp.f32 v14;
	[tilespmem:s15+$0x0] =	vst v29;
	v18 =	vmul.f32 v22, v50  }
0x124: {  	v26 =	vadd.f32 v4, v26;
	[tilespmem:s20+$0xFFFFFFA0] =	vst v55;
	v21 =	vmul.f32 v8, v45;
	v29 =	vmul.f32 v2, v30;
	v30 =	vld [tilespmem:s30+$0x10]  }
0x125: {  	v34 =	vld [tilespmem:s16+$0x0];
	v38 =	vmul.f32 v9, v49;
	v36 =	vadd.f32 v53, v52;
	v10 =	vbroadcast v20, $0x0;
	[tilespmem:s10+$0x20] =	vst v18  }
0x126: {  	v19 =	vmul.f32 v40, v19;
	v33 =	vmul.f32 v40, v28;
	[tilespmem:s10+$0xFFFFFF90] =	vst v21;
	v21 =	vadd.f32 v4, v27;
	v57 =	vld [tilespmem:s0+$0x30]  }
0x127: {  	v15 =	vld [tilespmem:s18+$0xFFFFFF80];
	[tilespmem:s17+$0xFFFFFFB0] =	vst v38;
	v14 =	vbroadcast v20, $0x1;
	v36 =	vadd.f32 v36, v36;
	v56 =	vmul.f32 v10, v17  }
0x128: {  	[tilespmem:s20+$0x60] =	vst v26;
	v27 =	vmul.f32 v31, v37;
	v17 =	vld [tilespmem:s3+$0xFFFFFF80];
	v28 =	vmul.f32 v31, v24;
	v31 =	vadd.f32 v54, v51;
	v58 =	vpop (erf)  }
0x129: {  	v26 =	vadd.f32 v4, v29;
	v29 =	vld [tilespmem:s0+$0xFFFFFFA0];
	[tilespmem:s15+$0xFFFFFF80] =	vst v56;
	v59 =	vadd.f32 v58, v58;
	v30 =	vmul.f32 v16, v30  }
0x12a: {  	v20 =	vmul.f32 v2, v20;
	[tilespmem:s23+$0xFFFFFFC0] =	vst v19;
	v18 =	vadd.f32 v4, v46;
	v39 =	vmul.f32 $1.442695020e+00, v36;
	v32 =	vld [tilespmem:s30+$0xFFFFFF90];
	v60 =	vpop (erf)  }
0x12b: {  	v61 =	vadd.f32 $1.000000000e+00, v60;
	v62 =	vpop (erf);
	v24 =	vsub.f32 $1.000000000e+00, v59;
	[tilespmem:s15+$0x10] =	vst v30;
	v63 =	vmul.f32 v22, v57;
	v30 =	vld [tilespmem:s12+$0xFFFFFFB0]  }
0x12c: {  	s26 =	simm.s32 $0xE;
	s25 =	simm.s32 $0x100;
	[tilespmem:s20+$0x50] =	vst v27;
	v27 =	vmul.f32 v2, v23;
	v37 =	vadd.f32 v31, v31;
	v35 =	vadd.f32 $1.000000000e+00, v62;
	v31 =	vpop (erf);
	v36 =	vld [tilespmem:s30+$0x20]  }
0x12d: {  	s13 =	simm.s32 $0x3720;
	s1 =	simm.s32 $0x110;
	(erf) = vrcp.f32 v61;
	v38 =	vadd.f32 v31, v31;
	v31 =	vld [tilespmem:s24+$0xFFFFFFF0];
	s12 =	simm.s32 $0x1220;
	v19 =	vbroadcast v24, $0x0;
	[tilespmem:s10+$0x30] =	vst v63  }
.LBB2_5:
0x12e: {  	s24 =	sand.u32 $0x780, s25;
	s28 =	sadd.s32 $0x10, s25;
	v37 =	vmul.f32 $1.442695020e+00, v37;
	s3 =	sadd.s32 $0x100, s3;
	(erf) = vpow2.f32 v39;
	v20 =	vadd.f32 v4, v20;
	v39 =	vld [tilespmem:s1+$0x0];
	[tilespmem:s23+$0xFFFFFFD0] =	vst v33;
	v33 =	vmovc v9;
	v9 =	vmovc v11  }
0x12f: {  	s26 =	sadd.s32 $0x2, s26;
	v41 =	vbroadcast v23, $0x1;
	v11 =	vmovc v7;
	v7 =	vmovc v14;
	v40 =	vld [tilespmem:s3+$0xFFFFFFC0];
	s24 =	sadd.s32 $0x5A0, s24;
	s23 =	sand.u32 $0x70, s28;
	v38 =	vsub.f32 $1.000000000e+00, v38;
	v34 =	vmul.f32 v19, v34;
	[tilespmem:s20+$0x40] =	vst v28  }
0x130: {  	v32 =	vmul.f32 v10, v32;
	v27 =	vadd.f32 v4, v27;
	s15 =	sadd.s32 $0x100, s15;
	p0 =	slt.u32 s26, $0x4E;
	v28 =	vld [tilespmem:s3+$0x40];
	s23 =	sadd.s32 s23, s24;
	(erf) = vpow2.f32 v37;
	[tilespmem:s17+$0xFFFFFFE0] =	vst v25;
	v25 =	vmovc v21  }
0x131: {  	v23 =	vmovc v24;
	s28 =	sand.u32 $0x60, s25;
	v21 =	vmovc v18;
	v18 =	vmov v20;
	v37 =	vld [tilespmem:s23+$0x0];
	(erf) = vrcp.f32 v35;
	[tilespmem:s15+$0x0] =	vst v34;
	v34 =	vmul.f32 v41, v36;
	s23 =	smov.u32 s17;
	s17 =	smov.u32 s20  }
0x132: {  	s24 =	sadd.s32 s28, s24;
	v42 =	vbroadcast v38, $0x0;
	v14 =	vbroadcast v38, $0x1;
	v35 =	vmovc v12;
	v12 =	vmovc v16;
	v16 =	vmov v19;
	s20 =	smov.u32 s10;
	s10 =	smov.u32 s13;
	v24 =	vld [tilespmem:s16+$0x10];
	[tilespmem:s13+$0xFFFFFF90] =	vst v32  }
0x133: {  	s13 =	smov.u32 s15;
	v19 =	vld [tilespmem:s24+$0x0];
	[tilespmem:s10+$0x20] =	vst v34;
	v34 =	vmul.f32 v11, v29;
	v29 =	vmul.f32 v39, v22;
	v22 =	vmov v41  }
0x134: {  	v30 =	vmul.f32 v9, v30;
	v32 =	vmul.f32 v42, v13;
	v13 =	vmovc v15;
	v36 =	vld [tilespmem:s30+$0x30];
	[tilespmem:s20+$0x60] =	vst v26;
	v26 =	vmov v27  }
0x135: {  	v20 =	vmul.f32 v2, v38;
	v15 =	vmov v17;
	v27 =	vmul.f32 v2, v23;
	[tilespmem:s20+$0x50] =	vst v29;
	v17 =	vld [tilespmem:s3+$0xFFFFFF80]  }
0x136: {  	v38 =	vmul.f32 v31, v6;
	v33 =	vmul.f32 v31, v33;
	v37 =	vadd.f32 v37, v28;
	v28 =	vpop (erf);
	[tilespmem:s15+$0xFFFFFF80] =	vst v32;
	v29 =	vld [tilespmem:s30+$0xFFFFFFA0]  }
.Ltmp3:
0x137: {  	v31 =	vpop (erf);
	v41 =	vadd.f32 v28, v28;
	v32 =	vld [tilespmem:s16+$0xFFFFFF90];
	v43 =	vmul.f32 v16, v24;
	[tilespmem:s20+$0xFFFFFFA0] =	vst v34;
	v28 =	vmul.f32 v39, v35;
	(pc) =	sbr.rel @p0 .LBB2_5-.Ltmp3, $4  }
0x138: {  	v6 =	vmovc v5;
	v5 =	vmov v8;
	v44 =	vadd.f32 v19, v40;
	v35 =	vadd.f32 v37, v37;
	v34 =	vld [tilespmem:s18+$0x0];
	[tilespmem:s17+$0xFFFFFFB0] =	vst v30  }
0x139: {  	v45 =	vadd.f32 $1.000000000e+00, v31;
	v31 =	vpop (erf);
	v24 =	vsub.f32 $1.000000000e+00, v41;
	[tilespmem:s15+$0x10] =	vst v43;
	v40 =	vmul.f32 v22, v36;
	v30 =	vld [tilespmem:s0+$0xFFFFFFB0];
	s0 =	smov.u32 s30;
	s30 =	smov.u32 s16;
	s16 =	smov.u32 s18  }
0x13a: {  	s18 =	smov.u32 s12;
	s12 =	smov.u32 s3;
	v37 =	vadd.f32 v44, v44;
	v39 =	vmul.f32 $1.442695020e+00, v35;
	v35 =	vadd.f32 $1.000000000e+00, v31;
	v19 =	vpop (erf);
	v36 =	vld [tilespmem:s30+$0x20];
	[tilespmem:s23+$0xFFFFFFC0] =	vst v38  }
0x13b: {  	s25 =	sadd.s32 $0x20, s25;
	v8 =	vmovc v10;
	v10 =	vmovc v42;
	(erf) = vrcp.f32 v45;
	v38 =	vadd.f32 v19, v19;
	v19 =	vbroadcast v24, $0x0;
	[tilespmem:s10+$0x30] =	vst v40;
	v31 =	vld [tilespmem:s31+$0xFFFFFFF0];
	s31 =	smov.u32 s1;
	s1 =	sadd.s32 $0x20, s1  }
0x13c: {  	(erf) = vpow2.f32 v39;
	_ =	sdelay $0x1  }
0x13d: {  	v37 =	vmul.f32 $1.442695020e+00, v37;
	v45 =	vbroadcast v23, $0x1  }
0x13e: {  	v43 =	vld [tilespmem:s1+$0x0];
	[tilespmem:s23+$0xFFFFFFD0] =	vst v33  }
0x13f: {  	[tilespmem:s17+$0xFFFFFFE0] =	vst v25;
	(erf) = vpow2.f32 v37;
	v25 =	vmul.f32 v45, v36  }
0x140: {  	[tilespmem:s20+$0x40] =	vst v28;
	v44 =	vmul.f32 v19, v34;
	v28 =	vsub.f32 $1.000000000e+00, v38;
	(erf) = vrcp.f32 v35  }
0x141: {  	s3 =	sadd.s32 $0x100, s15;
	[tilespmem:s10+$0x60] =	vst v26  }
0x142: {  	v29 =	vmul.f32 v7, v29;
	[tilespmem:s3+$0x0] =	vst v44;
	v23 =	vbroadcast v28, $0x0  }
0x143: {  	v33 =	vld [tilespmem:s16+$0x10];
	[tilespmem:s13+$0x20] =	vst v25;
	v22 =	vmul.f32 v43, v22;
	v25 =	vpop (erf)  }
0x144: {  	[tilespmem:s10+$0xFFFFFFA0] =	vst v29;
	v13 =	vmul.f32 v23, v13;
	v26 =	vpop (erf)  }
0x145: {  	v29 =	vld [tilespmem:s18+$0x0];
	[tilespmem:s10+$0x50] =	vst v22;
	v22 =	vadd.f32 $1.000000000e+00, v26;
	v26 =	vmul.f32 v11, v30  }
0x146: {  	v32 =	vmul.f32 v10, v32;
	v46 =	vld [tilespmem:s30+$0x30];
	[tilespmem:s3+$0xFFFFFF80] =	vst v13;
	v13 =	vadd.f32 v25, v25  }
0x147: {  	v6 =	vmul.f32 v31, v6;
	(erf) = vrcp.f32 v22;
	[tilespmem:s20+$0xFFFFFFB0] =	vst v26;
	v26 =	vld [tilespmem:s16+$0xFFFFFF90]  }
0x148: {  	[tilespmem:s13+$0xFFFFFF90] =	vst v32;
	v25 =	vmul.f32 v19, v33;
	v30 =	vpop (erf);
	v22 =	vsub.f32 $1.000000000e+00, v13  }
0x149: {  	v9 =	vmul.f32 v31, v9;
	[tilespmem:s17+$0xFFFFFFC0] =	vst v6;
	v6 =	vmul.f32 v43, v12;
	v12 =	vpop (erf)  }
0x14a: {  	[tilespmem:s3+$0x10] =	vst v25;
	v12 =	vadd.f32 v12, v12;
	v13 =	vbroadcast v22, $0x0  }
0x14b: {  	[tilespmem:s17+$0xFFFFFFD0] =	vst v9;
	v25 =	vmul.f32 v45, v46;
	v31 =	vld [tilespmem:s16+$0x20]  }
0x14c: {  	v47 =	vld [tilespmem:s30+$0xFFFFFFA0];
	[tilespmem:s10+$0x40] =	vst v6;
	v9 =	vsub.f32 $1.000000000e+00, v12;
	v29 =	vmul.f32 v13, v29;
	v12 =	vmul.f32 v23, v26  }
0x14d: {  	s24 =	sadd.s32 $0x20, s1;
	s15 =	sadd.s32 $0x100, s3;
	v6 =	vadd.f32 $1.000000000e+00, v30;
	[tilespmem:s13+$0x30] =	vst v25;
	v30 =	vld [tilespmem:s31+$0xFFFFFFF0]  }
0x14e: {  	v48 =	vbroadcast v24, $0x1;
	v25 =	vld [tilespmem:s24+$0x0];
	[tilespmem:s15+$0x0] =	vst v29  }
0x14f: {  	v27 =	vadd.f32 v4, v27;
	[tilespmem:s20+$0xFFFFFFE0] =	vst v21;
	(erf) = vrcp.f32 v6;
	v26 =	vld [tilespmem:s18+$0x10]  }
0x150: {  	v21 =	vmul.f32 v48, v31;
	v6 =	vbroadcast v9, $0x0;
	v29 =	vld [tilespmem:s0+$0xFFFFFFB0];
	[tilespmem:s3+$0xFFFFFF90] =	vst v12;
	v12 =	vpop (erf)  }
0x151: {  	[tilespmem:s13+$0x60] =	vst v27;
	v31 =	vmul.f32 v14, v47;
	v12 =	vadd.f32 v12, v12  }
0x152: {  	v27 =	vld [tilespmem:s12+$0x0];
	[tilespmem:s3+$0x20] =	vst v21;
	v15 =	vmul.f32 v6, v15  }
0x153: {  	v21 =	vmul.f32 v25, v45;
	[tilespmem:s13+$0xFFFFFFA0] =	vst v31;
	v12 =	vsub.f32 $1.000000000e+00, v12  }
0x154: {  	v49 =	vld [tilespmem:s16+$0x30];
	[tilespmem:s15+$0xFFFFFF80] =	vst v15;
	v15 =	vmul.f32 v13, v26  }
0x155: {  	[tilespmem:s13+$0x50] =	vst v21;
	v21 =	vmul.f32 v7, v29;
	v26 =	vbroadcast v12, $0x0  }
0x156: {  	v5 =	vmul.f32 v30, v5;
	[tilespmem:s15+$0x10] =	vst v15  }
0x157: {  	[tilespmem:s10+$0xFFFFFFB0] =	vst v21;
	v15 =	vld [tilespmem:s18+$0x20];
	v21 =	vmul.f32 v26, v27  }
0x158: {  	s25 =	sadd.s32 $0x100, s15;
	[tilespmem:s20+$0xFFFFFFC0] =	vst v5;
	v5 =	vmul.f32 v30, v11  }
0x159: {  	v11 =	vpop (erf);
	v29 =	vmul.f32 v48, v49;
	v27 =	vld [tilespmem:s18+$0xFFFFFF90];
	[tilespmem:s25+$0x0] =	vst v21  }
0x15a: {  	v16 =	vmul.f32 v25, v16;
	[tilespmem:s20+$0xFFFFFFD0] =	vst v5;
	v11 =	vadd.f32 v11, v11;
	v21 =	vbroadcast v22, $0x1;
	v25 =	vld [tilespmem:s12+$0x10]  }
0x15b: {  	s26 =	sadd.s32 $0x20, s24;
	v5 =	vmul.f32 v2, v24;
	[tilespmem:s3+$0x30] =	vst v29;
	v29 =	vld [tilespmem:s1+$0xFFFFFFF0]  }
0x15c: {  	[tilespmem:s13+$0x40] =	vst v16;
	v11 =	vsub.f32 $1.000000000e+00, v11;
	v24 =	vld [tilespmem:s26+$0x0];
	v15 =	vmul.f32 v21, v15  }
0x15d: {  	v5 =	vadd.f32 v4, v5;
	[tilespmem:s10+$0xFFFFFFE0] =	vst v18;
	v18 =	vld [tilespmem:s30+$0xFFFFFFB0]  }
0x15e: {  	v16 =	vld [tilespmem:s16+$0xFFFFFFA0];
	v30 =	vbroadcast v11, $0x0;
	v27 =	vmul.f32 v6, v27;
	[tilespmem:s15+$0x20] =	vst v15  }
0x15f: {  	[tilespmem:s3+$0x60] =	vst v5;
	v15 =	vld [tilespmem:s18+$0x30];
	v25 =	vmul.f32 v26, v25  }
0x160: {  	v17 =	vmul.f32 v30, v17;
	[tilespmem:s15+$0xFFFFFF90] =	vst v27  }
0x161: {  	v5 =	vmul.f32 v24, v48;
	v27 =	vbroadcast v28, $0x1;
	[tilespmem:s25+$0x10] =	vst v25  }
0x162: {  	[tilespmem:s25+$0xFFFFFF80] =	vst v17;
	v18 =	vmul.f32 v14, v18;
	v17 =	vld [tilespmem:s12+$0x20]  }
0x163: {  	[tilespmem:s3+$0x50] =	vst v5;
	v5 =	vld [tilespmem:s12+$0xFFFFFF90];
	v16 =	vmul.f32 v27, v16  }
0x164: {  	[tilespmem:s13+$0xFFFFFFB0] =	vst v18;
	v15 =	vmul.f32 v21, v15  }
0x165: {  	v8 =	vmul.f32 v29, v8;
	[tilespmem:s3+$0xFFFFFFA0] =	vst v16;
	v16 =	vbroadcast v12, $0x1  }
0x166: {  	s4 =	sadd.s32 $0x20, s26;
	v7 =	vmul.f32 v29, v7;
	[tilespmem:s15+$0x30] =	vst v15  }
0x167: {  	[tilespmem:s10+$0xFFFFFFC0] =	vst v8;
	v8 =	vld [tilespmem:s4+$0x0];
	v15 =	vmul.f32 v16, v17  }
0x168: {  	[tilespmem:s10+$0xFFFFFFD0] =	vst v7;
	v18 =	vld [tilespmem:s18+$0xFFFFFFA0];
	v5 =	vmul.f32 v30, v5  }
0x169: {  	v19 =	vmul.f32 v24, v19;
	v7 =	vmul.f32 v2, v22;
	v17 =	vld [tilespmem:s16+$0xFFFFFFB0];
	[tilespmem:s25+$0x20] =	vst v15  }
0x16a: {  	[tilespmem:s25+$0xFFFFFF90] =	vst v5;
	v15 =	vadd.f32 v4, v20;
	v5 =	vld [tilespmem:s12+$0x30]  }
0x16b: {  	[tilespmem:s3+$0x40] =	vst v19;
	v7 =	vadd.f32 v4, v7;
	v19 =	vld [tilespmem:s12+$0xFFFFFFA0];
	v20 =	vbroadcast v9, $0x1  }
0x16c: {  	v22 =	vld [tilespmem:s24+$0xFFFFFFF0];
	[tilespmem:s13+$0xFFFFFFE0] =	vst v15;
	v15 =	vmul.f32 v8, v21  }
0x16d: {  	[tilespmem:s15+$0x60] =	vst v7;
	v18 =	vmul.f32 v20, v18  }
0x16e: {  	v7 =	vbroadcast v11, $0x1;
	v17 =	vmul.f32 v27, v17;
	[tilespmem:s15+$0x50] =	vst v15  }
0x16f: {  	[tilespmem:s15+$0xFFFFFFA0] =	vst v18;
	v5 =	vmul.f32 v16, v5  }
0x170: {  	[tilespmem:s3+$0xFFFFFFB0] =	vst v17;
	v17 =	vmul.f32 v7, v19  }
0x171: {  	v10 =	vmul.f32 v22, v10;
	v15 =	vld [tilespmem:s18+$0xFFFFFFB0];
	s18 =	sadd.s32 $0x20, s4;
	[tilespmem:s25+$0x30] =	vst v5  }
0x172: {  	v12 =	vmul.f32 v2, v12;
	v14 =	vmul.f32 v22, v14;
	[tilespmem:s25+$0xFFFFFFA0] =	vst v17;
	v18 =	vld [tilespmem:s18+$0x0]  }
0x173: {  	[tilespmem:s13+$0xFFFFFFC0] =	vst v10;
	v8 =	vmul.f32 v8, v13;
	v5 =	vmul.f32 v2, v28;
	v10 =	vld [tilespmem:s12+$0xFFFFFFB0]  }
0x174: {  	v12 =	vadd.f32 v4, v12;
	[tilespmem:s13+$0xFFFFFFD0] =	vst v14;
	v13 =	vld [tilespmem:s26+$0xFFFFFFF0]  }
0x175: {  	[tilespmem:s15+$0x40] =	vst v8;
	v5 =	vadd.f32 v4, v5  }
0x176: {  	[tilespmem:s25+$0x60] =	vst v12;
	v8 =	vmul.f32 v20, v15  }
0x177: {  	[tilespmem:s3+$0xFFFFFFE0] =	vst v5;
	v5 =	vmul.f32 v18, v16  }
0x178: {  	[tilespmem:s15+$0xFFFFFFB0] =	vst v8;
	v10 =	vmul.f32 v7, v10  }
0x179: {  	v9 =	vmul.f32 v2, v9;
	v8 =	vld [tilespmem:s4+$0xFFFFFFF0];
	[tilespmem:s25+$0x50] =	vst v5;
	v5 =	vmul.f32 v13, v23  }
0x17a: {  	v12 =	vmul.f32 v13, v27;
	[tilespmem:s25+$0xFFFFFFB0] =	vst v10  }
0x17b: {  	v11 =	vmul.f32 v2, v11;
	v9 =	vadd.f32 v4, v9;
	[tilespmem:s3+$0xFFFFFFC0] =	vst v5;
	v5 =	vld [tilespmem:s18+$0xFFFFFFF0]  }
0x17c: {  	[tilespmem:s3+$0xFFFFFFD0] =	vst v12;
	v10 =	vmul.f32 v18, v26  }
0x17d: {  	[tilespmem:s15+$0xFFFFFFE0] =	vst v9;
	v9 =	vadd.f32 v4, v11  }
0x17e: {  	[tilespmem:s25+$0x40] =	vst v10;
	v6 =	vmul.f32 v8, v6  }
0x17f: {  	v8 =	vmul.f32 v8, v20;
	[tilespmem:s25+$0xFFFFFFE0] =	vst v9  }
0x180: {  	[tilespmem:s15+$0xFFFFFFC0] =	vst v6;
	v6 =	vmul.f32 v5, v30  }
0x181: {  	[tilespmem:s15+$0xFFFFFFD0] =	vst v8;
	v5 =	vmul.f32 v5, v7  }
0x182: {  	[tilespmem:s25+$0xFFFFFFC0] =	vst v6  }
0x183: {  	[tilespmem:s25+$0xFFFFFFD0] =	vst v5  }
0x184: {  	v5 =	vld [tilespmem:$0x50]  }
0x185: {  	v6 =	vld [tilespmem:$0x60]  }
0x186: {  	v7 =	vld [tilespmem:$0x70]  }
0x187: {  	v8 =	vld [tilespmem:$0x80]  }
0x188: {  	p0 =	seq.s32 s9, $0x7C;
	s30 =	sshll.u32 s9, $0x1;
	v9 =	vld [tilespmem:$0x90]  }
0x189: {  	s0 =	sadd.s32 @!p0 $0x2, s30;
	[tilespmem:$0x5AA0] =	vst v5  }
0x18a: {  	s1 =	smul.u32 @!p0 $0x50, s0;
	[tilespmem:$0x5AB0] =	vst v6  }
0x18b: {  	s0 =	smul.u32 @!p0 $0xA, s0;
	[tilespmem:$0x5AC0] =	vst v7  }
0x18c: {  	s23 =	simm.s32 $0x5AA0;
	s1 =	sadd.s32 @!p0 s11, s1;
	[tilespmem:$0x5AD0] =	vst v8  }
0x18d: {  	s20 =	simm.s32 $0x32A0;
	s0 =	sadd.s32 @!p0 s29, s0;
	s3 =	sshrl.u32 @!p0 s1, $0x3;
	[tilespmem:$0x5AE0] =	vst v9  }
0x18e: {  	[spmem:s22] =	stream.indirect.scatter.add.f32 [tilespmem:s20], [sflag:$0x3], $0x80, s23, s2, $0xb8;
	[tilespmem:$0x1F5E0] =	vst v63  }
0x18f: {  	s0 =	sshll.u32 @!p0 s0, $0x7;
	s12 =	simm.s32 @!p0 $0x0;
	s10 =	sadd.s32 @!p0 s6, s3  }
0x190: {  	[tilespmem:s12], [sflag:$0x1] =	stream.linear.gather @!p0 [hbm4b:s10+s12], $0x50, $0x38;
	[tilespmem:$0x1F5E0] =	vst v63  }
0x191: {  	s0 =	sadd.s32 @!p0 s14, s0;
	s10 =	rddreg [dreg:$0x1]  }
0x192: {  	s1 =	sshll.u32 @!p0 s1, $0x1;
	s3 =	sadd.s32 @!p0 s10, s3;
	s10 =	simm.s32 @!p0 $0x50  }
0x193: {  	[tilespmem:s10], [sflag:$0x1] =	stream.linear.gather @!p0 [hbm4b:s3+s12], $0x50, $0x38;
	[tilespmem:$0x1F5E0] =	vst v63  }
0x194: {  	s0 =	sshrl.u32 @!p0 s0, $0x3;
	s1 =	sadd.s32 @!p0 s7, s1;
	s3 =	simm.s32 @!p0 $0xA0  }
0x195: {  	[tilespmem:s3], [sflag:$0x1] =	stream.linear.gather @!p0 [hbm4b:s1+s12], $0x500, $0x38;
	[tilespmem:$0x1F5E0] =	vst v63  }
0x196: {  	s0 =	sadd.s32 @!p0 s8, s0;
	s24 =	simm.s32 $0x5;
	s1 =	simm.s32 @!p0 $0x5A0  }
0x197: {  	[tilespmem:s1], [sflag:$0x1] =	stream.linear.gather @!p0 [hbm4b:s0+s12], $0x500, $0x38;
	[tilespmem:$0x1F5E0] =	vst v63  }
0x198: {  	_ =	swait.ge [sflag:s24], $0x2800  }
0x199: {  	[sflag:s24] =	ssyncset.done $0x0  }
0x19a: {  	s25 =	simm.s32 $0x6;
	[sflag:s24] =	ssyncadd.s32 $0xFFFFD800  }
0x19b: {  	s13 =	simm.s32 $0x10;
	s26 =	simm.s32 $0x0;
	_ =	swait.ge [sflag:s25], $0x2800  }
0x19c: {  	s10 =	sand.u32 $0x70, s13;
	s12 =	sand.u32 $0x780, s26;
	[sflag:s25] =	ssyncset.done $0x0  }
0x19d: {  	s1 =	simm.s32 $0x6610;
	s3 =	sadd.s32 $0x6090, s12;
	[sflag:s25] =	ssyncadd.s32 $0xFFFFD800  }
0x19e: {  	s10 =	sadd.s32 s10, s3;
	v5 =	vld [tilespmem:s1+$0x40]  }
0x19f: {  	v6 =	vld [tilespmem:s10+$0x0];
	_ =	sdelay $0x3  }
0x1a0: {  	s0 =	sand.u32 $0x60, s26  }
0x1a1: {  	s0 =	sor.u32 s0, s3;
	v5 =	vadd.f32 v6, v5  }
0x1a2: {  	v7 =	vld [tilespmem:s0+$0x0]  }
0x1a3: {  	v6 =	vld [tilespmem:s1+$0xFFFFFFC0];
	v5 =	vadd.f32 v5, v5  }
0x1a4: {  	s15 =	simm.s32 $0x20  }
0x1a5: {  	s17 =	simm.s32 $0x30;
	s16 =	sand.u32 $0x780, s15;
	v5 =	vmul.f32 $1.442695020e+00, v5  }
0x1a6: {  	s3 =	sadd.s32 $0x6090, s16;
	s10 =	sand.u32 $0x70, s17  }
0x1a7: {  	s10 =	sadd.s32 s10, s3;
	(erf) = vpow2.f32 v5  }
0x1a8: {  	s31 =	simm.s32 $0x6710;
	v6 =	vadd.f32 v7, v6;
	v7 =	vld [tilespmem:s10+$0x0]  }
0x1a9: {  	v5 =	vld [tilespmem:s31+$0x40]  }
0x1aa: {  	v6 =	vadd.f32 v6, v6;
	_ =	sdelay $0x1  }
0x1ab: {  	s0 =	sand.u32 $0x60, s15;
	v6 =	vmul.f32 $1.442695020e+00, v6  }
0x1ac: {  	v8 =	vld [tilespmem:s31+$0xFFFFFFC0];
	s0 =	sor.u32 s0, s3  }
0x1ad: {  	v5 =	vadd.f32 v7, v5;
	(erf) = vpow2.f32 v6;
	v6 =	vld [tilespmem:s0+$0x0];
	_ =	sdelay $0x1  }
0x1ae: {  	v5 =	vadd.f32 v5, v5;
	v7 =	vpop (erf)  }
0x1af: {  	s18 =	simm.s32 $0x40;
	v7 =	vadd.f32 $1.000000000e+00, v7  }
0x1b0: {  	s4 =	smov.u32 s22;
	s20 =	sand.u32 $0x780, s18;
	s22 =	simm.s32 $0x50;
	v5 =	vmul.f32 $1.442695020e+00, v5  }
0x1b1: {  	s3 =	sadd.s32 $0x6090, s20;
	s10 =	sand.u32 $0x70, s22;
	v6 =	vadd.f32 v6, v8;
	(erf) = vrcp.f32 v7  }
0x1b2: {  	s10 =	sadd.s32 s10, s3;
	(erf) = vpow2.f32 v5  }
0x1b3: {  	s13 =	simm.s32 $0x6810;
	v7 =	vld [tilespmem:s10+$0x0];
	v5 =	vadd.f32 v6, v6  }
0x1b4: {  	v6 =	vld [tilespmem:s13+$0x40]  }
0x1b5: {  	v8 =	vpop (erf);
	v5 =	vmul.f32 $1.442695020e+00, v5  }
0x1b6: {  	v8 =	vadd.f32 $1.000000000e+00, v8  }
0x1b7: {  	(erf) = vpow2.f32 v5  }
0x1b8: {  	s0 =	sand.u32 $0x60, s18;
	(erf) = vrcp.f32 v8  }
0x1b9: {  	v9 =	vld [tilespmem:s13+$0xFFFFFFC0];
	s0 =	sor.u32 s0, s3;
	v5 =	vadd.f32 v7, v6  }
0x1ba: {  	v10 =	vld [tilespmem:s0+$0x0];
	v6 =	vpop (erf)  }
0x1bb: {  	v5 =	vadd.f32 v5, v5;
	v7 =	vpop (erf);
	v6 =	vadd.f32 v6, v6  }
0x1bc: {  	s23 =	simm.s32 $0x60;
	v11 =	vld [tilespmem:s1+$0x0];
	v7 =	vadd.f32 $1.000000000e+00, v7  }
0x1bd: {  	s24 =	sand.u32 $0x780, s23;
	s25 =	simm.s32 $0x70;
	v5 =	vmul.f32 $1.442695020e+00, v5;
	v8 =	vsub.f32 $1.000000000e+00, v6  }
0x1be: {  	s3 =	sadd.s32 $0x6090, s24;
	s10 =	sand.u32 $0x70, s25;
	(erf) = vrcp.f32 v7  }
0x1bf: {  	s10 =	sadd.s32 s10, s3;
	v7 =	vbroadcast v8, $0x0;
	(erf) = vpow2.f32 v5;
	v5 =	vadd.f32 v10, v9  }
0x1c0: {  	s16 =	simm.s32 $0x6910;
	v12 =	vld [tilespmem:s10+$0x0];
	v6 =	vpop (erf)  }
0x1c1: {  	v9 =	vld [tilespmem:s16+$0x40];
	v10 =	vpop (erf);
	v11 =	vmul.f32 v7, v11;
	v5 =	vadd.f32 v5, v5  }
0x1c2: {  	v13 =	vld [tilespmem:s1+$0xFFFFFF80];
	s10 =	simm.s32 $0x8E10;
	v10 =	vadd.f32 v10, v10  }
0x1c3: {  	v14 =	vld [tilespmem:s16+$0xFFFFFFC0];
	s0 =	sand.u32 $0x60, s23;
	[tilespmem:s10+$0x0] =	vst v11;
	v5 =	vmul.f32 $1.442695020e+00, v5  }
0x1c4: {  	s0 =	sor.u32 s0, s3;
	v11 =	vsub.f32 $1.000000000e+00, v10;
	v10 =	vld [tilespmem:s1+$0x10]  }
0x1c5: {  	v6 =	vadd.f32 $1.000000000e+00, v6;
	(erf) = vpow2.f32 v5;
	v5 =	vld [tilespmem:s0+$0x0]  }
0x1c6: {  	v9 =	vadd.f32 v12, v9;
	v19 =	vbroadcast v11, $0x0  }
0x1c7: {  	v12 =	vpop (erf);
	(erf) = vrcp.f32 v6  }
0x1c8: {  	s26 =	simm.s32 $0x80;
	v9 =	vadd.f32 v9, v9;
	v6 =	vadd.f32 v12, v12;
	v12 =	vmul.f32 v19, v13;
	v13 =	vpop (erf)  }
0x1c9: {  	v15 =	vld [tilespmem:s31+$0x0];
	s17 =	sand.u32 $0x780, s26;
	s18 =	simm.s32 $0x90;
	v10 =	vmul.f32 v7, v10;
	v13 =	vadd.f32 $1.000000000e+00, v13  }
0x1ca: {  	s12 =	sadd.s32 $0x6090, s17;
	s15 =	sand.u32 $0x70, s18;
	v16 =	vsub.f32 $1.000000000e+00, v6;
	v6 =	vmul.f32 $1.442695020e+00, v9;
	v5 =	vadd.f32 v5, v14  }
0x1cb: {  	s15 =	sadd.s32 s15, s12;
	[tilespmem:s10+$0xFFFFFF80] =	vst v12;
	(erf) = vrcp.f32 v13  }
0x1cc: {  	v17 =	vld [tilespmem:s15+$0x0];
	[tilespmem:s10+$0x10] =	vst v10;
	v10 =	vbroadcast v16, $0x0;
	v5 =	vadd.f32 v5, v5;
	(erf) = vpow2.f32 v6  }
0x1cd: {  	s0 =	simm.s32 $0x6A10;
	v9 =	vld [tilespmem:s1+$0xFFFFFF90]  }
0x1ce: {  	s3 =	sand.u32 $0x60, s26;
	v6 =	vmul.f32 v10, v15;
	v15 =	vld [tilespmem:s0+$0x40];
	v5 =	vmul.f32 $1.442695020e+00, v5  }
0x1cf: {  	s18 =	simm.s32 $0x8F10;
	s3 =	sor.u32 s3, s12;
	v13 =	vld [tilespmem:s0+$0xFFFFFFC0];
	v14 =	vpop (erf)  }
0x1d0: {  	[tilespmem:s18+$0x0] =	vst v6;
	v6 =	vadd.f32 $1.000000000e+00, v14;
	v14 =	vpop (erf);
	(erf) = vpow2.f32 v5;
	v5 =	vld [tilespmem:s3+$0x0]  }
0x1d1: {  	v18 =	vld [tilespmem:s31+$0x10]  }
0x1d2: {  	v12 =	vld [tilespmem:s1+$0x20];
	(erf) = vrcp.f32 v6  }
0x1d3: {  	v15 =	vadd.f32 v17, v15  }
0x1d4: {  	v21 =	vld [tilespmem:s31+$0xFFFFFF80];
	s17 =	simm.s32 $0x6B10;
	v20 =	vbroadcast v8, $0x1;
	v14 =	vadd.f32 v14, v14;
	v17 =	vpop (erf)  }
0x1d5: {  	v27 =	vld [tilespmem:s17+$0xFFFFFFC0];
	v9 =	vmul.f32 v19, v9;
	v25 =	vpop (erf);
	v5 =	vadd.f32 v5, v13;
	v13 =	vadd.f32 v15, v15  }
0x1d6: {  	s20 =	simm.s32 $0xA0;
	v30 =	vld [tilespmem:s17+$0x40];
	v24 =	vadd.f32 v17, v17;
	v18 =	vmul.f32 v10, v18;
	v25 =	vadd.f32 $1.000000000e+00, v25  }
0x1d7: {  	s22 =	sand.u32 $0x780, s20;
	s23 =	simm.s32 $0xB0;
	v6 =	vmul.f32 v20, v12;
	[tilespmem:s10+$0xFFFFFF90] =	vst v9;
	v22 =	vsub.f32 $1.000000000e+00, v14;
	v15 =	vld [tilespmem:s13+$0x0];
	v9 =	vmul.f32 $1.442695020e+00, v13  }
0x1d8: {  	v34 =	vld [tilespmem:s17+$0x0];
	s15 =	sand.u32 $0x70, s23;
	s12 =	sadd.s32 $0x6090, s22;
	v26 =	vsub.f32 $1.000000000e+00, v24;
	[tilespmem:s18+$0x10] =	vst v18  }
0x1d9: {  	s15 =	sadd.s32 s15, s12;
	v29 =	vbroadcast v16, $0x1;
	[tilespmem:s10+$0x20] =	vst v6;
	v6 =	vbroadcast v22, $0x0;
	v13 =	vld [tilespmem:s31+$0x20]  }
0x1da: {  	v31 =	vld [tilespmem:s15+$0x0];
	v5 =	vadd.f32 v5, v5;
	(erf) = vrcp.f32 v25;
	v24 =	vbroadcast v26, $0x0;
	v25 =	vpop (erf)  }
0x1db: {  	v23 =	vld [tilespmem:s1+$0x30];
	v21 =	vmul.f32 v6, v21;
	(erf) = vpow2.f32 v9;
	v9 =	vpop (erf)  }
0x1dc: {  	v12 =	vld [tilespmem:s13+$0xFFFFFF80];
	v5 =	vmul.f32 $1.442695020e+00, v5;
	v15 =	vmul.f32 v24, v15;
	v9 =	vadd.f32 v9, v9  }
0x1dd: {  	s23 =	simm.s32 $0x9010;
	v28 =	vbroadcast v11, $0x1;
	[tilespmem:s18+$0xFFFFFF80] =	vst v21;
	v21 =	vld [tilespmem:s1+$0xFFFFFFA0];
	v25 =	vadd.f32 $1.000000000e+00, v25  }
0x1de: {  	s3 =	sand.u32 $0x60, s20;
	s20 =	simm.s32 $0x6C10;
	v18 =	vld [tilespmem:s31+$0xFFFFFF90];
	(erf) = vpow2.f32 v5;
	[tilespmem:s23+$0x0] =	vst v15;
	v5 =	vmul.f32 v29, v13;
	v15 =	vsub.f32 $1.000000000e+00, v9  }
0x1df: {  	s3 =	sor.u32 s3, s12;
	v56 =	vld [tilespmem:s20+$0xFFFFFFC0];
	(erf) = vrcp.f32 v25;
	v25 =	vmul.f32 v2, v11  }
0x1e0: {  	v11 =	vld [tilespmem:s3+$0x0];
	v13 =	vmul.f32 v20, v23;
	[tilespmem:s18+$0x20] =	vst v5;
	v5 =	vbroadcast v15, $0x0  }
0x1e1: {  	v8 =	vmul.f32 v2, v8;
	v23 =	vld [tilespmem:s13+$0x10];
	v9 =	vbroadcast v22, $0x1  }
0x1e2: {  	s3 =	simm.s32 $0x5BA0;
	v21 =	vmul.f32 v28, v21;
	[tilespmem:s10+$0x30] =	vst v13;
	v50 =	vld [tilespmem:s31+$0x30];
	v12 =	vmul.f32 v5, v12  }
0x1e3: {  	v13 =	vmul.f32 v6, v18;
	v18 =	vmul.f32 v2, v22;
	v22 =	vadd.f32 v31, v30;
	v51 =	vld [tilespmem:s3+$0x0]  }
0x1e4: {  	v8 =	vadd.f32 v4, v8;
	v14 =	vld [tilespmem:s16+$0xFFFFFF80];
	[tilespmem:s10+$0xFFFFFFA0] =	vst v21;
	v30 =	vpop (erf)  }
0x1e5: {  	v16 =	vmul.f32 v2, v16;
	v54 =	vld [tilespmem:s1+$0xFFFFFFB0];
	[tilespmem:s18+$0xFFFFFF90] =	vst v13;
	v30 =	vadd.f32 v30, v30;
	v22 =	vadd.f32 v22, v22  }
0x1e6: {  	v57 =	vbroadcast v26, $0x1;
	s1 =	simm.s32 $0xC0;
	v11 =	vadd.f32 v11, v27;
	v27 =	vld [tilespmem:s16+$0x0];
	v23 =	vmul.f32 v24, v23;
	[tilespmem:s23+$0xFFFFFF80] =	vst v12;
	v12 =	vpop (erf)  }
0x1e7: {  	s25 =	simm.s32 $0xD0;
	s24 =	sand.u32 $0x780, s1;
	v31 =	vld [tilespmem:s31+$0xFFFFFFA0];
	v30 =	vsub.f32 $1.000000000e+00, v30;
	v22 =	vmul.f32 $1.442695020e+00, v22;
	v12 =	vadd.f32 $1.000000000e+00, v12  }
0x1e8: {  	s22 =	sand.u32 $0x70, s25;
	s24 =	sadd.s32 $0x6090, s24;
	v52 =	vld [tilespmem:s13+$0xFFFFFF90];
	[tilespmem:s23+$0x10] =	vst v23;
	v23 =	vmul.f32 v29, v50;
	v20 =	vmul.f32 v51, v20  }
0x1e9: {  	[tilespmem:s10+$0x60] =	vst v8;
	s1 =	sand.u32 $0x60, s1;
	s15 =	sadd.s32 s22, s24;
	v53 =	vld [tilespmem:s13+$0x20];
	v21 =	vpop (erf);
	(erf) = vrcp.f32 v12;
	v12 =	vbroadcast v30, $0x0  }
0x1ea: {  	v26 =	vmul.f32 v2, v26;
	v11 =	vadd.f32 v11, v11;
	s1 =	sor.u32 s1, s24;
	v58 =	vld [tilespmem:s15+$0x0];
	v7 =	vmul.f32 v51, v7;
	v55 =	vpop (erf);
	[tilespmem:s18+$0x30] =	vst v23  }
0x1eb: {  	s26 =	simm.s32 $0x5BC0;
	v60 =	vld [tilespmem:s1+$0x0];
	[tilespmem:s10+$0x50] =	vst v20;
	v23 =	vadd.f32 v55, v55;
	(erf) = vpow2.f32 v22;
	v27 =	vmul.f32 v12, v27  }
0x1ec: {  	s12 =	simm.s32 $0x9110;
	v11 =	vmul.f32 $1.442695020e+00, v11;
	[tilespmem:s10+$0x40] =	vst v7;
	v31 =	vmul.f32 v9, v31;
	v22 =	vld [tilespmem:s26+$0x0]  }
0x1ed: {  	v8 =	vadd.f32 $1.000000000e+00, v21;
	v59 =	vmul.f32 v5, v52;
	v21 =	vsub.f32 $1.000000000e+00, v23;
	v23 =	vld [tilespmem:s20+$0x40];
	[tilespmem:s12+$0x0] =	vst v27  }
0x1ee: {  	[tilespmem:s18+$0xFFFFFFA0] =	vst v31;
	(erf) = vpow2.f32 v11;
	v27 =	vmul.f32 v57, v53;
	v20 =	vld [tilespmem:s16+$0x10]  }
0x1ef: {  	v48 =	vld [tilespmem:s31+$0xFFFFFFB0];
	(erf) = vrcp.f32 v8;
	[tilespmem:s23+$0xFFFFFF90] =	vst v59;
	v8 =	vbroadcast v21, $0x0  }
0x1f0: {  	v16 =	vadd.f32 v4, v16;
	v11 =	vbroadcast v15, $0x1;
	v7 =	vbroadcast v21, $0x1;
	v63 =	vld [tilespmem:s13+$0xFFFFFFA0];
	[tilespmem:s23+$0x20] =	vst v27  }
0x1f1: {  	v31 =	vadd.f32 v60, v56;
	v45 =	vmul.f32 v2, v21;
	v14 =	vmul.f32 v8, v14;
	v61 =	vld [tilespmem:s13+$0x30]  }
0x1f2: {  	v47 =	vld [tilespmem:s0+$0x0];
	[tilespmem:s18+$0x60] =	vst v16;
	v27 =	vmul.f32 v2, v15;
	v29 =	vmul.f32 v22, v29;
	v23 =	vadd.f32 v58, v23;
	v62 =	vpop (erf)  }
0x1f3: {  	v17 =	vld [tilespmem:s0+$0xFFFFFF80];
	s15 =	simm.s32 $0x6D10;
	[tilespmem:s12+$0xFFFFFF80] =	vst v14;
	v14 =	vmul.f32 v28, v54;
	v16 =	vadd.f32 v62, v62;
	v20 =	vmul.f32 v12, v20  }
0x1f4: {  	v51 =	vld [tilespmem:s15+$0xFFFFFFC0];
	v10 =	vmul.f32 v22, v10;
	v38 =	vmul.f32 v9, v48;
	v46 =	vadd.f32 v23, v23;
	v21 =	vpop (erf)  }
0x1f5: {  	v44 =	vld [tilespmem:s16+$0xFFFFFF90];
	v55 =	vmul.f32 v11, v63;
	v21 =	vadd.f32 $1.000000000e+00, v21;
	v23 =	vsub.f32 $1.000000000e+00, v16;
	[tilespmem:s12+$0x10] =	vst v20  }
0x1f6: {  	s25 =	simm.s32 $0xE0;
	v22 =	vadd.f32 v31, v31;
	[tilespmem:s10+$0xFFFFFFB0] =	vst v14;
	v31 =	vmul.f32 $1.442695020e+00, v46;
	v20 =	vmul.f32 v57, v61;
	v49 =	vld [tilespmem:s16+$0x20]  }
0x1f7: {  	v25 =	vadd.f32 v4, v25;
	s24 =	sand.u32 $0x780, s25;
	s22 =	simm.s32 $0xF0;
	s1 =	simm.s32 $0x5BE0;
	[tilespmem:s18+$0x50] =	vst v29;
	v40 =	vld [tilespmem:s3+$0xFFFFFFF0];
	v14 =	vpop (erf);
	(erf) = vrcp.f32 v21;
	v16 =	vbroadcast v23, $0x0  }
0x1f8: {  	v52 =	vld [tilespmem:s15+$0x40];
	s3 =	sadd.s32 $0x6090, s24;
	s24 =	sand.u32 $0x70, s22;
	v50 =	vpop (erf);
	v21 =	vmul.f32 $1.442695020e+00, v22;
	v14 =	vadd.f32 $1.000000000e+00, v14;
	v22 =	vbroadcast v30, $0x1;
	[tilespmem:s23+$0x30] =	vst v20  }
0x1f9: {  	s25 =	sand.u32 $0x60, s25;
	[tilespmem:s18+$0x40] =	vst v10;
	s28 =	sadd.s32 s24, s3;
	v20 =	vadd.f32 v50, v50;
	(erf) = vpow2.f32 v31;
	v31 =	vld [tilespmem:s1+$0x0];
	v29 =	vmul.f32 v16, v47  }
0x1fa: {  	[tilespmem:s10+$0xFFFFFFE0] =	vst v25;
	v25 =	vadd.f32 v4, v18;
	s24 =	simm.s32 $0x9210;
	s3 =	sor.u32 s25, s3;
	v53 =	vld [tilespmem:s28+$0x0];
	(erf) = vpow2.f32 v21;
	v21 =	vmul.f32 v8, v44  }
0x1fb: {  	v54 =	vld [tilespmem:s3+$0x0];
	v20 =	vsub.f32 $1.000000000e+00, v20;
	(erf) = vrcp.f32 v14;
	[tilespmem:s24+$0x0] =	vst v29;
	v18 =	vmul.f32 v22, v49  }
0x1fc: {  	[tilespmem:s18+$0xFFFFFFB0] =	vst v38;
	v19 =	vmul.f32 v40, v19;
	v29 =	vmul.f32 v2, v30;
	v30 =	vld [tilespmem:s0+$0x10]  }
0x1fd: {  	v26 =	vadd.f32 v4, v26;
	v13 =	vld [tilespmem:s17+$0xFFFFFF80];
	v33 =	vmul.f32 v40, v28;
	v10 =	vbroadcast v20, $0x0;
	[tilespmem:s12+$0x20] =	vst v18  }
0x1fe: {  	[tilespmem:s12+$0xFFFFFF90] =	vst v21;
	v21 =	vadd.f32 v4, v27;
	v14 =	vbroadcast v20, $0x1;
	v27 =	vmul.f32 v31, v57;
	v57 =	vld [tilespmem:s16+$0x30]  }
0x1ff: {  	v15 =	vld [tilespmem:s20+$0xFFFFFF80];
	[tilespmem:s23+$0xFFFFFFA0] =	vst v55;
	v20 =	vmul.f32 v2, v20;
	v56 =	vmul.f32 v10, v17  }
0x200: {  	[tilespmem:s23+$0x60] =	vst v26;
	v36 =	vadd.f32 v53, v52;
	v17 =	vld [tilespmem:s15+$0xFFFFFF80];
	v28 =	vmul.f32 v31, v24;
	v31 =	vadd.f32 v54, v51;
	v58 =	vpop (erf)  }
0x201: {  	v26 =	vadd.f32 v4, v29;
	v29 =	vld [tilespmem:s16+$0xFFFFFFA0];
	[tilespmem:s24+$0xFFFFFF80] =	vst v56;
	v59 =	vadd.f32 v58, v58;
	v30 =	vmul.f32 v16, v30  }
0x202: {  	v18 =	vadd.f32 v4, v45;
	v36 =	vadd.f32 v36, v36;
	[tilespmem:s23+$0x50] =	vst v27;
	v27 =	vmul.f32 v2, v23;
	v32 =	vld [tilespmem:s0+$0xFFFFFF90];
	v60 =	vpop (erf)  }
0x203: {  	v61 =	vadd.f32 $1.000000000e+00, v60;
	v62 =	vpop (erf);
	v24 =	vsub.f32 $1.000000000e+00, v59;
	[tilespmem:s24+$0x10] =	vst v30;
	v63 =	vmul.f32 v22, v57;
	v30 =	vld [tilespmem:s13+$0xFFFFFFB0]  }
0x204: {  	s31 =	simm.s32 $0x9210;
	s25 =	simm.s32 $0xE;
	[tilespmem:s10+$0xFFFFFFC0] =	vst v19;
	v37 =	vadd.f32 v31, v31;
	v39 =	vmul.f32 $1.442695020e+00, v36;
	v35 =	vadd.f32 $1.000000000e+00, v62;
	v31 =	vpop (erf);
	v36 =	vld [tilespmem:s0+$0x20]  }
0x205: {  	s28 =	simm.s32 $0x100;
	s3 =	simm.s32 $0x5C00;
	(erf) = vrcp.f32 v61;
	v38 =	vadd.f32 v31, v31;
	v31 =	vld [tilespmem:s26+$0xFFFFFFF0];
	s13 =	simm.s32 $0x6D10;
	v19 =	vbroadcast v24, $0x0;
	[tilespmem:s12+$0x30] =	vst v63  }
.LBB2_7:
0x206: {  	s26 =	sand.u32 $0x780, s28;
	s22 =	sadd.s32 $0x10, s28;
	v37 =	vmul.f32 $1.442695020e+00, v37;
	s15 =	sadd.s32 $0x100, s15;
	(erf) = vpow2.f32 v39;
	v20 =	vadd.f32 v4, v20;
	v39 =	vld [tilespmem:s3+$0x0];
	[tilespmem:s10+$0xFFFFFFD0] =	vst v33;
	v33 =	vmovc v9;
	v9 =	vmovc v11  }
0x207: {  	s25 =	sadd.s32 $0x2, s25;
	v41 =	vbroadcast v23, $0x1;
	v11 =	vmovc v7;
	v7 =	vmovc v14;
	v40 =	vld [tilespmem:s15+$0xFFFFFFC0];
	s26 =	sadd.s32 $0x6090, s26;
	s10 =	sand.u32 $0x70, s22;
	v38 =	vsub.f32 $1.000000000e+00, v38;
	v34 =	vmul.f32 v19, v34;
	[tilespmem:s23+$0x40] =	vst v28  }
0x208: {  	v32 =	vmul.f32 v10, v32;
	v27 =	vadd.f32 v4, v27;
	s24 =	sadd.s32 $0x100, s24;
	p1 =	slt.u32 s25, $0x4E;
	v28 =	vld [tilespmem:s15+$0x40];
	s10 =	sadd.s32 s10, s26;
	(erf) = vpow2.f32 v37;
	[tilespmem:s18+$0xFFFFFFE0] =	vst v25;
	v25 =	vmovc v21  }
0x209: {  	v23 =	vmovc v24;
	s22 =	sand.u32 $0x60, s28;
	v21 =	vmovc v18;
	v18 =	vmov v20;
	v37 =	vld [tilespmem:s10+$0x0];
	(erf) = vrcp.f32 v35;
	[tilespmem:s24+$0x0] =	vst v34;
	v34 =	vmul.f32 v41, v36;
	s10 =	smov.u32 s18;
	s18 =	smov.u32 s23  }
0x20a: {  	s22 =	sor.u32 s22, s26;
	v42 =	vbroadcast v38, $0x0;
	v14 =	vbroadcast v38, $0x1;
	v35 =	vmovc v12;
	v12 =	vmovc v16;
	v16 =	vmov v19;
	s23 =	smov.u32 s12;
	s12 =	smov.u32 s31;
	v24 =	vld [tilespmem:s17+$0x10];
	[tilespmem:s31+$0xFFFFFF90] =	vst v32  }
0x20b: {  	s31 =	smov.u32 s24;
	v19 =	vld [tilespmem:s22+$0x0];
	[tilespmem:s12+$0x20] =	vst v34;
	v34 =	vmul.f32 v11, v29;
	v29 =	vmul.f32 v39, v22;
	v22 =	vmov v41  }
0x20c: {  	v30 =	vmul.f32 v9, v30;
	v32 =	vmul.f32 v42, v13;
	v13 =	vmovc v15;
	v36 =	vld [tilespmem:s0+$0x30];
	[tilespmem:s23+$0x60] =	vst v26;
	v26 =	vmov v27  }
0x20d: {  	v20 =	vmul.f32 v2, v38;
	v15 =	vmov v17;
	v27 =	vmul.f32 v2, v23;
	[tilespmem:s23+$0x50] =	vst v29;
	v17 =	vld [tilespmem:s15+$0xFFFFFF80]  }
0x20e: {  	v38 =	vmul.f32 v31, v6;
	v33 =	vmul.f32 v31, v33;
	v37 =	vadd.f32 v37, v28;
	v28 =	vpop (erf);
	[tilespmem:s24+$0xFFFFFF80] =	vst v32;
	v29 =	vld [tilespmem:s0+$0xFFFFFFA0]  }
.Ltmp4:
0x20f: {  	v31 =	vpop (erf);
	v41 =	vadd.f32 v28, v28;
	v32 =	vld [tilespmem:s17+$0xFFFFFF90];
	v43 =	vmul.f32 v16, v24;
	[tilespmem:s23+$0xFFFFFFA0] =	vst v34;
	v28 =	vmul.f32 v39, v35;
	(pc) =	sbr.rel @p1 .LBB2_7-.Ltmp4, $4  }
0x210: {  	v6 =	vmovc v5;
	v5 =	vmov v8;
	v44 =	vadd.f32 v19, v40;
	v35 =	vadd.f32 v37, v37;
	v34 =	vld [tilespmem:s20+$0x0];
	[tilespmem:s18+$0xFFFFFFB0] =	vst v30  }
0x211: {  	v45 =	vadd.f32 $1.000000000e+00, v31;
	v31 =	vpop (erf);
	v24 =	vsub.f32 $1.000000000e+00, v41;
	[tilespmem:s24+$0x10] =	vst v43;
	v40 =	vmul.f32 v22, v36;
	v30 =	vld [tilespmem:s16+$0xFFFFFFB0];
	s16 =	smov.u32 s0;
	s0 =	smov.u32 s17;
	s17 =	smov.u32 s20  }
0x212: {  	s20 =	smov.u32 s13;
	s13 =	smov.u32 s15;
	v37 =	vadd.f32 v44, v44;
	v39 =	vmul.f32 $1.442695020e+00, v35;
	v35 =	vadd.f32 $1.000000000e+00, v31;
	v19 =	vpop (erf);
	v36 =	vld [tilespmem:s0+$0x20];
	[tilespmem:s10+$0xFFFFFFC0] =	vst v38  }
0x213: {  	s28 =	sadd.s32 $0x20, s28;
	v8 =	vmovc v10;
	v10 =	vmovc v42;
	(erf) = vrcp.f32 v45;
	v38 =	vadd.f32 v19, v19;
	v19 =	vbroadcast v24, $0x0;
	[tilespmem:s12+$0x30] =	vst v40;
	v31 =	vld [tilespmem:s1+$0xFFFFFFF0];
	s1 =	smov.u32 s3;
	s3 =	sadd.s32 $0x20, s3  }
0x214: {  	(erf) = vpow2.f32 v39;
	_ =	sdelay $0x2  }
0x215: {  	[tilespmem:s10+$0xFFFFFFD0] =	vst v33  }
0x216: {  	[tilespmem:s23+$0x40] =	vst v28  }
0x217: {  	v37 =	vmul.f32 $1.442695020e+00, v37;
	v32 =	vmul.f32 v10, v32;
	[tilespmem:s18+$0xFFFFFFE0] =	vst v25  }
0x218: {  	v56 =	vld [tilespmem:s3+$0x0];
	v58 =	vbroadcast v23, $0x1;
	[tilespmem:s12+$0x60] =	vst v26;
	v57 =	vmul.f32 v19, v34  }
0x219: {  	s10 =	sadd.s32 $0x100, s24;
	v29 =	vmul.f32 v7, v29;
	[tilespmem:s31+$0xFFFFFF90] =	vst v32  }
0x21a: {  	(erf) = vpow2.f32 v37;
	[tilespmem:s10+$0x0] =	vst v57;
	v59 =	vmul.f32 v58, v36;
	v60 =	vpop (erf)  }
0x21b: {  	v28 =	vsub.f32 $1.000000000e+00, v38;
	[tilespmem:s12+$0xFFFFFFA0] =	vst v29;
	(erf) = vrcp.f32 v35;
	v35 =	vmul.f32 v11, v30;
	v33 =	vld [tilespmem:s17+$0x10];
	v62 =	vpop (erf)  }
0x21c: {  	v6 =	vmul.f32 v31, v6;
	[tilespmem:s31+$0x20] =	vst v59;
	v63 =	vadd.f32 $1.000000000e+00, v62  }
0x21d: {  	v23 =	vbroadcast v28, $0x0;
	v9 =	vmul.f32 v31, v9;
	[tilespmem:s23+$0xFFFFFFB0] =	vst v35  }
0x21e: {  	v61 =	vld [tilespmem:s0+$0x30];
	[tilespmem:s18+$0xFFFFFFC0] =	vst v6;
	(erf) = vrcp.f32 v63  }
0x21f: {  	v45 =	vld [tilespmem:s0+$0xFFFFFFA0];
	v13 =	vmul.f32 v23, v13;
	[tilespmem:s18+$0xFFFFFFD0] =	vst v9  }
0x220: {  	v47 =	vld [tilespmem:s1+$0xFFFFFFF0];
	[tilespmem:s23+$0xFFFFFFE0] =	vst v21;
	v37 =	vmul.f32 v19, v33  }
0x221: {  	v22 =	vmul.f32 v56, v22;
	[tilespmem:s10+$0xFFFFFF80] =	vst v13  }
0x222: {  	v6 =	vmul.f32 v56, v12;
	v40 =	vld [tilespmem:s17+$0xFFFFFF90];
	v36 =	vadd.f32 v60, v60;
	[tilespmem:s10+$0x10] =	vst v37  }
0x223: {  	[tilespmem:s12+$0x50] =	vst v22;
	v41 =	vmul.f32 v58, v61;
	v43 =	vld [tilespmem:s17+$0x20]  }
0x224: {  	[tilespmem:s12+$0x40] =	vst v6;
	v55 =	vmul.f32 v14, v45;
	v22 =	vsub.f32 $1.000000000e+00, v36;
	v42 =	vpop (erf)  }
0x225: {  	s28 =	sadd.s32 $0x20, s3;
	v46 =	vbroadcast v24, $0x1;
	v38 =	vld [tilespmem:s20+$0x0];
	v5 =	vmul.f32 v47, v5;
	v44 =	vpop (erf);
	v6 =	vadd.f32 $1.000000000e+00, v42;
	[tilespmem:s31+$0x30] =	vst v41  }
0x226: {  	v27 =	vadd.f32 v4, v27;
	[tilespmem:s31+$0xFFFFFFA0] =	vst v55;
	v13 =	vbroadcast v22, $0x0;
	v12 =	vadd.f32 v44, v44;
	v25 =	vld [tilespmem:s28+$0x0]  }
0x227: {  	v48 =	vmul.f32 v23, v40;
	[tilespmem:s23+$0xFFFFFFC0] =	vst v5;
	(erf) = vrcp.f32 v6;
	v52 =	vpop (erf)  }
0x228: {  	v51 =	vld [tilespmem:s16+$0xFFFFFFB0];
	[tilespmem:s31+$0x60] =	vst v27;
	v9 =	vsub.f32 $1.000000000e+00, v12;
	v49 =	vmul.f32 v46, v43;
	v12 =	vadd.f32 v52, v52  }
0x229: {  	v54 =	vld [tilespmem:s13+$0x0];
	v5 =	vmul.f32 v47, v11;
	[tilespmem:s10+$0xFFFFFF90] =	vst v48  }
0x22a: {  	v29 =	vmul.f32 v13, v38;
	v6 =	vbroadcast v9, $0x0;
	[tilespmem:s10+$0x20] =	vst v49;
	v12 =	vsub.f32 $1.000000000e+00, v12  }
0x22b: {  	s15 =	sadd.s32 $0x100, s10;
	[tilespmem:s23+$0xFFFFFFD0] =	vst v5;
	v53 =	vmul.f32 v25, v58;
	v56 =	vld [tilespmem:s17+$0x30]  }
0x22c: {  	[tilespmem:s15+$0x0] =	vst v29;
	v15 =	vmul.f32 v6, v15;
	v26 =	vbroadcast v12, $0x0  }
0x22d: {  	v50 =	vld [tilespmem:s20+$0x10];
	v58 =	vmul.f32 v7, v51;
	[tilespmem:s31+$0x50] =	vst v53  }
0x22e: {  	v38 =	vld [tilespmem:s0+$0xFFFFFFB0];
	[tilespmem:s15+$0xFFFFFF80] =	vst v15;
	v59 =	vmul.f32 v26, v54  }
0x22f: {  	s18 =	sadd.s32 $0x100, s15;
	v16 =	vmul.f32 v25, v16;
	[tilespmem:s12+$0xFFFFFFB0] =	vst v58  }
0x230: {  	v60 =	vld [tilespmem:s20+$0xFFFFFF90];
	v62 =	vpop (erf);
	v61 =	vmul.f32 v46, v56;
	[tilespmem:s18+$0x0] =	vst v59  }
0x231: {  	[tilespmem:s31+$0x40] =	vst v16;
	v11 =	vadd.f32 v62, v62;
	v34 =	vld [tilespmem:s13+$0x10]  }
0x232: {  	s22 =	sadd.s32 $0x20, s28;
	v5 =	vmul.f32 v2, v24;
	v35 =	vld [tilespmem:s3+$0xFFFFFFF0];
	v57 =	vmul.f32 v13, v50;
	[tilespmem:s10+$0x30] =	vst v61  }
0x233: {  	[tilespmem:s12+$0xFFFFFFE0] =	vst v18;
	v18 =	vmul.f32 v14, v38;
	v11 =	vsub.f32 $1.000000000e+00, v11;
	v36 =	vld [tilespmem:s22+$0x0]  }
0x234: {  	v37 =	vld [tilespmem:s17+$0xFFFFFFA0];
	v5 =	vadd.f32 v4, v5;
	[tilespmem:s15+$0x10] =	vst v57  }
0x235: {  	[tilespmem:s31+$0xFFFFFFB0] =	vst v18;
	v15 =	vld [tilespmem:s20+$0x20];
	v27 =	vmul.f32 v6, v60;
	v39 =	vbroadcast v11, $0x0  }
0x236: {  	[tilespmem:s10+$0x60] =	vst v5;
	v25 =	vmul.f32 v26, v34  }
0x237: {  	v40 =	vbroadcast v28, $0x1;
	[tilespmem:s15+$0xFFFFFF90] =	vst v27;
	v17 =	vmul.f32 v39, v17  }
0x238: {  	v63 =	vbroadcast v22, $0x1;
	v48 =	vld [tilespmem:s28+$0xFFFFFFF0];
	v5 =	vmul.f32 v36, v46;
	[tilespmem:s18+$0x10] =	vst v25  }
0x239: {  	v16 =	vmul.f32 v40, v37;
	[tilespmem:s18+$0xFFFFFF80] =	vst v17;
	v41 =	vld [tilespmem:s13+$0x20]  }
0x23a: {  	v15 =	vmul.f32 v63, v15;
	[tilespmem:s10+$0x50] =	vst v5;
	v5 =	vld [tilespmem:s13+$0xFFFFFF90]  }
0x23b: {  	v49 =	vadd.f32 v4, v20;
	[tilespmem:s10+$0xFFFFFFA0] =	vst v16;
	v43 =	vld [tilespmem:s20+$0xFFFFFFA0]  }
0x23c: {  	v42 =	vbroadcast v12, $0x1;
	v8 =	vmul.f32 v35, v8;
	[tilespmem:s15+$0x20] =	vst v15;
	v46 =	vld [tilespmem:s17+$0xFFFFFFB0]  }
0x23d: {  	[tilespmem:s31+$0xFFFFFFE0] =	vst v49;
	v7 =	vmul.f32 v35, v7;
	v15 =	vld [tilespmem:s20+$0x30]  }
0x23e: {  	v50 =	vbroadcast v9, $0x1;
	[tilespmem:s12+$0xFFFFFFC0] =	vst v8;
	v45 =	vmul.f32 v42, v41  }
0x23f: {  	[tilespmem:s12+$0xFFFFFFD0] =	vst v7;
	v5 =	vmul.f32 v39, v5  }
0x240: {  	v18 =	vmul.f32 v50, v43;
	[tilespmem:s18+$0x20] =	vst v45  }
0x241: {  	v7 =	vmul.f32 v2, v22;
	v17 =	vmul.f32 v40, v46;
	[tilespmem:s18+$0xFFFFFF90] =	vst v5;
	v5 =	vld [tilespmem:s13+$0x30]  }
0x242: {  	[tilespmem:s15+$0xFFFFFFA0] =	vst v18;
	v15 =	vmul.f32 v63, v15;
	v51 =	vld [tilespmem:s13+$0xFFFFFFA0]  }
0x243: {  	v7 =	vadd.f32 v4, v7;
	v53 =	vld [tilespmem:s20+$0xFFFFFFB0];
	[tilespmem:s10+$0xFFFFFFB0] =	vst v17  }
0x244: {  	s25 =	sadd.s32 $0x20, s22;
	v55 =	vmul.f32 v48, v10;
	[tilespmem:s15+$0x30] =	vst v15;
	v59 =	vld [tilespmem:s22+$0xFFFFFFF0]  }
0x245: {  	v56 =	vmul.f32 v48, v14;
	v44 =	vld [tilespmem:s25+$0x0];
	[tilespmem:s15+$0x60] =	vst v7;
	v7 =	vbroadcast v11, $0x1  }
0x246: {  	[tilespmem:s31+$0xFFFFFFC0] =	vst v55;
	v5 =	vmul.f32 v42, v5  }
0x247: {  	[tilespmem:s31+$0xFFFFFFD0] =	vst v56;
	v54 =	vmul.f32 v7, v51  }
0x248: {  	s26 =	sadd.s32 $0x20, s25;
	v47 =	vmul.f32 v36, v19;
	[tilespmem:s18+$0x30] =	vst v5  }
0x249: {  	v60 =	vmul.f32 v50, v53;
	[tilespmem:s18+$0xFFFFFFA0] =	vst v54;
	v57 =	vld [tilespmem:s26+$0x0]  }
0x24a: {  	[tilespmem:s10+$0x40] =	vst v47;
	v61 =	vmul.f32 v59, v40;
	v58 =	vld [tilespmem:s13+$0xFFFFFFB0];
	v5 =	vmul.f32 v2, v28  }
0x24b: {  	[tilespmem:s15+$0xFFFFFFB0] =	vst v60;
	v8 =	vmul.f32 v44, v13  }
0x24c: {  	[tilespmem:s10+$0xFFFFFFD0] =	vst v61;
	v5 =	vadd.f32 v4, v5  }
0x24d: {  	v52 =	vmul.f32 v44, v63;
	[tilespmem:s15+$0x40] =	vst v8  }
0x24e: {  	v8 =	vld [tilespmem:s25+$0xFFFFFFF0];
	[tilespmem:s10+$0xFFFFFFE0] =	vst v5;
	v5 =	vmul.f32 v57, v42  }
0x24f: {  	v9 =	vmul.f32 v2, v9;
	[tilespmem:s15+$0x50] =	vst v52;
	v10 =	vmul.f32 v7, v58  }
0x250: {  	v12 =	vmul.f32 v2, v12;
	[tilespmem:s18+$0x50] =	vst v5;
	v5 =	vmul.f32 v59, v23  }
0x251: {  	v9 =	vadd.f32 v4, v9;
	[tilespmem:s18+$0xFFFFFFB0] =	vst v10  }
0x252: {  	v12 =	vadd.f32 v4, v12;
	[tilespmem:s10+$0xFFFFFFC0] =	vst v5;
	v5 =	vld [tilespmem:s26+$0xFFFFFFF0]  }
0x253: {  	[tilespmem:s15+$0xFFFFFFE0] =	vst v9;
	v6 =	vmul.f32 v8, v6  }
0x254: {  	v11 =	vmul.f32 v2, v11;
	v8 =	vmul.f32 v8, v50;
	[tilespmem:s18+$0x60] =	vst v12  }
0x255: {  	[tilespmem:s15+$0xFFFFFFC0] =	vst v6;
	v62 =	vmul.f32 v57, v26  }
0x256: {  	v63 =	vadd.f32 v4, v11;
	[tilespmem:s15+$0xFFFFFFD0] =	vst v8  }
0x257: {  	[tilespmem:s18+$0x40] =	vst v62;
	v6 =	vmul.f32 v5, v39  }
0x258: {  	[tilespmem:s18+$0xFFFFFFE0] =	vst v63;
	v5 =	vmul.f32 v5, v7  }
0x259: {  	[tilespmem:s18+$0xFFFFFFC0] =	vst v6  }
0x25a: {  	[tilespmem:s18+$0xFFFFFFD0] =	vst v5  }
0x25b: {  	v5 =	vld [tilespmem:$0x5B40]  }
0x25c: {  	v6 =	vld [tilespmem:$0x5B50]  }
0x25d: {  	v7 =	vld [tilespmem:$0x5B60]  }
0x25e: {  	v8 =	vld [tilespmem:$0x5B70]  }
0x25f: {  	v9 =	vld [tilespmem:$0x5B80]  }
0x260: {  	[tilespmem:$0xB590] =	vst v5  }
.Ltmp5:
0x261: {  	[tilespmem:$0xB5A0] =	vst v6;
	(pc) =	sbr.rel @p0 .LBB2_10-.Ltmp5, $4  }
0x262: {  	[tilespmem:$0xB5B0] =	vst v7  }
0x263: {  	[tilespmem:$0xB5C0] =	vst v8  }
0x264: {  	s28 =	simm.s32 $0xB590;
	s31 =	simm.s32 $0x8D90;
	s22 =	smov.u32 s4;
	[tilespmem:$0xB5D0] =	vst v9  }
0x265: {  	[spmem:s4] =	stream.indirect.scatter.add.f32 [tilespmem:s31], [sflag:$0x6], $0x80, s28, s2, $0xb8;
	[tilespmem:$0x1F5E0] =	vst v63  }
0x266: {  	s0 =	sadd.s32 $0x3, s30  }
0x267: {  	s1 =	smul.u32 $0x50, s0;
	_ =	sdelay $0x1  }
0x268: {  	s0 =	smul.u32 $0xA, s0;
	s1 =	sadd.s32 s11, s1  }
0x269: {  	s4 =	simm.s32 $0x0;
	s12 =	simm.s32 $0x5AF0;
	s3 =	sshrl.u32 s1, $0x3  }
0x26a: {  	s26 =	rddreg [dreg:$0x1];
	s0 =	sadd.s32 s29, s0;
	s10 =	sadd.s32 s6, s3  }
0x26b: {  	[tilespmem:s12], [sflag:$0x4] =	stream.linear.gather [hbm4b:s10+s4], $0x50, $0x38;
	[tilespmem:$0x1F5E0] =	vst v63  }
0x26c: {  	s28 =	simm.s32 $0x5B40;
	s0 =	sshll.u32 s0, $0x7;
	s3 =	sadd.s32 s26, s3  }
0x26d: {  	[tilespmem:s28], [sflag:$0x4] =	stream.linear.gather [hbm4b:s3+s4], $0x50, $0x38;
	[tilespmem:$0x1F5E0] =	vst v63  }
.Ltmp6:
0x26e: {  	s1 =	sshll.u32 s1, $0x1;
	s0 =	sadd.s32 s14, s0;
	(pc) =	sbr.rel .LBB2_4-.Ltmp6, $4  }
0x26f: {  	s30 =	simm.s32 $0x5B90;
	s1 =	sadd.s32 s7, s1;
	s0 =	sshrl.u32 s0, $0x3  }
0x270: {  	[tilespmem:s30], [sflag:$0x4] =	stream.linear.gather [hbm4b:s1+s4], $0x500, $0x38;
	[tilespmem:$0x1F5E0] =	vst v63  }
0x271: {  	s31 =	simm.s32 $0x6090;
	s9 =	sadd.s32 $0x1, s9;
	s0 =	sadd.s32 s8, s0  }
0x272: {  	[tilespmem:s31], [sflag:$0x4] =	stream.linear.gather [hbm4b:s0+s4], $0x500, $0x38;
	[tilespmem:$0x1F5E0] =	vst v63  }
.LBB2_11:
0x273: {  	_ =	sfence.sel $0x180000  }
0x274: {  	[bflag:$0x0] =	sbarrier.arrive $0xFFFF  }
0x275: {  	_ =	strace $0x90000047  }
0x276: {  	s0 =	stileid.u32;
	[bflag:$0x2] =	sbarrier.arrive $0xFFFF  }
0x277: {  	p0 =	sne.s32 s0, $0x0;
	s0 =	rddreg [dreg:$0x3]  }
0x278: {  	s0 =	sadd.s32 @!p0 $0x100000, s0  }
0x279: {  	[sflag:s0] =	ssyncadd.tile.s32 @!p0 $0x1;
	_ =	shalt  }
.Lfunc_end2:
_tile_overlayer_lowered:
.L_overlay_start_2:
0x27a: {  	(tag) =	ssettag $0x2  }
0x27b: {  	s0 =	rddreg [dreg:$0x0];
	s2 =	stileid.u32  }
0x27c: {  	s1 =	rddreg [dreg:$0x1];
	p0 =	sne.s32 s2, $0x0  }
0x27d: {  	s3 =	rddreg [dreg:$0x2];
	[bflag:$0x3] =	sbarrier.arrive $0xFFFF;
	s2 =	simm.s32 @!p0 $0x1C07  }
0x27e: {  	[timem:s3], [sflag:s2] =	dma.local @!p0 [hbm:s0], s1  }
0x27f: {  	s0 =	simm.s32 @!p0 $0x7  }
0x280: {  	_ =	swait.ge @!p0 [sflag:s0], s1  }
0x281: {  	s1 =	ssub.s32 @!p0 $0x0, s1;
	[sflag:s0] =	ssyncset.done @!p0 $0x0  }
0x282: {  	[sflag:s0] =	ssyncadd.s32 @!p0 s1  }
0x283: {  	[bflag:$0x3] =	sbarrier.arrive $0xFFFF  }
0x284: {  	_ =	shalt  }

</sc_bundles>
